<compile_context>
chip_gen: v7x
topology: tpu7x:2x2x1
jax: 0.10.2.dev20260603
libtpu: 0.0.44.dev20260713+nightly
codegen_flags: <defaults>
</compile_context>

<pallas_src>
import functools

import jax
import jax.numpy as jnp
from jax import lax
from jax.experimental import pallas as pl
from jax.experimental.pallas import tpu as pltpu
from jax.experimental.pallas import tpu_sc as plsc

B = 256
D = 150528
NW = 32
FPW = D // NW
CF = 112
K = FPW // CF
NBUF = 2
NL = B // 16


def _mixup_sc(x_hbm, idx_hbm, lam_hbm, out_hbm,
              pv, lamv, i0, i1, o0, o1,
              isem0, isem1, osem0, osem1):
    nc = plsc.get_sparse_core_info().num_cores
    wid = lax.axis_index("s") * nc + lax.axis_index("c")
    fbase = wid * FPW

    ibufs = (i0, i1)
    obufs = (o0, o1)
    isems = (isem0, isem1)
    osems = (osem0, osem1)

    pltpu.sync_copy(idx_hbm, pv)
    pltpu.sync_copy(lam_hbm, lamv)
    lam = lamv[...]
    one_minus_lam = 1.0 - lam
    pidx = [pv[pl.ds(l * 16, 16)] for l in range(NL)]

    def in_copy(c, slot):
        return pltpu.make_async_copy(
            x_hbm.at[pl.ds(fbase + c * CF, CF)], ibufs[slot], isems[slot])

    def out_copy(c, slot):
        return pltpu.make_async_copy(
            obufs[slot], out_hbm.at[pl.ds(fbase + c * CF, CF)], osems[slot])

    for b in range(NBUF):
        in_copy(b, b).start()

    def step(j, carry):
        for b in range(NBUF):
            c = j * NBUF + b
            in_copy(c, b).wait()

            @pl.when(c >= NBUF)
            def _drain(c=c, b=b):
                out_copy(c - NBUF, b).wait()

            ibuf, obuf = ibufs[b], obufs[b]

            @plsc.parallel_loop(0, CF, step=1, unroll=4)
            def _combine(f, ibuf=ibuf, obuf=obuf):
                row = jnp.broadcast_to(f, (16,))
                for l in range(NL):
                    sl = pl.ds(l * 16, 16)
                    gathered = plsc.load_gather(ibuf, [row, pidx[l]])
                    obuf[f, sl] = lam * ibuf[f, sl] + one_minus_lam * gathered

            out_copy(c, b).start()

            @pl.when(c + NBUF < K)
            def _prefetch(c=c, b=b):
                in_copy(c + NBUF, b).start()
        return carry

    lax.fori_loop(0, K // NBUF, step, 0)

    for c in range(K - K % NBUF, K):
        b = c % NBUF
        in_copy(c, b).wait()
        out_copy(c - NBUF, b).wait()
        ibuf, obuf = ibufs[b], obufs[b]

        @plsc.parallel_loop(0, CF, step=1, unroll=4)
        def _combine_tail(f, ibuf=ibuf, obuf=obuf):
            row = jnp.broadcast_to(f, (16,))
            for l in range(NL):
                sl = pl.ds(l * 16, 16)
                gathered = plsc.load_gather(ibuf, [row, pidx[l]])
                obuf[f, sl] = lam * ibuf[f, sl] + one_minus_lam * gathered

        out_copy(c, b).start()

    for b in range(NBUF):
        out_copy(b, b).wait()


def kernel(inputs, index, lam):
    xt = jnp.reshape(inputs, (B, D)).T
    idx32 = index.astype(jnp.int32)
    lam16 = jnp.full((16,), lam, jnp.float32)

    run = functools.partial(
        pl.kernel,
        out_type=jax.ShapeDtypeStruct((D, B), jnp.float32),
        mesh=plsc.VectorSubcoreMesh(core_axis_name="c", subcore_axis_name="s"),
        compiler_params=pltpu.CompilerParams(needs_layout_passes=False),
        scratch_types=[
            pltpu.VMEM((B,), jnp.int32),
            pltpu.VMEM((16,), jnp.float32),
            pltpu.VMEM((CF, B), jnp.float32),
            pltpu.VMEM((CF, B), jnp.float32),
            pltpu.VMEM((CF, B), jnp.float32),
            pltpu.VMEM((CF, B), jnp.float32),
            pltpu.SemaphoreType.DMA,
            pltpu.SemaphoreType.DMA,
            pltpu.SemaphoreType.DMA,
            pltpu.SemaphoreType.DMA,
        ],
    )(_mixup_sc)
    out_t = run(xt, idx32, lam16)
    return jnp.reshape(out_t.T, inputs.shape)

# --- scband reference (transcript-rebuilt; emitter-appended) ---
"""Pipeline reference for scband-mixup-30159260352991 (READ-ONLY COPY).

The authoritative reference and input builder live on the scoring server;
editing this copy changes nothing except your own understanding.
"""

import jax, jax.numpy as jnp
import numpy as np


def setup_inputs(seed: int = 0) -> dict:
    key = jax.random.key(seed)
    k1, k2 = jax.random.split(key)
    batch = 256
    inputs = jax.random.normal(k1, (batch, 3, 224, 224), dtype=jnp.float32)
    # mixup coefficient: lam ~ Beta(alpha, alpha), alpha=1.0; fixed seed for determinism
    rng = np.random.default_rng(0)
    lam = float(rng.beta(1.0, 1.0))
    # random permutation of the batch (int index, constant w.r.t. differentiation)
    index = jax.random.permutation(k2, batch)
    return {"inputs": inputs, "index": index.astype(jnp.int64), "lam": lam}


def reference(inputs, index, lam):
    # mixed = lam * x + (1 - lam) * x[perm]
    mixed = lam * inputs + (1.0 - lam) * jnp.take(inputs, index, axis=0)
    return mixed

if __name__ == "__main__":
    import jax
    _d = setup_inputs()
    print(jax.jit(kernel)(*tuple(_d.values())))

</pallas_src>

<mosaic_0001>
#map = affine_map<(d0, d1) -> (0, 0)>
#map1 = affine_map<(d0, d1) -> (0)>
module attributes {stable_mosaic.version = 14 : i64} {
  func.func @_mixup_sc(%arg0: i32, %arg1: i32, %arg2: memref<150528x256xf32, #tpu.memory_space<hbm>>, %arg3: memref<256xi32, #tpu.memory_space<hbm>>, %arg4: memref<16xf32, #tpu.memory_space<hbm>>, %arg5: memref<150528x256xf32, #tpu.memory_space<hbm>>, %arg6: memref<256xi32, #tpu.memory_space<vmem>>, %arg7: memref<16xf32, #tpu.memory_space<vmem>>, %arg8: memref<112x256xf32, #tpu.memory_space<vmem>>, %arg9: memref<112x256xf32, #tpu.memory_space<vmem>>, %arg10: memref<112x256xf32, #tpu.memory_space<vmem>>, %arg11: memref<112x256xf32, #tpu.memory_space<vmem>>, %arg12: memref<!tpu.dma_semaphore, #tpu.memory_space<semaphore_mem>>, %arg13: memref<!tpu.dma_semaphore, #tpu.memory_space<semaphore_mem>>, %arg14: memref<!tpu.dma_semaphore, #tpu.memory_space<semaphore_mem>>, %arg15: memref<!tpu.dma_semaphore, #tpu.memory_space<semaphore_mem>>) attributes {dimension_semantics = [#tpu.dimension_semantics<core_parallel>, #tpu.dimension_semantics<subcore_parallel>], iteration_bounds = array<i64: 2, 16>, scalar_prefetch = 0 : i64, scratch_operands = 10 : i64, tpu.core_type = #tpu.core_type<sc_vector_subcore>, window_params = [{transform_indices = #map}, {transform_indices = #map1}, {transform_indices = #map1}, {transform_indices = #map}]} {
    %mul3A = arith.constant 2 : i32
    %mul3A_0 = arith.muli %arg1, %mul3A : i32
    %add3A = arith.addi %mul3A_0, %arg0 : i32
    %mul3A_1 = arith.constant 4704 : i32
    %mul3A_2 = arith.muli %add3A, %mul3A_1 : i32
    "tpu.region"() ({
      %run_scoped3A = tpu.sem_alloc : memref<!tpu.dma_semaphore, #tpu.memory_space<semaphore_mem>>
      tpu.enqueue_dma source(%arg3 : memref<256xi32, #tpu.memory_space<hbm>>) target(%arg6 : memref<256xi32, #tpu.memory_space<vmem>>) target_semaphore(%run_scoped3A : memref<!tpu.dma_semaphore, #tpu.memory_space<semaphore_mem>>)
      tpu.wait_dma2 semaphore(%run_scoped3A : memref<!tpu.dma_semaphore, #tpu.memory_space<semaphore_mem>>) src(%arg3 : memref<256xi32, #tpu.memory_space<hbm>>) dst(%arg6 : memref<256xi32, #tpu.memory_space<vmem>>)
      tpu.yield
    }) : () -> ()
    "tpu.region"() ({
      %run_scoped3A = tpu.sem_alloc : memref<!tpu.dma_semaphore, #tpu.memory_space<semaphore_mem>>
      tpu.enqueue_dma source(%arg4 : memref<16xf32, #tpu.memory_space<hbm>>) target(%arg7 : memref<16xf32, #tpu.memory_space<vmem>>) target_semaphore(%run_scoped3A : memref<!tpu.dma_semaphore, #tpu.memory_space<semaphore_mem>>)
      tpu.wait_dma2 semaphore(%run_scoped3A : memref<!tpu.dma_semaphore, #tpu.memory_space<semaphore_mem>>) src(%arg4 : memref<16xf32, #tpu.memory_space<hbm>>) dst(%arg7 : memref<16xf32, #tpu.memory_space<vmem>>)
      tpu.yield
    }) : () -> ()
    %get3A = arith.constant 0 : index
    %get3A_3 = tpu.vector_load %arg7[%get3A] {strides = array<i32>} : memref<16xf32, #tpu.memory_space<vmem>>, vector<16xf32>,
    %sub3A = arith.constant 1.000000e+00 : f32
    %sub3A_4 = vector.broadcast %sub3A : f32 to vector<16xf32>
    %sub3A_5 = arith.subf %sub3A_4, %get3A_3 : vector<16xf32>
    %get3A_6 = arith.constant 0 : index
    %get3A_7 = tpu.vector_load %arg6[%get3A_6] {strides = array<i32>} : memref<256xi32, #tpu.memory_space<vmem>>, vector<16xi32>,
    %get3A_8 = arith.constant 16 : index
    %get3A_9 = tpu.vector_load %arg6[%get3A_8] {strides = array<i32>} : memref<256xi32, #tpu.memory_space<vmem>>, vector<16xi32>,
    %get3A_10 = arith.constant 32 : index
    %get3A_11 = tpu.vector_load %arg6[%get3A_10] {strides = array<i32>} : memref<256xi32, #tpu.memory_space<vmem>>, vector<16xi32>,
    %get3A_12 = arith.constant 48 : index
    %get3A_13 = tpu.vector_load %arg6[%get3A_12] {strides = array<i32>} : memref<256xi32, #tpu.memory_space<vmem>>, vector<16xi32>,
    %get3A_14 = arith.constant 64 : index
    %get3A_15 = tpu.vector_load %arg6[%get3A_14] {strides = array<i32>} : memref<256xi32, #tpu.memory_space<vmem>>, vector<16xi32>,
    %get3A_16 = arith.constant 80 : index
    %get3A_17 = tpu.vector_load %arg6[%get3A_16] {strides = array<i32>} : memref<256xi32, #tpu.memory_space<vmem>>, vector<16xi32>,
    %get3A_18 = arith.constant 96 : index
    %get3A_19 = tpu.vector_load %arg6[%get3A_18] {strides = array<i32>} : memref<256xi32, #tpu.memory_space<vmem>>, vector<16xi32>,
    %get3A_20 = arith.constant 112 : index
    %get3A_21 = tpu.vector_load %arg6[%get3A_20] {strides = array<i32>} : memref<256xi32, #tpu.memory_space<vmem>>, vector<16xi32>,
    %get3A_22 = arith.constant 128 : index
    %get3A_23 = tpu.vector_load %arg6[%get3A_22] {strides = array<i32>} : memref<256xi32, #tpu.memory_space<vmem>>, vector<16xi32>,
    %get3A_24 = arith.constant 144 : index
    %get3A_25 = tpu.vector_load %arg6[%get3A_24] {strides = array<i32>} : memref<256xi32, #tpu.memory_space<vmem>>, vector<16xi32>,
    %get3A_26 = arith.constant 160 : index
    %get3A_27 = tpu.vector_load %arg6[%get3A_26] {strides = array<i32>} : memref<256xi32, #tpu.memory_space<vmem>>, vector<16xi32>,
    %get3A_28 = arith.constant 176 : index
    %get3A_29 = tpu.vector_load %arg6[%get3A_28] {strides = array<i32>} : memref<256xi32, #tpu.memory_space<vmem>>, vector<16xi32>,
    %get3A_30 = arith.constant 192 : index
    %get3A_31 = tpu.vector_load %arg6[%get3A_30] {strides = array<i32>} : memref<256xi32, #tpu.memory_space<vmem>>, vector<16xi32>,
    %get3A_32 = arith.constant 208 : index
    %get3A_33 = tpu.vector_load %arg6[%get3A_32] {strides = array<i32>} : memref<256xi32, #tpu.memory_space<vmem>>, vector<16xi32>,
    %get3A_34 = arith.constant 224 : index
    %get3A_35 = tpu.vector_load %arg6[%get3A_34] {strides = array<i32>} : memref<256xi32, #tpu.memory_space<vmem>>, vector<16xi32>,
    %get3A_36 = arith.constant 240 : index
    %get3A_37 = tpu.vector_load %arg6[%get3A_36] {strides = array<i32>} : memref<256xi32, #tpu.memory_space<vmem>>, vector<16xi32>,
    %add3A_38 = arith.constant 0 : i32
    %add3A_39 = arith.addi %mul3A_2, %add3A_38 : i32
    %dma_start3A = arith.constant 0 : i32
    %dma_start3A_40 = tpu.memref_slice %arg2[%add3A_39, %dma_start3A] : memref<150528x256xf32, #tpu.memory_space<hbm>> -> memref<112x256xf32, #tpu.memory_space<hbm>>
    %dma_start3A_41 = arith.constant 0 : i32
    %dma_start3A_42 = tpu.memref_slice %arg2[%add3A_39, %dma_start3A_41] : memref<150528x256xf32, #tpu.memory_space<hbm>> -> memref<112x256xf32, #tpu.memory_space<hbm>>
    tpu.enqueue_dma source(%dma_start3A_42 : memref<112x256xf32, #tpu.memory_space<hbm>>) target(%arg8 : memref<112x256xf32, #tpu.memory_space<vmem>>) target_semaphore(%arg12 : memref<!tpu.dma_semaphore, #tpu.memory_space<semaphore_mem>>)
    %add3A_43 = arith.constant 112 : i32
    %add3A_44 = arith.addi %mul3A_2, %add3A_43 : i32
    %dma_start3A_45 = arith.constant 0 : i32
    %dma_start3A_46 = tpu.memref_slice %arg2[%add3A_44, %dma_start3A_45] : memref<150528x256xf32, #tpu.memory_space<hbm>> -> memref<112x256xf32, #tpu.memory_space<hbm>>
    %dma_start3A_47 = arith.constant 0 : i32
    %dma_start3A_48 = tpu.memref_slice %arg2[%add3A_44, %dma_start3A_47] : memref<150528x256xf32, #tpu.memory_space<hbm>> -> memref<112x256xf32, #tpu.memory_space<hbm>>
    tpu.enqueue_dma source(%dma_start3A_48 : memref<112x256xf32, #tpu.memory_space<hbm>>) target(%arg9 : memref<112x256xf32, #tpu.memory_space<vmem>>) target_semaphore(%arg13 : memref<!tpu.dma_semaphore, #tpu.memory_space<semaphore_mem>>)
    %scan3A = arith.constant 0 : i32
    %scan3A_49 = arith.constant 0 : i32
    %scan3A_50 = arith.constant 21 : i32
    %scan3A_51 = arith.addi %scan3A_49, %scan3A_50 : i32
    %scan3A_52 = arith.constant 1 : i32
    scf.for %scan3A_65 = %scan3A_49 to %scan3A_51 step %scan3A_52  : i32 {
      %mul3A_66 = arith.constant 2 : i32
      %mul3A_67 = arith.muli %scan3A_65, %mul3A_66 : i32
      %add3A_68 = arith.constant 0 : i32
      %add3A_69 = arith.addi %mul3A_67, %add3A_68 : i32
      %mul3A_70 = arith.constant 112 : i32
      %mul3A_71 = arith.muli %add3A_69, %mul3A_70 : i32
      %add3A_72 = arith.addi %mul3A_2, %mul3A_71 : i32
      %dma_wait3A_73 = arith.constant 0 : i32
      %dma_wait3A_74 = tpu.memref_slice %arg2[%add3A_72, %dma_wait3A_73] : memref<150528x256xf32, #tpu.memory_space<hbm>> -> memref<112x256xf32, #tpu.memory_space<hbm>>
      %dma_wait3A_75 = arith.constant 0 : i32
      %dma_wait3A_76 = tpu.memref_slice %arg2[%add3A_72, %dma_wait3A_75] : memref<150528x256xf32, #tpu.memory_space<hbm>> -> memref<112x256xf32, #tpu.memory_space<hbm>>
      tpu.wait_dma2 semaphore(%arg12 : memref<!tpu.dma_semaphore, #tpu.memory_space<semaphore_mem>>) src(%dma_wait3A_76 : memref<112x256xf32, #tpu.memory_space<hbm>>) dst(%arg8 : memref<112x256xf32, #tpu.memory_space<vmem>>)
      %ge3A = arith.constant 2 : i32
      %ge3A_77 = arith.cmpi sge, %add3A_69, %ge3A : i32
      %convert_element_type3A = arith.extui %ge3A_77 : i1 to i32
      %cond3A = arith.constant 0 : i32
      %cond3A_78 = arith.cmpi ne, %convert_element_type3A, %cond3A : i32
      scf.if %cond3A_78 {
        %sub3A_127 = arith.constant 2 : i32
        %sub3A_128 = arith.subi %add3A_69, %sub3A_127 : i32
        %mul3A_129 = arith.constant 112 : i32
        %mul3A_130 = arith.muli %sub3A_128, %mul3A_129 : i32
        %add3A_131 = arith.addi %mul3A_2, %mul3A_130 : i32
        %dma_wait3A_132 = arith.constant 0 : i32
        %dma_wait3A_133 = tpu.memref_slice %arg5[%add3A_131, %dma_wait3A_132] : memref<150528x256xf32, #tpu.memory_space<hbm>> -> memref<112x256xf32, #tpu.memory_space<hbm>>
        %dma_wait3A_134 = arith.constant 0 : i32
        %dma_wait3A_135 = tpu.memref_slice %arg5[%add3A_131, %dma_wait3A_134] : memref<150528x256xf32, #tpu.memory_space<hbm>> -> memref<112x256xf32, #tpu.memory_space<hbm>>
        tpu.wait_dma2 semaphore(%arg14 : memref<!tpu.dma_semaphore, #tpu.memory_space<semaphore_mem>>) src(%arg10 : memref<112x256xf32, #tpu.memory_space<vmem>>) dst(%dma_wait3A_135 : memref<112x256xf32, #tpu.memory_space<hbm>>)
      } else {
      }
      %parallel_loop3A = arith.constant 0 : i32
      %parallel_loop3A_79 = arith.constant 112 : i32
      %parallel_loop3A_80 = arith.constant 1 : i32
      scf.for %parallel_loop3A_127 = %parallel_loop3A to %parallel_loop3A_79 step %parallel_loop3A_80  : i32 {
        %parallel_loop3A_128 = vector.broadcast %parallel_loop3A_127 : i32 to vector<16xi32>
        %parallel_loop3A_129 = tpu.vector_load_idx %arg8[%parallel_loop3A_128, %get3A_7] : memref<112x256xf32, #tpu.memory_space<vmem>>[vector<16xi32>, vector<16xi32>], vector<16xf32>,
        %parallel_loop3A_130 = arith.index_cast %parallel_loop3A_127 : i32 to index
        %parallel_loop3A_131 = arith.constant 0 : index
        %parallel_loop3A_132 = tpu.vector_load %arg8[%parallel_loop3A_130, %parallel_loop3A_131] {strides = array<i32>} : memref<112x256xf32, #tpu.memory_space<vmem>>, vector<16xf32>,
        %parallel_loop3A_133 = arith.mulf %get3A_3, %parallel_loop3A_132 : vector<16xf32>
        %parallel_loop3A_134 = arith.mulf %sub3A_5, %parallel_loop3A_129 : vector<16xf32>
        %parallel_loop3A_135 = arith.addf %parallel_loop3A_133, %parallel_loop3A_134 : vector<16xf32>
        %parallel_loop3A_136 = arith.index_cast %parallel_loop3A_127 : i32 to index
        %parallel_loop3A_137 = arith.constant 0 : index
        %parallel_loop3A_138 = tpu.vector_load %arg10[%parallel_loop3A_136, %parallel_loop3A_137] {strides = array<i32>} : memref<112x256xf32, #tpu.memory_space<vmem>>, vector<16xf32>,
        tpu.vector_store %arg10[%parallel_loop3A_136, %parallel_loop3A_137], %parallel_loop3A_135 {strides = array<i32>} : memref<112x256xf32, #tpu.memory_space<vmem>>, vector<16xf32>,
        %parallel_loop3A_139 = tpu.vector_load_idx %arg8[%parallel_loop3A_128, %get3A_9] : memref<112x256xf32, #tpu.memory_space<vmem>>[vector<16xi32>, vector<16xi32>], vector<16xf32>,
        %parallel_loop3A_140 = arith.index_cast %parallel_loop3A_127 : i32 to index
        %parallel_loop3A_141 = arith.constant 16 : index
        %parallel_loop3A_142 = tpu.vector_load %arg8[%parallel_loop3A_140, %parallel_loop3A_141] {strides = array<i32>} : memref<112x256xf32, #tpu.memory_space<vmem>>, vector<16xf32>,
        %parallel_loop3A_143 = arith.mulf %get3A_3, %parallel_loop3A_142 : vector<16xf32>
        %parallel_loop3A_144 = arith.mulf %sub3A_5, %parallel_loop3A_139 : vector<16xf32>
        %parallel_loop3A_145 = arith.addf %parallel_loop3A_143, %parallel_loop3A_144 : vector<16xf32>
        %parallel_loop3A_146 = arith.index_cast %parallel_loop3A_127 : i32 to index
        %parallel_loop3A_147 = arith.constant 16 : index
        %parallel_loop3A_148 = tpu.vector_load %arg10[%parallel_loop3A_146, %parallel_loop3A_147] {strides = array<i32>} : memref<112x256xf32, #tpu.memory_space<vmem>>, vector<16xf32>,
        tpu.vector_store %arg10[%parallel_loop3A_146, %parallel_loop3A_147], %parallel_loop3A_145 {strides = array<i32>} : memref<112x256xf32, #tpu.memory_space<vmem>>, vector<16xf32>,
        %parallel_loop3A_149 = tpu.vector_load_idx %arg8[%parallel_loop3A_128, %get3A_11] : memref<112x256xf32, #tpu.memory_space<vmem>>[vector<16xi32>, vector<16xi32>], vector<16xf32>,
        %parallel_loop3A_150 = arith.index_cast %parallel_loop3A_127 : i32 to index
        %parallel_loop3A_151 = arith.constant 32 : index
        %parallel_loop3A_152 = tpu.vector_load %arg8[%parallel_loop3A_150, %parallel_loop3A_151] {strides = array<i32>} : memref<112x256xf32, #tpu.memory_space<vmem>>, vector<16xf32>,
        %parallel_loop3A_153 = arith.mulf %get3A_3, %parallel_loop3A_152 : vector<16xf32>
        %parallel_loop3A_154 = arith.mulf %sub3A_5, %parallel_loop3A_149 : vector<16xf32>
        %parallel_loop3A_155 = arith.addf %parallel_loop3A_153, %parallel_loop3A_154 : vector<16xf32>
        %parallel_loop3A_156 = arith.index_cast %parallel_loop3A_127 : i32 to index
        %parallel_loop3A_157 = arith.constant 32 : index
        %parallel_loop3A_158 = tpu.vector_load %arg10[%parallel_loop3A_156, %parallel_loop3A_157] {strides = array<i32>} : memref<112x256xf32, #tpu.memory_space<vmem>>, vector<16xf32>,
        tpu.vector_store %arg10[%parallel_loop3A_156, %parallel_loop3A_157], %parallel_loop3A_155 {strides = array<i32>} : memref<112x256xf32, #tpu.memory_space<vmem>>, vector<16xf32>,
        %parallel_loop3A_159 = tpu.vector_load_idx %arg8[%parallel_loop3A_128, %get3A_13] : memref<112x256xf32, #tpu.memory_space<vmem>>[vector<16xi32>, vector<16xi32>], vector<16xf32>,
        %parallel_loop3A_160 = arith.index_cast %parallel_loop3A_127 : i32 to index
        %parallel_loop3A_161 = arith.constant 48 : index
        %parallel_loop3A_162 = tpu.vector_load %arg8[%parallel_loop3A_160, %parallel_loop3A_161] {strides = array<i32>} : memref<112x256xf32, #tpu.memory_space<vmem>>, vector<16xf32>,
        %parallel_loop3A_163 = arith.mulf %get3A_3, %parallel_loop3A_162 : vector<16xf32>
        %parallel_loop3A_164 = arith.mulf %sub3A_5, %parallel_loop3A_159 : vector<16xf32>
        %parallel_loop3A_165 = arith.addf %parallel_loop3A_163, %parallel_loop3A_164 : vector<16xf32>
        %parallel_loop3A_166 = arith.index_cast %parallel_loop3A_127 : i32 to index
        %parallel_loop3A_167 = arith.constant 48 : index
        %parallel_loop3A_168 = tpu.vector_load %arg10[%parallel_loop3A_166, %parallel_loop3A_167] {strides = array<i32>} : memref<112x256xf32, #tpu.memory_space<vmem>>, vector<16xf32>,
        tpu.vector_store %arg10[%parallel_loop3A_166, %parallel_loop3A_167], %parallel_loop3A_165 {strides = array<i32>} : memref<112x256xf32, #tpu.memory_space<vmem>>, vector<16xf32>,
        %parallel_loop3A_169 = tpu.vector_load_idx %arg8[%parallel_loop3A_128, %get3A_15] : memref<112x256xf32, #tpu.memory_space<vmem>>[vector<16xi32>, vector<16xi32>], vector<16xf32>,
        %parallel_loop3A_170 = arith.index_cast %parallel_loop3A_127 : i32 to index
        %parallel_loop3A_171 = arith.constant 64 : index
        %parallel_loop3A_172 = tpu.vector_load %arg8[%parallel_loop3A_170, %parallel_loop3A_171] {strides = array<i32>} : memref<112x256xf32, #tpu.memory_space<vmem>>, vector<16xf32>,
        %parallel_loop3A_173 = arith.mulf %get3A_3, %parallel_loop3A_172 : vector<16xf32>
        %parallel_loop3A_174 = arith.mulf %sub3A_5, %parallel_loop3A_169 : vector<16xf32>
        %parallel_loop3A_175 = arith.addf %parallel_loop3A_173, %parallel_loop3A_174 : vector<16xf32>
        %parallel_loop3A_176 = arith.index_cast %parallel_loop3A_127 : i32 to index
        %parallel_loop3A_177 = arith.constant 64 : index
        %parallel_loop3A_178 = tpu.vector_load %arg10[%parallel_loop3A_176, %parallel_loop3A_177] {strides = array<i32>} : memref<112x256xf32, #tpu.memory_space<vmem>>, vector<16xf32>,
        tpu.vector_store %arg10[%parallel_loop3A_176, %parallel_loop3A_177], %parallel_loop3A_175 {strides = array<i32>} : memref<112x256xf32, #tpu.memory_space<vmem>>, vector<16xf32>,
        %parallel_loop3A_179 = tpu.vector_load_idx %arg8[%parallel_loop3A_128, %get3A_17] : memref<112x256xf32, #tpu.memory_space<vmem>>[vector<16xi32>, vector<16xi32>], vector<16xf32>,
        %parallel_loop3A_180 = arith.index_cast %parallel_loop3A_127 : i32 to index
        %parallel_loop3A_181 = arith.constant 80 : index
        %parallel_loop3A_182 = tpu.vector_load %arg8[%parallel_loop3A_180, %parallel_loop3A_181] {strides = array<i32>} : memref<112x256xf32, #tpu.memory_space<vmem>>, vector<16xf32>,
        %parallel_loop3A_183 = arith.mulf %get3A_3, %parallel_loop3A_182 : vector<16xf32>
        %parallel_loop3A_184 = arith.mulf %sub3A_5, %parallel_loop3A_179 : vector<16xf32>
        %parallel_loop3A_185 = arith.addf %parallel_loop3A_183, %parallel_loop3A_184 : vector<16xf32>
        %parallel_loop3A_186 = arith.index_cast %parallel_loop3A_127 : i32 to index
        %parallel_loop3A_187 = arith.constant 80 : index
        %parallel_loop3A_188 = tpu.vector_load %arg10[%parallel_loop3A_186, %parallel_loop3A_187] {strides = array<i32>} : memref<112x256xf32, #tpu.memory_space<vmem>>, vector<16xf32>,
        tpu.vector_store %arg10[%parallel_loop3A_186, %parallel_loop3A_187], %parallel_loop3A_185 {strides = array<i32>} : memref<112x256xf32, #tpu.memory_space<vmem>>, vector<16xf32>,
        %parallel_loop3A_189 = tpu.vector_load_idx %arg8[%parallel_loop3A_128, %get3A_19] : memref<112x256xf32, #tpu.memory_space<vmem>>[vector<16xi32>, vector<16xi32>], vector<16xf32>,
        %parallel_loop3A_190 = arith.index_cast %parallel_loop3A_127 : i32 to index
        %parallel_loop3A_191 = arith.constant 96 : index
        %parallel_loop3A_192 = tpu.vector_load %arg8[%parallel_loop3A_190, %parallel_loop3A_191] {strides = array<i32>} : memref<112x256xf32, #tpu.memory_space<vmem>>, vector<16xf32>,
        %parallel_loop3A_193 = arith.mulf %get3A_3, %parallel_loop3A_192 : vector<16xf32>
        %parallel_loop3A_194 = arith.mulf %sub3A_5, %parallel_loop3A_189 : vector<16xf32>
        %parallel_loop3A_195 = arith.addf %parallel_loop3A_193, %parallel_loop3A_194 : vector<16xf32>
        %parallel_loop3A_196 = arith.index_cast %parallel_loop3A_127 : i32 to index
        %parallel_loop3A_197 = arith.constant 96 : index
        %parallel_loop3A_198 = tpu.vector_load %arg10[%parallel_loop3A_196, %parallel_loop3A_197] {strides = array<i32>} : memref<112x256xf32, #tpu.memory_space<vmem>>, vector<16xf32>,
        tpu.vector_store %arg10[%parallel_loop3A_196, %parallel_loop3A_197], %parallel_loop3A_195 {strides = array<i32>} : memref<112x256xf32, #tpu.memory_space<vmem>>, vector<16xf32>,
        %parallel_loop3A_199 = tpu.vector_load_idx %arg8[%parallel_loop3A_128, %get3A_21] : memref<112x256xf32, #tpu.memory_space<vmem>>[vector<16xi32>, vector<16xi32>], vector<16xf32>,
        %parallel_loop3A_200 = arith.index_cast %parallel_loop3A_127 : i32 to index
        %parallel_loop3A_201 = arith.constant 112 : index
        %parallel_loop3A_202 = tpu.vector_load %arg8[%parallel_loop3A_200, %parallel_loop3A_201] {strides = array<i32>} : memref<112x256xf32, #tpu.memory_space<vmem>>, vector<16xf32>,
        %parallel_loop3A_203 = arith.mulf %get3A_3, %parallel_loop3A_202 : vector<16xf32>
        %parallel_loop3A_204 = arith.mulf %sub3A_5, %parallel_loop3A_199 : vector<16xf32>
        %parallel_loop3A_205 = arith.addf %parallel_loop3A_203, %parallel_loop3A_204 : vector<16xf32>
        %parallel_loop3A_206 = arith.index_cast %parallel_loop3A_127 : i32 to index
        %parallel_loop3A_207 = arith.constant 112 : index
        %parallel_loop3A_208 = tpu.vector_load %arg10[%parallel_loop3A_206, %parallel_loop3A_207] {strides = array<i32>} : memref<112x256xf32, #tpu.memory_space<vmem>>, vector<16xf32>,
        tpu.vector_store %arg10[%parallel_loop3A_206, %parallel_loop3A_207], %parallel_loop3A_205 {strides = array<i32>} : memref<112x256xf32, #tpu.memory_space<vmem>>, vector<16xf32>,
        %parallel_loop3A_209 = tpu.vector_load_idx %arg8[%parallel_loop3A_128, %get3A_23] : memref<112x256xf32, #tpu.memory_space<vmem>>[vector<16xi32>, vector<16xi32>], vector<16xf32>,
        %parallel_loop3A_210 = arith.index_cast %parallel_loop3A_127 : i32 to index
        %parallel_loop3A_211 = arith.constant 128 : index
        %parallel_loop3A_212 = tpu.vector_load %arg8[%parallel_loop3A_210, %parallel_loop3A_211] {strides = array<i32>} : memref<112x256xf32, #tpu.memory_space<vmem>>, vector<16xf32>,
        %parallel_loop3A_213 = arith.mulf %get3A_3, %parallel_loop3A_212 : vector<16xf32>
        %parallel_loop3A_214 = arith.mulf %sub3A_5, %parallel_loop3A_209 : vector<16xf32>
        %parallel_loop3A_215 = arith.addf %parallel_loop3A_213, %parallel_loop3A_214 : vector<16xf32>
        %parallel_loop3A_216 = arith.index_cast %parallel_loop3A_127 : i32 to index
        %parallel_loop3A_217 = arith.constant 128 : index
        %parallel_loop3A_218 = tpu.vector_load %arg10[%parallel_loop3A_216, %parallel_loop3A_217] {strides = array<i32>} : memref<112x256xf32, #tpu.memory_space<vmem>>, vector<16xf32>,
        tpu.vector_store %arg10[%parallel_loop3A_216, %parallel_loop3A_217], %parallel_loop3A_215 {strides = array<i32>} : memref<112x256xf32, #tpu.memory_space<vmem>>, vector<16xf32>,
        %parallel_loop3A_219 = tpu.vector_load_idx %arg8[%parallel_loop3A_128, %get3A_25] : memref<112x256xf32, #tpu.memory_space<vmem>>[vector<16xi32>, vector<16xi32>], vector<16xf32>,
        %parallel_loop3A_220 = arith.index_cast %parallel_loop3A_127 : i32 to index
        %parallel_loop3A_221 = arith.constant 144 : index
        %parallel_loop3A_222 = tpu.vector_load %arg8[%parallel_loop3A_220, %parallel_loop3A_221] {strides = array<i32>} : memref<112x256xf32, #tpu.memory_space<vmem>>, vector<16xf32>,
        %parallel_loop3A_223 = arith.mulf %get3A_3, %parallel_loop3A_222 : vector<16xf32>
        %parallel_loop3A_224 = arith.mulf %sub3A_5, %parallel_loop3A_219 : vector<16xf32>
        %parallel_loop3A_225 = arith.addf %parallel_loop3A_223, %parallel_loop3A_224 : vector<16xf32>
        %parallel_loop3A_226 = arith.index_cast %parallel_loop3A_127 : i32 to index
        %parallel_loop3A_227 = arith.constant 144 : index
        %parallel_loop3A_228 = tpu.vector_load %arg10[%parallel_loop3A_226, %parallel_loop3A_227] {strides = array<i32>} : memref<112x256xf32, #tpu.memory_space<vmem>>, vector<16xf32>,
        tpu.vector_store %arg10[%parallel_loop3A_226, %parallel_loop3A_227], %parallel_loop3A_225 {strides = array<i32>} : memref<112x256xf32, #tpu.memory_space<vmem>>, vector<16xf32>,
        %parallel_loop3A_229 = tpu.vector_load_idx %arg8[%parallel_loop3A_128, %get3A_27] : memref<112x256xf32, #tpu.memory_space<vmem>>[vector<16xi32>, vector<16xi32>], vector<16xf32>,
        %parallel_loop3A_230 = arith.index_cast %parallel_loop3A_127 : i32 to index
        %parallel_loop3A_231 = arith.constant 160 : index
        %parallel_loop3A_232 = tpu.vector_load %arg8[%parallel_loop3A_230, %parallel_loop3A_231] {strides = array<i32>} : memref<112x256xf32, #tpu.memory_space<vmem>>, vector<16xf32>,
        %parallel_loop3A_233 = arith.mulf %get3A_3, %parallel_loop3A_232 : vector<16xf32>
        %parallel_loop3A_234 = arith.mulf %sub3A_5, %parallel_loop3A_229 : vector<16xf32>
        %parallel_loop3A_235 = arith.addf %parallel_loop3A_233, %parallel_loop3A_234 : vector<16xf32>
        %parallel_loop3A_236 = arith.index_cast %parallel_loop3A_127 : i32 to index
        %parallel_loop3A_237 = arith.constant 160 : index
        %parallel_loop3A_238 = tpu.vector_load %arg10[%parallel_loop3A_236, %parallel_loop3A_237] {strides = array<i32>} : memref<112x256xf32, #tpu.memory_space<vmem>>, vector<16xf32>,
        tpu.vector_store %arg10[%parallel_loop3A_236, %parallel_loop3A_237], %parallel_loop3A_235 {strides = array<i32>} : memref<112x256xf32, #tpu.memory_space<vmem>>, vector<16xf32>,
        %parallel_loop3A_239 = tpu.vector_load_idx %arg8[%parallel_loop3A_128, %get3A_29] : memref<112x256xf32, #tpu.memory_space<vmem>>[vector<16xi32>, vector<16xi32>], vector<16xf32>,
        %parallel_loop3A_240 = arith.index_cast %parallel_loop3A_127 : i32 to index
        %parallel_loop3A_241 = arith.constant 176 : index
        %parallel_loop3A_242 = tpu.vector_load %arg8[%parallel_loop3A_240, %parallel_loop3A_241] {strides = array<i32>} : memref<112x256xf32, #tpu.memory_space<vmem>>, vector<16xf32>,
        %parallel_loop3A_243 = arith.mulf %get3A_3, %parallel_loop3A_242 : vector<16xf32>
        %parallel_loop3A_244 = arith.mulf %sub3A_5, %parallel_loop3A_239 : vector<16xf32>
        %parallel_loop3A_245 = arith.addf %parallel_loop3A_243, %parallel_loop3A_244 : vector<16xf32>
        %parallel_loop3A_246 = arith.index_cast %parallel_loop3A_127 : i32 to index
        %parallel_loop3A_247 = arith.constant 176 : index
        %parallel_loop3A_248 = tpu.vector_load %arg10[%parallel_loop3A_246, %parallel_loop3A_247] {strides = array<i32>} : memref<112x256xf32, #tpu.memory_space<vmem>>, vector<16xf32>,
        tpu.vector_store %arg10[%parallel_loop3A_246, %parallel_loop3A_247], %parallel_loop3A_245 {strides = array<i32>} : memref<112x256xf32, #tpu.memory_space<vmem>>, vector<16xf32>,
        %parallel_loop3A_249 = tpu.vector_load_idx %arg8[%parallel_loop3A_128, %get3A_31] : memref<112x256xf32, #tpu.memory_space<vmem>>[vector<16xi32>, vector<16xi32>], vector<16xf32>,
        %parallel_loop3A_250 = arith.index_cast %parallel_loop3A_127 : i32 to index
        %parallel_loop3A_251 = arith.constant 192 : index
        %parallel_loop3A_252 = tpu.vector_load %arg8[%parallel_loop3A_250, %parallel_loop3A_251] {strides = array<i32>} : memref<112x256xf32, #tpu.memory_space<vmem>>, vector<16xf32>,
        %parallel_loop3A_253 = arith.mulf %get3A_3, %parallel_loop3A_252 : vector<16xf32>
        %parallel_loop3A_254 = arith.mulf %sub3A_5, %parallel_loop3A_249 : vector<16xf32>
        %parallel_loop3A_255 = arith.addf %parallel_loop3A_253, %parallel_loop3A_254 : vector<16xf32>
        %parallel_loop3A_256 = arith.index_cast %parallel_loop3A_127 : i32 to index
        %parallel_loop3A_257 = arith.constant 192 : index
        %parallel_loop3A_258 = tpu.vector_load %arg10[%parallel_loop3A_256, %parallel_loop3A_257] {strides = array<i32>} : memref<112x256xf32, #tpu.memory_space<vmem>>, vector<16xf32>,
        tpu.vector_store %arg10[%parallel_loop3A_256, %parallel_loop3A_257], %parallel_loop3A_255 {strides = array<i32>} : memref<112x256xf32, #tpu.memory_space<vmem>>, vector<16xf32>,
        %parallel_loop3A_259 = tpu.vector_load_idx %arg8[%parallel_loop3A_128, %get3A_33] : memref<112x256xf32, #tpu.memory_space<vmem>>[vector<16xi32>, vector<16xi32>], vector<16xf32>,
        %parallel_loop3A_260 = arith.index_cast %parallel_loop3A_127 : i32 to index
        %parallel_loop3A_261 = arith.constant 208 : index
        %parallel_loop3A_262 = tpu.vector_load %arg8[%parallel_loop3A_260, %parallel_loop3A_261] {strides = array<i32>} : memref<112x256xf32, #tpu.memory_space<vmem>>, vector<16xf32>,
        %parallel_loop3A_263 = arith.mulf %get3A_3, %parallel_loop3A_262 : vector<16xf32>
        %parallel_loop3A_264 = arith.mulf %sub3A_5, %parallel_loop3A_259 : vector<16xf32>
        %parallel_loop3A_265 = arith.addf %parallel_loop3A_263, %parallel_loop3A_264 : vector<16xf32>
        %parallel_loop3A_266 = arith.index_cast %parallel_loop3A_127 : i32 to index
        %parallel_loop3A_267 = arith.constant 208 : index
        %parallel_loop3A_268 = tpu.vector_load %arg10[%parallel_loop3A_266, %parallel_loop3A_267] {strides = array<i32>} : memref<112x256xf32, #tpu.memory_space<vmem>>, vector<16xf32>,
        tpu.vector_store %arg10[%parallel_loop3A_266, %parallel_loop3A_267], %parallel_loop3A_265 {strides = array<i32>} : memref<112x256xf32, #tpu.memory_space<vmem>>, vector<16xf32>,
        %parallel_loop3A_269 = tpu.vector_load_idx %arg8[%parallel_loop3A_128, %get3A_35] : memref<112x256xf32, #tpu.memory_space<vmem>>[vector<16xi32>, vector<16xi32>], vector<16xf32>,
        %parallel_loop3A_270 = arith.index_cast %parallel_loop3A_127 : i32 to index
        %parallel_loop3A_271 = arith.constant 224 : index
        %parallel_loop3A_272 = tpu.vector_load %arg8[%parallel_loop3A_270, %parallel_loop3A_271] {strides = array<i32>} : memref<112x256xf32, #tpu.memory_space<vmem>>, vector<16xf32>,
        %parallel_loop3A_273 = arith.mulf %get3A_3, %parallel_loop3A_272 : vector<16xf32>
        %parallel_loop3A_274 = arith.mulf %sub3A_5, %parallel_loop3A_269 : vector<16xf32>
        %parallel_loop3A_275 = arith.addf %parallel_loop3A_273, %parallel_loop3A_274 : vector<16xf32>
        %parallel_loop3A_276 = arith.index_cast %parallel_loop3A_127 : i32 to index
        %parallel_loop3A_277 = arith.constant 224 : index
        %parallel_loop3A_278 = tpu.vector_load %arg10[%parallel_loop3A_276, %parallel_loop3A_277] {strides = array<i32>} : memref<112x256xf32, #tpu.memory_space<vmem>>, vector<16xf32>,
        tpu.vector_store %arg10[%parallel_loop3A_276, %parallel_loop3A_277], %parallel_loop3A_275 {strides = array<i32>} : memref<112x256xf32, #tpu.memory_space<vmem>>, vector<16xf32>,
        %parallel_loop3A_279 = tpu.vector_load_idx %arg8[%parallel_loop3A_128, %get3A_37] : memref<112x256xf32, #tpu.memory_space<vmem>>[vector<16xi32>, vector<16xi32>], vector<16xf32>,
        %parallel_loop3A_280 = arith.index_cast %parallel_loop3A_127 : i32 to index
        %parallel_loop3A_281 = arith.constant 240 : index
        %parallel_loop3A_282 = tpu.vector_load %arg8[%parallel_loop3A_280, %parallel_loop3A_281] {strides = array<i32>} : memref<112x256xf32, #tpu.memory_space<vmem>>, vector<16xf32>,
        %parallel_loop3A_283 = arith.mulf %get3A_3, %parallel_loop3A_282 : vector<16xf32>
        %parallel_loop3A_284 = arith.mulf %sub3A_5, %parallel_loop3A_279 : vector<16xf32>
        %parallel_loop3A_285 = arith.addf %parallel_loop3A_283, %parallel_loop3A_284 : vector<16xf32>
        %parallel_loop3A_286 = arith.index_cast %parallel_loop3A_127 : i32 to index
        %parallel_loop3A_287 = arith.constant 240 : index
        %parallel_loop3A_288 = tpu.vector_load %arg10[%parallel_loop3A_286, %parallel_loop3A_287] {strides = array<i32>} : memref<112x256xf32, #tpu.memory_space<vmem>>, vector<16xf32>,
        tpu.vector_store %arg10[%parallel_loop3A_286, %parallel_loop3A_287], %parallel_loop3A_285 {strides = array<i32>} : memref<112x256xf32, #tpu.memory_space<vmem>>, vector<16xf32>,
      } {sc.loop_unroll_factor = 4 : i64, sc.parallel_access}
      %mul3A_81 = arith.constant 112 : i32
      %mul3A_82 = arith.muli %add3A_69, %mul3A_81 : i32
      %add3A_83 = arith.addi %mul3A_2, %mul3A_82 : i32
      %dma_start3A_84 = arith.constant 0 : i32
      %dma_start3A_85 = tpu.memref_slice %arg5[%add3A_83, %dma_start3A_84] : memref<150528x256xf32, #tpu.memory_space<hbm>> -> memref<112x256xf32, #tpu.memory_space<hbm>>
      %dma_start3A_86 = arith.constant 0 : i32
      %dma_start3A_87 = tpu.memref_slice %arg5[%add3A_83, %dma_start3A_86] : memref<150528x256xf32, #tpu.memory_space<hbm>> -> memref<112x256xf32, #tpu.memory_space<hbm>>
      tpu.enqueue_dma source(%arg10 : memref<112x256xf32, #tpu.memory_space<vmem>>) target(%dma_start3A_87 : memref<112x256xf32, #tpu.memory_space<hbm>>) target_semaphore(%arg14 : memref<!tpu.dma_semaphore, #tpu.memory_space<semaphore_mem>>)
      %add3A_88 = arith.constant 2 : i32
      %add3A_89 = arith.addi %add3A_69, %add3A_88 : i32
      %lt3A = arith.constant 42 : i32
      %lt3A_90 = arith.cmpi slt, %add3A_89, %lt3A : i32
      %convert_element_type3A_91 = arith.extui %lt3A_90 : i1 to i32
      %cond3A_92 = arith.constant 0 : i32
      %cond3A_93 = arith.cmpi ne, %convert_element_type3A_91, %cond3A_92 : i32
      scf.if %cond3A_93 {
        %add3A_127 = arith.constant 2 : i32
        %add3A_128 = arith.addi %add3A_69, %add3A_127 : i32
        %mul3A_129 = arith.constant 112 : i32
        %mul3A_130 = arith.muli %add3A_128, %mul3A_129 : i32
        %add3A_131 = arith.addi %mul3A_2, %mul3A_130 : i32
        %dma_start3A_132 = arith.constant 0 : i32
        %dma_start3A_133 = tpu.memref_slice %arg2[%add3A_131, %dma_start3A_132] : memref<150528x256xf32, #tpu.memory_space<hbm>> -> memref<112x256xf32, #tpu.memory_space<hbm>>
        %dma_start3A_134 = arith.constant 0 : i32
        %dma_start3A_135 = tpu.memref_slice %arg2[%add3A_131, %dma_start3A_134] : memref<150528x256xf32, #tpu.memory_space<hbm>> -> memref<112x256xf32, #tpu.memory_space<hbm>>
        tpu.enqueue_dma source(%dma_start3A_135 : memref<112x256xf32, #tpu.memory_space<hbm>>) target(%arg8 : memref<112x256xf32, #tpu.memory_space<vmem>>) target_semaphore(%arg12 : memref<!tpu.dma_semaphore, #tpu.memory_space<semaphore_mem>>)
      } else {
      }
      %mul3A_94 = arith.constant 2 : i32
      %mul3A_95 = arith.muli %scan3A_65, %mul3A_94 : i32
      %add3A_96 = arith.constant 1 : i32
      %add3A_97 = arith.addi %mul3A_95, %add3A_96 : i32
      %mul3A_98 = arith.constant 112 : i32
      %mul3A_99 = arith.muli %add3A_97, %mul3A_98 : i32
      %add3A_100 = arith.addi %mul3A_2, %mul3A_99 : i32
      %dma_wait3A_101 = arith.constant 0 : i32
      %dma_wait3A_102 = tpu.memref_slice %arg2[%add3A_100, %dma_wait3A_101] : memref<150528x256xf32, #tpu.memory_space<hbm>> -> memref<112x256xf32, #tpu.memory_space<hbm>>
      %dma_wait3A_103 = arith.constant 0 : i32
      %dma_wait3A_104 = tpu.memref_slice %arg2[%add3A_100, %dma_wait3A_103] : memref<150528x256xf32, #tpu.memory_space<hbm>> -> memref<112x256xf32, #tpu.memory_space<hbm>>
      tpu.wait_dma2 semaphore(%arg13 : memref<!tpu.dma_semaphore, #tpu.memory_space<semaphore_mem>>) src(%dma_wait3A_104 : memref<112x256xf32, #tpu.memory_space<hbm>>) dst(%arg9 : memref<112x256xf32, #tpu.memory_space<vmem>>)
      %ge3A_105 = arith.constant 2 : i32
      %ge3A_106 = arith.cmpi sge, %add3A_97, %ge3A_105 : i32
      %convert_element_type3A_107 = arith.extui %ge3A_106 : i1 to i32
      %cond3A_108 = arith.constant 0 : i32
      %cond3A_109 = arith.cmpi ne, %convert_element_type3A_107, %cond3A_108 : i32
      scf.if %cond3A_109 {
        %sub3A_127 = arith.constant 2 : i32
        %sub3A_128 = arith.subi %add3A_97, %sub3A_127 : i32
        %mul3A_129 = arith.constant 112 : i32
        %mul3A_130 = arith.muli %sub3A_128, %mul3A_129 : i32
        %add3A_131 = arith.addi %mul3A_2, %mul3A_130 : i32
        %dma_wait3A_132 = arith.constant 0 : i32
        %dma_wait3A_133 = tpu.memref_slice %arg5[%add3A_131, %dma_wait3A_132] : memref<150528x256xf32, #tpu.memory_space<hbm>> -> memref<112x256xf32, #tpu.memory_space<hbm>>
        %dma_wait3A_134 = arith.constant 0 : i32
        %dma_wait3A_135 = tpu.memref_slice %arg5[%add3A_131, %dma_wait3A_134] : memref<150528x256xf32, #tpu.memory_space<hbm>> -> memref<112x256xf32, #tpu.memory_space<hbm>>
        tpu.wait_dma2 semaphore(%arg15 : memref<!tpu.dma_semaphore, #tpu.memory_space<semaphore_mem>>) src(%arg11 : memref<112x256xf32, #tpu.memory_space<vmem>>) dst(%dma_wait3A_135 : memref<112x256xf32, #tpu.memory_space<hbm>>)
      } else {
      }
      %parallel_loop3A_110 = arith.constant 0 : i32
      %parallel_loop3A_111 = arith.constant 112 : i32
      %parallel_loop3A_112 = arith.constant 1 : i32
      scf.for %parallel_loop3A_127 = %parallel_loop3A_110 to %parallel_loop3A_111 step %parallel_loop3A_112  : i32 {
        %parallel_loop3A_128 = vector.broadcast %parallel_loop3A_127 : i32 to vector<16xi32>
        %parallel_loop3A_129 = tpu.vector_load_idx %arg9[%parallel_loop3A_128, %get3A_7] : memref<112x256xf32, #tpu.memory_space<vmem>>[vector<16xi32>, vector<16xi32>], vector<16xf32>,
        %parallel_loop3A_130 = arith.index_cast %parallel_loop3A_127 : i32 to index
        %parallel_loop3A_131 = arith.constant 0 : index
        %parallel_loop3A_132 = tpu.vector_load %arg9[%parallel_loop3A_130, %parallel_loop3A_131] {strides = array<i32>} : memref<112x256xf32, #tpu.memory_space<vmem>>, vector<16xf32>,
        %parallel_loop3A_133 = arith.mulf %get3A_3, %parallel_loop3A_132 : vector<16xf32>
        %parallel_loop3A_134 = arith.mulf %sub3A_5, %parallel_loop3A_129 : vector<16xf32>
        %parallel_loop3A_135 = arith.addf %parallel_loop3A_133, %parallel_loop3A_134 : vector<16xf32>
        %parallel_loop3A_136 = arith.index_cast %parallel_loop3A_127 : i32 to index
        %parallel_loop3A_137 = arith.constant 0 : index
        %parallel_loop3A_138 = tpu.vector_load %arg11[%parallel_loop3A_136, %parallel_loop3A_137] {strides = array<i32>} : memref<112x256xf32, #tpu.memory_space<vmem>>, vector<16xf32>,
        tpu.vector_store %arg11[%parallel_loop3A_136, %parallel_loop3A_137], %parallel_loop3A_135 {strides = array<i32>} : memref<112x256xf32, #tpu.memory_space<vmem>>, vector<16xf32>,
        %parallel_loop3A_139 = tpu.vector_load_idx %arg9[%parallel_loop3A_128, %get3A_9] : memref<112x256xf32, #tpu.memory_space<vmem>>[vector<16xi32>, vector<16xi32>], vector<16xf32>,
        %parallel_loop3A_140 = arith.index_cast %parallel_loop3A_127 : i32 to index
        %parallel_loop3A_141 = arith.constant 16 : index
        %parallel_loop3A_142 = tpu.vector_load %arg9[%parallel_loop3A_140, %parallel_loop3A_141] {strides = array<i32>} : memref<112x256xf32, #tpu.memory_space<vmem>>, vector<16xf32>,
        %parallel_loop3A_143 = arith.mulf %get3A_3, %parallel_loop3A_142 : vector<16xf32>
        %parallel_loop3A_144 = arith.mulf %sub3A_5, %parallel_loop3A_139 : vector<16xf32>
        %parallel_loop3A_145 = arith.addf %parallel_loop3A_143, %parallel_loop3A_144 : vector<16xf32>
        %parallel_loop3A_146 = arith.index_cast %parallel_loop3A_127 : i32 to index
        %parallel_loop3A_147 = arith.constant 16 : index
        %parallel_loop3A_148 = tpu.vector_load %arg11[%parallel_loop3A_146, %parallel_loop3A_147] {strides = array<i32>} : memref<112x256xf32, #tpu.memory_space<vmem>>, vector<16xf32>,
        tpu.vector_store %arg11[%parallel_loop3A_146, %parallel_loop3A_147], %parallel_loop3A_145 {strides = array<i32>} : memref<112x256xf32, #tpu.memory_space<vmem>>, vector<16xf32>,
        %parallel_loop3A_149 = tpu.vector_load_idx %arg9[%parallel_loop3A_128, %get3A_11] : memref<112x256xf32, #tpu.memory_space<vmem>>[vector<16xi32>, vector<16xi32>], vector<16xf32>,
        %parallel_loop3A_150 = arith.index_cast %parallel_loop3A_127 : i32 to index
        %parallel_loop3A_151 = arith.constant 32 : index
        %parallel_loop3A_152 = tpu.vector_load %arg9[%parallel_loop3A_150, %parallel_loop3A_151] {strides = array<i32>} : memref<112x256xf32, #tpu.memory_space<vmem>>, vector<16xf32>,
        %parallel_loop3A_153 = arith.mulf %get3A_3, %parallel_loop3A_152 : vector<16xf32>
        %parallel_loop3A_154 = arith.mulf %sub3A_5, %parallel_loop3A_149 : vector<16xf32>
        %parallel_loop3A_155 = arith.addf %parallel_loop3A_153, %parallel_loop3A_154 : vector<16xf32>
        %parallel_loop3A_156 = arith.index_cast %parallel_loop3A_127 : i32 to index
        %parallel_loop3A_157 = arith.constant 32 : index
        %parallel_loop3A_158 = tpu.vector_load %arg11[%parallel_loop3A_156, %parallel_loop3A_157] {strides = array<i32>} : memref<112x256xf32, #tpu.memory_space<vmem>>, vector<16xf32>,
        tpu.vector_store %arg11[%parallel_loop3A_156, %parallel_loop3A_157], %parallel_loop3A_155 {strides = array<i32>} : memref<112x256xf32, #tpu.memory_space<vmem>>, vector<16xf32>,
        %parallel_loop3A_159 = tpu.vector_load_idx %arg9[%parallel_loop3A_128, %get3A_13] : memref<112x256xf32, #tpu.memory_space<vmem>>[vector<16xi32>, vector<16xi32>], vector<16xf32>,
        %parallel_loop3A_160 = arith.index_cast %parallel_loop3A_127 : i32 to index
        %parallel_loop3A_161 = arith.constant 48 : index
        %parallel_loop3A_162 = tpu.vector_load %arg9[%parallel_loop3A_160, %parallel_loop3A_161] {strides = array<i32>} : memref<112x256xf32, #tpu.memory_space<vmem>>, vector<16xf32>,
        %parallel_loop3A_163 = arith.mulf %get3A_3, %parallel_loop3A_162 : vector<16xf32>
        %parallel_loop3A_164 = arith.mulf %sub3A_5, %parallel_loop3A_159 : vector<16xf32>
        %parallel_loop3A_165 = arith.addf %parallel_loop3A_163, %parallel_loop3A_164 : vector<16xf32>
        %parallel_loop3A_166 = arith.index_cast %parallel_loop3A_127 : i32 to index
        %parallel_loop3A_167 = arith.constant 48 : index
        %parallel_loop3A_168 = tpu.vector_load %arg11[%parallel_loop3A_166, %parallel_loop3A_167] {strides = array<i32>} : memref<112x256xf32, #tpu.memory_space<vmem>>, vector<16xf32>,
        tpu.vector_store %arg11[%parallel_loop3A_166, %parallel_loop3A_167], %parallel_loop3A_165 {strides = array<i32>} : memref<112x256xf32, #tpu.memory_space<vmem>>, vector<16xf32>,
        %parallel_loop3A_169 = tpu.vector_load_idx %arg9[%parallel_loop3A_128, %get3A_15] : memref<112x256xf32, #tpu.memory_space<vmem>>[vector<16xi32>, vector<16xi32>], vector<16xf32>,
        %parallel_loop3A_170 = arith.index_cast %parallel_loop3A_127 : i32 to index
        %parallel_loop3A_171 = arith.constant 64 : index
        %parallel_loop3A_172 = tpu.vector_load %arg9[%parallel_loop3A_170, %parallel_loop3A_171] {strides = array<i32>} : memref<112x256xf32, #tpu.memory_space<vmem>>, vector<16xf32>,
        %parallel_loop3A_173 = arith.mulf %get3A_3, %parallel_loop3A_172 : vector<16xf32>
        %parallel_loop3A_174 = arith.mulf %sub3A_5, %parallel_loop3A_169 : vector<16xf32>
        %parallel_loop3A_175 = arith.addf %parallel_loop3A_173, %parallel_loop3A_174 : vector<16xf32>
        %parallel_loop3A_176 = arith.index_cast %parallel_loop3A_127 : i32 to index
        %parallel_loop3A_177 = arith.constant 64 : index
        %parallel_loop3A_178 = tpu.vector_load %arg11[%parallel_loop3A_176, %parallel_loop3A_177] {strides = array<i32>} : memref<112x256xf32, #tpu.memory_space<vmem>>, vector<16xf32>,
        tpu.vector_store %arg11[%parallel_loop3A_176, %parallel_loop3A_177], %parallel_loop3A_175 {strides = array<i32>} : memref<112x256xf32, #tpu.memory_space<vmem>>, vector<16xf32>,
        %parallel_loop3A_179 = tpu.vector_load_idx %arg9[%parallel_loop3A_128, %get3A_17] : memref<112x256xf32, #tpu.memory_space<vmem>>[vector<16xi32>, vector<16xi32>], vector<16xf32>,
        %parallel_loop3A_180 = arith.index_cast %parallel_loop3A_127 : i32 to index
        %parallel_loop3A_181 = arith.constant 80 : index
        %parallel_loop3A_182 = tpu.vector_load %arg9[%parallel_loop3A_180, %parallel_loop3A_181] {strides = array<i32>} : memref<112x256xf32, #tpu.memory_space<vmem>>, vector<16xf32>,
        %parallel_loop3A_183 = arith.mulf %get3A_3, %parallel_loop3A_182 : vector<16xf32>
        %parallel_loop3A_184 = arith.mulf %sub3A_5, %parallel_loop3A_179 : vector<16xf32>
        %parallel_loop3A_185 = arith.addf %parallel_loop3A_183, %parallel_loop3A_184 : vector<16xf32>
        %parallel_loop3A_186 = arith.index_cast %parallel_loop3A_127 : i32 to index
        %parallel_loop3A_187 = arith.constant 80 : index
        %parallel_loop3A_188 = tpu.vector_load %arg11[%parallel_loop3A_186, %parallel_loop3A_187] {strides = array<i32>} : memref<112x256xf32, #tpu.memory_space<vmem>>, vector<16xf32>,
        tpu.vector_store %arg11[%parallel_loop3A_186, %parallel_loop3A_187], %parallel_loop3A_185 {strides = array<i32>} : memref<112x256xf32, #tpu.memory_space<vmem>>, vector<16xf32>,
        %parallel_loop3A_189 = tpu.vector_load_idx %arg9[%parallel_loop3A_128, %get3A_19] : memref<112x256xf32, #tpu.memory_space<vmem>>[vector<16xi32>, vector<16xi32>], vector<16xf32>,
        %parallel_loop3A_190 = arith.index_cast %parallel_loop3A_127 : i32 to index
        %parallel_loop3A_191 = arith.constant 96 : index
        %parallel_loop3A_192 = tpu.vector_load %arg9[%parallel_loop3A_190, %parallel_loop3A_191] {strides = array<i32>} : memref<112x256xf32, #tpu.memory_space<vmem>>, vector<16xf32>,
        %parallel_loop3A_193 = arith.mulf %get3A_3, %parallel_loop3A_192 : vector<16xf32>
        %parallel_loop3A_194 = arith.mulf %sub3A_5, %parallel_loop3A_189 : vector<16xf32>
        %parallel_loop3A_195 = arith.addf %parallel_loop3A_193, %parallel_loop3A_194 : vector<16xf32>
        %parallel_loop3A_196 = arith.index_cast %parallel_loop3A_127 : i32 to index
        %parallel_loop3A_197 = arith.constant 96 : index
        %parallel_loop3A_198 = tpu.vector_load %arg11[%parallel_loop3A_196, %parallel_loop3A_197] {strides = array<i32>} : memref<112x256xf32, #tpu.memory_space<vmem>>, vector<16xf32>,
        tpu.vector_store %arg11[%parallel_loop3A_196, %parallel_loop3A_197], %parallel_loop3A_195 {strides = array<i32>} : memref<112x256xf32, #tpu.memory_space<vmem>>, vector<16xf32>,
        %parallel_loop3A_199 = tpu.vector_load_idx %arg9[%parallel_loop3A_128, %get3A_21] : memref<112x256xf32, #tpu.memory_space<vmem>>[vector<16xi32>, vector<16xi32>], vector<16xf32>,
        %parallel_loop3A_200 = arith.index_cast %parallel_loop3A_127 : i32 to index
        %parallel_loop3A_201 = arith.constant 112 : index
        %parallel_loop3A_202 = tpu.vector_load %arg9[%parallel_loop3A_200, %parallel_loop3A_201] {strides = array<i32>} : memref<112x256xf32, #tpu.memory_space<vmem>>, vector<16xf32>,
        %parallel_loop3A_203 = arith.mulf %get3A_3, %parallel_loop3A_202 : vector<16xf32>
        %parallel_loop3A_204 = arith.mulf %sub3A_5, %parallel_loop3A_199 : vector<16xf32>
        %parallel_loop3A_205 = arith.addf %parallel_loop3A_203, %parallel_loop3A_204 : vector<16xf32>
        %parallel_loop3A_206 = arith.index_cast %parallel_loop3A_127 : i32 to index
        %parallel_loop3A_207 = arith.constant 112 : index
        %parallel_loop3A_208 = tpu.vector_load %arg11[%parallel_loop3A_206, %parallel_loop3A_207] {strides = array<i32>} : memref<112x256xf32, #tpu.memory_space<vmem>>, vector<16xf32>,
        tpu.vector_store %arg11[%parallel_loop3A_206, %parallel_loop3A_207], %parallel_loop3A_205 {strides = array<i32>} : memref<112x256xf32, #tpu.memory_space<vmem>>, vector<16xf32>,
        %parallel_loop3A_209 = tpu.vector_load_idx %arg9[%parallel_loop3A_128, %get3A_23] : memref<112x256xf32, #tpu.memory_space<vmem>>[vector<16xi32>, vector<16xi32>], vector<16xf32>,
        %parallel_loop3A_210 = arith.index_cast %parallel_loop3A_127 : i32 to index
        %parallel_loop3A_211 = arith.constant 128 : index
        %parallel_loop3A_212 = tpu.vector_load %arg9[%parallel_loop3A_210, %parallel_loop3A_211] {strides = array<i32>} : memref<112x256xf32, #tpu.memory_space<vmem>>, vector<16xf32>,
        %parallel_loop3A_213 = arith.mulf %get3A_3, %parallel_loop3A_212 : vector<16xf32>
        %parallel_loop3A_214 = arith.mulf %sub3A_5, %parallel_loop3A_209 : vector<16xf32>
        %parallel_loop3A_215 = arith.addf %parallel_loop3A_213, %parallel_loop3A_214 : vector<16xf32>
        %parallel_loop3A_216 = arith.index_cast %parallel_loop3A_127 : i32 to index
        %parallel_loop3A_217 = arith.constant 128 : index
        %parallel_loop3A_218 = tpu.vector_load %arg11[%parallel_loop3A_216, %parallel_loop3A_217] {strides = array<i32>} : memref<112x256xf32, #tpu.memory_space<vmem>>, vector<16xf32>,
        tpu.vector_store %arg11[%parallel_loop3A_216, %parallel_loop3A_217], %parallel_loop3A_215 {strides = array<i32>} : memref<112x256xf32, #tpu.memory_space<vmem>>, vector<16xf32>,
        %parallel_loop3A_219 = tpu.vector_load_idx %arg9[%parallel_loop3A_128, %get3A_25] : memref<112x256xf32, #tpu.memory_space<vmem>>[vector<16xi32>, vector<16xi32>], vector<16xf32>,
        %parallel_loop3A_220 = arith.index_cast %parallel_loop3A_127 : i32 to index
        %parallel_loop3A_221 = arith.constant 144 : index
        %parallel_loop3A_222 = tpu.vector_load %arg9[%parallel_loop3A_220, %parallel_loop3A_221] {strides = array<i32>} : memref<112x256xf32, #tpu.memory_space<vmem>>, vector<16xf32>,
        %parallel_loop3A_223 = arith.mulf %get3A_3, %parallel_loop3A_222 : vector<16xf32>
        %parallel_loop3A_224 = arith.mulf %sub3A_5, %parallel_loop3A_219 : vector<16xf32>
        %parallel_loop3A_225 = arith.addf %parallel_loop3A_223, %parallel_loop3A_224 : vector<16xf32>
        %parallel_loop3A_226 = arith.index_cast %parallel_loop3A_127 : i32 to index
        %parallel_loop3A_227 = arith.constant 144 : index
        %parallel_loop3A_228 = tpu.vector_load %arg11[%parallel_loop3A_226, %parallel_loop3A_227] {strides = array<i32>} : memref<112x256xf32, #tpu.memory_space<vmem>>, vector<16xf32>,
        tpu.vector_store %arg11[%parallel_loop3A_226, %parallel_loop3A_227], %parallel_loop3A_225 {strides = array<i32>} : memref<112x256xf32, #tpu.memory_space<vmem>>, vector<16xf32>,
        %parallel_loop3A_229 = tpu.vector_load_idx %arg9[%parallel_loop3A_128, %get3A_27] : memref<112x256xf32, #tpu.memory_space<vmem>>[vector<16xi32>, vector<16xi32>], vector<16xf32>,
        %parallel_loop3A_230 = arith.index_cast %parallel_loop3A_127 : i32 to index
        %parallel_loop3A_231 = arith.constant 160 : index
        %parallel_loop3A_232 = tpu.vector_load %arg9[%parallel_loop3A_230, %parallel_loop3A_231] {strides = array<i32>} : memref<112x256xf32, #tpu.memory_space<vmem>>, vector<16xf32>,
        %parallel_loop3A_233 = arith.mulf %get3A_3, %parallel_loop3A_232 : vector<16xf32>
        %parallel_loop3A_234 = arith.mulf %sub3A_5, %parallel_loop3A_229 : vector<16xf32>
        %parallel_loop3A_235 = arith.addf %parallel_loop3A_233, %parallel_loop3A_234 : vector<16xf32>
        %parallel_loop3A_236 = arith.index_cast %parallel_loop3A_127 : i32 to index
        %parallel_loop3A_237 = arith.constant 160 : index
        %parallel_loop3A_238 = tpu.vector_load %arg11[%parallel_loop3A_236, %parallel_loop3A_237] {strides = array<i32>} : memref<112x256xf32, #tpu.memory_space<vmem>>, vector<16xf32>,
        tpu.vector_store %arg11[%parallel_loop3A_236, %parallel_loop3A_237], %parallel_loop3A_235 {strides = array<i32>} : memref<112x256xf32, #tpu.memory_space<vmem>>, vector<16xf32>,
        %parallel_loop3A_239 = tpu.vector_load_idx %arg9[%parallel_loop3A_128, %get3A_29] : memref<112x256xf32, #tpu.memory_space<vmem>>[vector<16xi32>, vector<16xi32>], vector<16xf32>,
        %parallel_loop3A_240 = arith.index_cast %parallel_loop3A_127 : i32 to index
        %parallel_loop3A_241 = arith.constant 176 : index
        %parallel_loop3A_242 = tpu.vector_load %arg9[%parallel_loop3A_240, %parallel_loop3A_241] {strides = array<i32>} : memref<112x256xf32, #tpu.memory_space<vmem>>, vector<16xf32>,
        %parallel_loop3A_243 = arith.mulf %get3A_3, %parallel_loop3A_242 : vector<16xf32>
        %parallel_loop3A_244 = arith.mulf %sub3A_5, %parallel_loop3A_239 : vector<16xf32>
        %parallel_loop3A_245 = arith.addf %parallel_loop3A_243, %parallel_loop3A_244 : vector<16xf32>
        %parallel_loop3A_246 = arith.index_cast %parallel_loop3A_127 : i32 to index
        %parallel_loop3A_247 = arith.constant 176 : index
        %parallel_loop3A_248 = tpu.vector_load %arg11[%parallel_loop3A_246, %parallel_loop3A_247] {strides = array<i32>} : memref<112x256xf32, #tpu.memory_space<vmem>>, vector<16xf32>,
        tpu.vector_store %arg11[%parallel_loop3A_246, %parallel_loop3A_247], %parallel_loop3A_245 {strides = array<i32>} : memref<112x256xf32, #tpu.memory_space<vmem>>, vector<16xf32>,
        %parallel_loop3A_249 = tpu.vector_load_idx %arg9[%parallel_loop3A_128, %get3A_31] : memref<112x256xf32, #tpu.memory_space<vmem>>[vector<16xi32>, vector<16xi32>], vector<16xf32>,
        %parallel_loop3A_250 = arith.index_cast %parallel_loop3A_127 : i32 to index
        %parallel_loop3A_251 = arith.constant 192 : index
        %parallel_loop3A_252 = tpu.vector_load %arg9[%parallel_loop3A_250, %parallel_loop3A_251] {strides = array<i32>} : memref<112x256xf32, #tpu.memory_space<vmem>>, vector<16xf32>,
        %parallel_loop3A_253 = arith.mulf %get3A_3, %parallel_loop3A_252 : vector<16xf32>
        %parallel_loop3A_254 = arith.mulf %sub3A_5, %parallel_loop3A_249 : vector<16xf32>
        %parallel_loop3A_255 = arith.addf %parallel_loop3A_253, %parallel_loop3A_254 : vector<16xf32>
        %parallel_loop3A_256 = arith.index_cast %parallel_loop3A_127 : i32 to index
        %parallel_loop3A_257 = arith.constant 192 : index
        %parallel_loop3A_258 = tpu.vector_load %arg11[%parallel_loop3A_256, %parallel_loop3A_257] {strides = array<i32>} : memref<112x256xf32, #tpu.memory_space<vmem>>, vector<16xf32>,
        tpu.vector_store %arg11[%parallel_loop3A_256, %parallel_loop3A_257], %parallel_loop3A_255 {strides = array<i32>} : memref<112x256xf32, #tpu.memory_space<vmem>>, vector<16xf32>,
        %parallel_loop3A_259 = tpu.vector_load_idx %arg9[%parallel_loop3A_128, %get3A_33] : memref<112x256xf32, #tpu.memory_space<vmem>>[vector<16xi32>, vector<16xi32>], vector<16xf32>,
        %parallel_loop3A_260 = arith.index_cast %parallel_loop3A_127 : i32 to index
        %parallel_loop3A_261 = arith.constant 208 : index
        %parallel_loop3A_262 = tpu.vector_load %arg9[%parallel_loop3A_260, %parallel_loop3A_261] {strides = array<i32>} : memref<112x256xf32, #tpu.memory_space<vmem>>, vector<16xf32>,
        %parallel_loop3A_263 = arith.mulf %get3A_3, %parallel_loop3A_262 : vector<16xf32>
        %parallel_loop3A_264 = arith.mulf %sub3A_5, %parallel_loop3A_259 : vector<16xf32>
        %parallel_loop3A_265 = arith.addf %parallel_loop3A_263, %parallel_loop3A_264 : vector<16xf32>
        %parallel_loop3A_266 = arith.index_cast %parallel_loop3A_127 : i32 to index
        %parallel_loop3A_267 = arith.constant 208 : index
        %parallel_loop3A_268 = tpu.vector_load %arg11[%parallel_loop3A_266, %parallel_loop3A_267] {strides = array<i32>} : memref<112x256xf32, #tpu.memory_space<vmem>>, vector<16xf32>,
        tpu.vector_store %arg11[%parallel_loop3A_266, %parallel_loop3A_267], %parallel_loop3A_265 {strides = array<i32>} : memref<112x256xf32, #tpu.memory_space<vmem>>, vector<16xf32>,
        %parallel_loop3A_269 = tpu.vector_load_idx %arg9[%parallel_loop3A_128, %get3A_35] : memref<112x256xf32, #tpu.memory_space<vmem>>[vector<16xi32>, vector<16xi32>], vector<16xf32>,
        %parallel_loop3A_270 = arith.index_cast %parallel_loop3A_127 : i32 to index
        %parallel_loop3A_271 = arith.constant 224 : index
        %parallel_loop3A_272 = tpu.vector_load %arg9[%parallel_loop3A_270, %parallel_loop3A_271] {strides = array<i32>} : memref<112x256xf32, #tpu.memory_space<vmem>>, vector<16xf32>,
        %parallel_loop3A_273 = arith.mulf %get3A_3, %parallel_loop3A_272 : vector<16xf32>
        %parallel_loop3A_274 = arith.mulf %sub3A_5, %parallel_loop3A_269 : vector<16xf32>
        %parallel_loop3A_275 = arith.addf %parallel_loop3A_273, %parallel_loop3A_274 : vector<16xf32>
        %parallel_loop3A_276 = arith.index_cast %parallel_loop3A_127 : i32 to index
        %parallel_loop3A_277 = arith.constant 224 : index
        %parallel_loop3A_278 = tpu.vector_load %arg11[%parallel_loop3A_276, %parallel_loop3A_277] {strides = array<i32>} : memref<112x256xf32, #tpu.memory_space<vmem>>, vector<16xf32>,
        tpu.vector_store %arg11[%parallel_loop3A_276, %parallel_loop3A_277], %parallel_loop3A_275 {strides = array<i32>} : memref<112x256xf32, #tpu.memory_space<vmem>>, vector<16xf32>,
        %parallel_loop3A_279 = tpu.vector_load_idx %arg9[%parallel_loop3A_128, %get3A_37] : memref<112x256xf32, #tpu.memory_space<vmem>>[vector<16xi32>, vector<16xi32>], vector<16xf32>,
        %parallel_loop3A_280 = arith.index_cast %parallel_loop3A_127 : i32 to index
        %parallel_loop3A_281 = arith.constant 240 : index
        %parallel_loop3A_282 = tpu.vector_load %arg9[%parallel_loop3A_280, %parallel_loop3A_281] {strides = array<i32>} : memref<112x256xf32, #tpu.memory_space<vmem>>, vector<16xf32>,
        %parallel_loop3A_283 = arith.mulf %get3A_3, %parallel_loop3A_282 : vector<16xf32>
        %parallel_loop3A_284 = arith.mulf %sub3A_5, %parallel_loop3A_279 : vector<16xf32>
        %parallel_loop3A_285 = arith.addf %parallel_loop3A_283, %parallel_loop3A_284 : vector<16xf32>
        %parallel_loop3A_286 = arith.index_cast %parallel_loop3A_127 : i32 to index
        %parallel_loop3A_287 = arith.constant 240 : index
        %parallel_loop3A_288 = tpu.vector_load %arg11[%parallel_loop3A_286, %parallel_loop3A_287] {strides = array<i32>} : memref<112x256xf32, #tpu.memory_space<vmem>>, vector<16xf32>,
        tpu.vector_store %arg11[%parallel_loop3A_286, %parallel_loop3A_287], %parallel_loop3A_285 {strides = array<i32>} : memref<112x256xf32, #tpu.memory_space<vmem>>, vector<16xf32>,
      } {sc.loop_unroll_factor = 4 : i64, sc.parallel_access}
      %mul3A_113 = arith.constant 112 : i32
      %mul3A_114 = arith.muli %add3A_97, %mul3A_113 : i32
      %add3A_115 = arith.addi %mul3A_2, %mul3A_114 : i32
      %dma_start3A_116 = arith.constant 0 : i32
      %dma_start3A_117 = tpu.memref_slice %arg5[%add3A_115, %dma_start3A_116] : memref<150528x256xf32, #tpu.memory_space<hbm>> -> memref<112x256xf32, #tpu.memory_space<hbm>>
      %dma_start3A_118 = arith.constant 0 : i32
      %dma_start3A_119 = tpu.memref_slice %arg5[%add3A_115, %dma_start3A_118] : memref<150528x256xf32, #tpu.memory_space<hbm>> -> memref<112x256xf32, #tpu.memory_space<hbm>>
      tpu.enqueue_dma source(%arg11 : memref<112x256xf32, #tpu.memory_space<vmem>>) target(%dma_start3A_119 : memref<112x256xf32, #tpu.memory_space<hbm>>) target_semaphore(%arg15 : memref<!tpu.dma_semaphore, #tpu.memory_space<semaphore_mem>>)
      %add3A_120 = arith.constant 2 : i32
      %add3A_121 = arith.addi %add3A_97, %add3A_120 : i32
      %lt3A_122 = arith.constant 42 : i32
      %lt3A_123 = arith.cmpi slt, %add3A_121, %lt3A_122 : i32
      %convert_element_type3A_124 = arith.extui %lt3A_123 : i1 to i32
      %cond3A_125 = arith.constant 0 : i32
      %cond3A_126 = arith.cmpi ne, %convert_element_type3A_124, %cond3A_125 : i32
      scf.if %cond3A_126 {
        %add3A_127 = arith.constant 2 : i32
        %add3A_128 = arith.addi %add3A_97, %add3A_127 : i32
        %mul3A_129 = arith.constant 112 : i32
        %mul3A_130 = arith.muli %add3A_128, %mul3A_129 : i32
        %add3A_131 = arith.addi %mul3A_2, %mul3A_130 : i32
        %dma_start3A_132 = arith.constant 0 : i32
        %dma_start3A_133 = tpu.memref_slice %arg2[%add3A_131, %dma_start3A_132] : memref<150528x256xf32, #tpu.memory_space<hbm>> -> memref<112x256xf32, #tpu.memory_space<hbm>>
        %dma_start3A_134 = arith.constant 0 : i32
        %dma_start3A_135 = tpu.memref_slice %arg2[%add3A_131, %dma_start3A_134] : memref<150528x256xf32, #tpu.memory_space<hbm>> -> memref<112x256xf32, #tpu.memory_space<hbm>>
        tpu.enqueue_dma source(%dma_start3A_135 : memref<112x256xf32, #tpu.memory_space<hbm>>) target(%arg9 : memref<112x256xf32, #tpu.memory_space<vmem>>) target_semaphore(%arg13 : memref<!tpu.dma_semaphore, #tpu.memory_space<semaphore_mem>>)
      } else {
      }
    }
    %scan3A_53 = arith.constant 21 : i32
    %add3A_54 = arith.constant 0 : i32
    %add3A_55 = arith.addi %mul3A_2, %add3A_54 : i32
    %dma_wait3A = arith.constant 0 : i32
    %dma_wait3A_56 = tpu.memref_slice %arg5[%add3A_55, %dma_wait3A] : memref<150528x256xf32, #tpu.memory_space<hbm>> -> memref<112x256xf32, #tpu.memory_space<hbm>>
    %dma_wait3A_57 = arith.constant 0 : i32
    %dma_wait3A_58 = tpu.memref_slice %arg5[%add3A_55, %dma_wait3A_57] : memref<150528x256xf32, #tpu.memory_space<hbm>> -> memref<112x256xf32, #tpu.memory_space<hbm>>
    tpu.wait_dma2 semaphore(%arg14 : memref<!tpu.dma_semaphore, #tpu.memory_space<semaphore_mem>>) src(%arg10 : memref<112x256xf32, #tpu.memory_space<vmem>>) dst(%dma_wait3A_58 : memref<112x256xf32, #tpu.memory_space<hbm>>)
    %add3A_59 = arith.constant 112 : i32
    %add3A_60 = arith.addi %mul3A_2, %add3A_59 : i32
    %dma_wait3A_61 = arith.constant 0 : i32
    %dma_wait3A_62 = tpu.memref_slice %arg5[%add3A_60, %dma_wait3A_61] : memref<150528x256xf32, #tpu.memory_space<hbm>> -> memref<112x256xf32, #tpu.memory_space<hbm>>
    %dma_wait3A_63 = arith.constant 0 : i32
    %dma_wait3A_64 = tpu.memref_slice %arg5[%add3A_60, %dma_wait3A_63] : memref<150528x256xf32, #tpu.memory_space<hbm>> -> memref<112x256xf32, #tpu.memory_space<hbm>>
    tpu.wait_dma2 semaphore(%arg15 : memref<!tpu.dma_semaphore, #tpu.memory_space<semaphore_mem>>) src(%arg11 : memref<112x256xf32, #tpu.memory_space<vmem>>) dst(%dma_wait3A_64 : memref<112x256xf32, #tpu.memory_space<hbm>>)
    return
  }
}

</mosaic_0001>

<sc_bundles>
// kernel: kernel.3.cloned.1.call-start
scs
__scs_entry_jumppad:
0x0: {  	(pc) =	sbr.rel $0x88, $3  }
0x1: {  	(tag) =	ssettag $0x0;
	lr =	simm.s32 $0x1  }
0x2: {  	[smem:$0x3F9E] =	sst lr;
	_ =	strace $0xD0000000  }
0x3: {  	_ = 	snop  }
0x4: {  	_ = 	snop  }
0x5: {  	_ = 	snop  }
0x6: {  	_ = 	snop  }
0x7: {  	_ = 	snop  }
__scs_overlays_trampoline_lowered:
0x8: {  	[smem:$0x3FAD] =	sst s0  }
0x9: {  	[smem:$0x3FAE] =	sst s1  }
0xa: {  	[smem:$0x3FAF] =	sst s2  }
0xb: {  	[smem:$0x3FB0] =	sst s3  }
0xc: {  	[smem:$0x3FB1] =	sst s4  }
0xd: {  	[smem:$0x3FB2] =	sst s5  }
0xe: {  	[smem:$0x3FB3] =	sst s6  }
0xf: {  	[smem:$0x3FB4] =	sst s7  }
0x10: {  	[smem:$0x3FB5] =	sst s8  }
0x11: {  	[smem:$0x3FB6] =	sst s9;
	s0 =	simm.s32 @!p0 $0x0  }
0x12: {  	s1 =	sld [smem:$0x3F9C];
	s0 =	simm.s32 @p0 $0x1  }
0x13: {  	[smem:$0x3FB7] =	sst s0;
	s0 =	simm.s32 @!p1 $0x0  }
0x14: {  	s2 =	sld [smem:$0x3F9B];
	s0 =	simm.s32 @p1 $0x1  }
0x15: {  	[smem:$0x3FB8] =	sst s0;
	s0 =	simm.s32 @!p2 $0x0  }
0x16: {  	s3 =	sld [smem:$0x3FDB];
	s0 =	simm.s32 @p2 $0x1  }
0x17: {  	s4 =	simm.s32 $0x1BF5;
	[smem:$0x3FBA] =	sst s0  }
0x18: {  	s0 =	sld [smem:$0x3F9D];
	_ =	swait.ge [sflag:s4], $0x0  }
0x19: {  	s7 =	sld [smem:$0x3F9E]  }
0x1a: {  	s8 =	sadd.s32 $0xFFFFE003, lr  }
0x1b: {  	s9 =	sadd.s32 $0xFFFFFEF7, lr;
	s5 =	simm.s32 $0xFFFFFFFF;
	p2 =	slt.u32 s8, $0xFFFFF086  }
0x1c: {  	p1 =	slt.u32 s9, $0xF7A;
	s5 =	simm.s32 @!p2 $0x0  }
0x1d: {  	s5 =	simm.s32 @p1 $0x1;
	p0 =	seq.s32 s7, s2  }
0x1e: {  	s7 =	smul.u32 @!p0 $0xF7A, s2;
	p2 =	seq.s32 @!p0 s5, $0x0  }
0x1f: {  	s9 =	smul.u32 $0xF7A, s1;
	s8 =	simm.s32 @!p0 $0x1BF5;
	p2 =	por !p2, p0  }
0x20: {  	[sflag:s8] =	ssyncset.s32 @!p0 $0xFFFFF086;
	s6 =	sadd.s32 @!p0 s3, s7;
	s7 =	simm.s32 @!p0 $0x108  }
0x21: {  	s3 =	sadd.s32 s3, s9;
	s6 =	sadd.s32 @!p0 $0x88, s6;
	s7 =	simm.s32 @p2 $0x1082  }
0x22: {  	[simem:s7], [sflag:s8] =	dma.local @!p0 [hbm:s6], $0xF7A  }
0x23: {  	s9 =	sor.u32 $0xD0000000, s2;
	s6 =	simm.s32 $0x108;
	_ =	swait.ge @!p0 [sflag:s8], $0x0  }
0x24: {  	s3 =	sadd.s32 $0x88, s3;
	s6 =	simm.s32 @!p1 $0x1082;
	[sflag:s4] =	ssyncset.s32 $0xFFFFF086  }
0x25: {  	[simem:s6], [sflag:s4] =	dma.local [hbm:s3], $0xF7A  }
0x26: {  	[smem:$0x3F9E] =	sst s1;
	(tag) =	ssettag s2;
	_ =	strace s9  }
0x27: {  	s1 =	sld [smem:$0x3FAE]  }
0x28: {  	s2 =	sld [smem:$0x3FAF]  }
0x29: {  	s4 =	sld [smem:$0x3FB1]  }
0x2a: {  	p0 =	seq.s32 s5, $0x0;
	s5 =	sld [smem:$0x3FB2]  }
0x2b: {  	s6 =	sld [smem:$0x3FB3]  }
0x2c: {  	s7 =	sld [smem:$0x3FB4]  }
0x2d: {  	s3 =	simm.s32 $0x108;
	s8 =	sld [smem:$0x3FB5]  }
0x2e: {  	s3 =	simm.s32 @!p0 $0x1082;
	s9 =	sld [smem:$0x3FB6]  }
0x2f: {  	lr =	sadd.s32 s0, s3;
	s0 =	sld [smem:$0x3FAD]  }
0x30: {  	s3 =	sld [smem:$0x3FB0]  }
0x31: {  	[smem:$0x3FB9] =	sst s10  }
0x32: {  	s10 =	sld [smem:$0x3FB7];
	_ =	sdelay $0x3  }
0x33: {  	p0 =	seq.s32 s10, $0x1;
	s10 =	sld [smem:$0x3FB9];
	_ =	sdelay $0x3  }
0x34: {  	[smem:$0x3FB9] =	sst s10  }
0x35: {  	s10 =	sld [smem:$0x3FB8];
	_ =	sdelay $0x3  }
0x36: {  	p1 =	seq.s32 s10, $0x1;
	s10 =	sld [smem:$0x3FB9];
	_ =	sdelay $0x3  }
0x37: {  	[smem:$0x3FB9] =	sst s10  }
0x38: {  	s10 =	sld [smem:$0x3FBA]  }
0x39: {  	_ = 	snop;
	(pc) =	sbr.ind lr, $3  }
0x3a: {  	_ = 	snop  }
0x3b: {  	_ = 	snop  }
0x3c: {  	p2 =	seq.s32 s10, $0x1;
	s10 =	sld [smem:$0x3FB9]  }
0x3d: {  	_ =	shalt  }
0x3e: {  	_ =	shalt  }
0x3f: {  	_ =	shalt  }
0x40: {  	_ =	shalt  }
0x41: {  	_ =	shalt  }
0x42: {  	_ =	shalt  }
0x43: {  	_ =	shalt  }
0x44: {  	_ =	shalt  }
0x45: {  	_ =	shalt  }
0x46: {  	_ =	shalt  }
0x47: {  	_ =	shalt  }
0x48: {  	_ =	shalt  }
0x49: {  	_ =	shalt  }
0x4a: {  	_ =	shalt  }
0x4b: {  	_ =	shalt  }
0x4c: {  	_ =	shalt  }
0x4d: {  	_ =	shalt  }
0x4e: {  	_ =	shalt  }
0x4f: {  	_ =	shalt  }
0x50: {  	_ =	shalt  }
0x51: {  	_ =	shalt  }
0x52: {  	_ =	shalt  }
0x53: {  	_ =	shalt  }
0x54: {  	_ =	shalt  }
0x55: {  	_ =	shalt  }
0x56: {  	_ =	shalt  }
0x57: {  	_ =	shalt  }
0x58: {  	_ =	shalt  }
0x59: {  	_ =	shalt  }
0x5a: {  	_ =	shalt  }
0x5b: {  	_ =	shalt  }
0x5c: {  	_ =	shalt  }
0x5d: {  	_ =	shalt  }
0x5e: {  	_ =	shalt  }
0x5f: {  	_ =	shalt  }
0x60: {  	_ =	shalt  }
0x61: {  	_ =	shalt  }
0x62: {  	_ =	shalt  }
0x63: {  	_ =	shalt  }
0x64: {  	_ =	shalt  }
0x65: {  	_ =	shalt  }
0x66: {  	_ =	shalt  }
0x67: {  	_ =	shalt  }
0x68: {  	_ =	shalt  }
0x69: {  	_ =	shalt  }
0x6a: {  	_ =	shalt  }
0x6b: {  	_ =	shalt  }
0x6c: {  	_ =	shalt  }
0x6d: {  	_ =	shalt  }
0x6e: {  	_ =	shalt  }
0x6f: {  	_ =	shalt  }
0x70: {  	_ =	shalt  }
0x71: {  	_ =	shalt  }
0x72: {  	_ =	shalt  }
0x73: {  	_ =	shalt  }
0x74: {  	_ =	shalt  }
0x75: {  	_ =	shalt  }
0x76: {  	_ =	shalt  }
0x77: {  	_ =	shalt  }
0x78: {  	_ =	shalt  }
0x79: {  	_ =	shalt  }
0x7a: {  	_ =	shalt  }
0x7b: {  	_ =	shalt  }
0x7c: {  	_ =	shalt  }
0x7d: {  	_ =	shalt  }
0x7e: {  	_ =	shalt  }
0x7f: {  	_ =	shalt  }
0x80: {  	_ =	shalt  }
0x81: {  	_ =	shalt  }
0x82: {  	_ =	shalt  }
0x83: {  	_ =	shalt  }
0x84: {  	_ =	shalt  }
0x85: {  	_ =	shalt  }
0x86: {  	_ =	shalt  }
0x87: {  	_ =	shalt  }
.Lfunc_end0:
.L_simem_size_0:
called_computation_lowered:
.L_overlay_start_0:
0x88: {  	s2 =	sld [smem:$0x3FD9]  }
0x89: {  	s3 =	sld [smem:$0x3FFE];
	_ =	sdelay $0x1  }
0x8a: {  	s1 =	srdreg.scid  }
0x8b: {  	s0 =	sand.u32 $0x1, s1  }
0x8c: {  	s17 =	sshll.u32 s0, $0xA;
	s2 =	sadd.s32 s3, s2  }
0x8d: {  	s2 =	sadd.s32 s2, s17  }
0x8e: {  	[smem:$0x3FC5] =	sst s2  }
0x8f: {  	_ = 	snop  }
0x90: {  	s2 =	sld [smem:$0x3FC9]  }
0x91: {  	s18 =	sld [smem:$0x3FC8]  }
0x92: {  	s4 =	sld [smem:$0x3FD0];
	(tm) =	ssettm $0x1  }
0x93: {  	s5 =	sld [smem:$0x3FFB];
	_ =	sdelay $0x3  }
0x94: {  	_ =	strace s5  }
0x95: {  	s5 =	sld [smem:$0x3FFC];
	_ =	sdelay $0x3  }
0x96: {  	_ =	strace s5  }
0x97: {  	s5 =	sld [smem:$0x3FFD];
	_ =	sdelay $0x3  }
0x98: {  	_ =	strace s5  }
0x99: {  	_ =	strace $0x8FFFFFFF  }
0x9a: {  	s19 =	sld [smem:$0x3FDB];
	_ =	sdelay $0x1  }
0x9b: {  	s6 =	simm.s32 $_scs_section_size  }
0x9c: {  	s7 =	simm.s32 $_size__tile_overlayer_lowered;
	s8 =	simm.s32 $_tile_overlayer_lowered  }
0x9d: {  	s22 =	simm.s32 $0x1BFF;
	s21 =	sshll.u32 s8, $0x1;
	s5 =	sadd.s32 s6, s19  }
0x9e: {  	s9 =	simm.s32 $0x0;
	s20 =	sshll.u32 s7, $0x1;
	s7 =	sadd.s32 s21, s5  }
0x9f: {  	[timem:s9], [sflag:s22] =	dma.local [hbm:s7], s20  }
0xa0: {  	_ =	swait.ge [sflag:s22], s20  }
0xa1: {  	s6 =	ssub.s32 $0x0, s20;
	[sflag:s22] =	ssyncset.done $0x0  }
0xa2: {  	[sflag:s22] =	ssyncadd.s32 s6;
	_ =	sdelay $0x1  }
0xa3: {  	s23 =	simm.s32 $0x1B8B  }
0xa4: {  	_ =	swait.ge [sflag:s23], $0x1  }
0xa5: {  	[sflag:s23] =	ssyncset.done $0x0  }
0xa6: {  	s25 =	simm.s32 $0x1B8E;
	s24 =	sld [smem:$0x3FFE];
	[sflag:s23] =	ssyncadd.s32 $0xFFFFFFFF  }
0xa7: {  	s26 =	simm.s32 $execute0_lowered;
	[smem:$0x3FD2] =	sst s25  }
0xa8: {  	s7 =	sshll.u32 s26, $0x1;
	_ =	strace $0x80000046;
	[dreg:$0x1] =	wrdreg $0xFFFFFFFF  }
0xa9: {  	s28 =	simm.s32 $_size_execute0_lowered;
	s5 =	sadd.s32 s5, s7;
	[dreg:$0x0] =	wrdreg $0x0  }
0xaa: {  	s7 =	sshll.u32 s28, $0x1;
	[dreg:$0x2] =	wrdreg s5  }
0xab: {  	[dreg:$0x3] =	wrdreg s7  }
0xac: {  	[dreg:$0x4] =	wrdreg $0xC0  }
0xad: {  	_ =	task [dreg:s9], $0x5FFFF  }
0xae: {  	[dreg:$0x1] =	wrdreg $0xFFFFFFFF  }
0xaf: {  	[dreg:$0x0] =	wrdreg $0x60  }
0xb0: {  	[dreg:$0x2] =	wrdreg s2  }
0xb1: {  	[dreg:$0x3] =	wrdreg s18  }
0xb2: {  	[dreg:$0x4] =	wrdreg s24  }
0xb3: {  	[dreg:$0x5] =	wrdreg s4  }
0xb4: {  	[dreg:$0x6] =	wrdreg $0x9  }
0xb5: {  	_ =	task.clear_ibuf [dreg:s9], $0x7FFFF;
	_ =	strace $0x90000046  }
0xb6: {  	s29 =	simm.s32 $0x9;
	_ =	strace $0x80000048  }
0xb7: {  	_ =	swait.ge [sflag:s29], $0x1  }
0xb8: {  	[sflag:s29] =	ssyncadd.s32 $0xFFFFFFFF  }
0xb9: {  	_ =	strace $0x90000048  }
0xba: {  	_ =	sfence  }
0xbb: {  	s30 =	sld [smem:$0x0];
	_ =	sdelay $0x2  }
0xbc: {  	s31 =	sshll.u32 s1, $0xD;
	s1 =	sshrl.u32 s1, $0x2  }
0xbd: {  	s3 =	sand.u32 $0x4000, s31;
	s1 =	sadd.s32 s1, s30  }
0xbe: {  	s0 =	sor.u32 s3, s0;
	s1 =	sshll.u32 s1, $0x11  }
0xbf: {  	s0 =	sor.u32 s1, s0  }
0xc0: {  	s0 =	sadd.s32 $0x8F2B, s0  }
0xc1: {  	[sflag:s0] =	ssyncadd.remote.s32 $0x1  }
0xc2: {  	_ =	sfence.sel $0xFFFF  }
0xc3: {  	[dreg:$0x0] =	wrdreg $0xFFFFFFFF;
	(pc) =	sbr.abs _section_cstart, $3  }
0xc4: {  	[dreg:$0x1] =	wrdreg $0xFFFFFFFF  }
0xc5: {  	_ =	task.clear_ibuf [dreg:s9], $0x2FFFF;
	_ =	strace $0x9FFFFFFF  }
0xc6: {  	(tm) =	ssettm $0x7FFFFFFF  }
0xc7: {  	_ =	shalt  }
tec
execute0_lowered:
.L_overlay_start_1:
0x0: {  	(tag) =	ssettag $0x1  }
0x1: {  	s1 =	srdreg.scid;
	s2 =	stileid.u32  }
0x2: {  	s5 =	rddreg [dreg:$0x0];
	s1 =	sand.u32 $0x1, s1;
	s2 =	sshll.u32 s2, $0x1  }
0x3: {  	s0 =	rddreg [dreg:$0x2];
	s6 =	simm.s32 $0x0;
	s2 =	sor.u32 s1, s2  }
0x4: {  	[smem:$0x7FF] =	sst s6;
	s25 =	smul.u32 $0x24C00, s2  }
0x5: {  	s0 =	sadd.s32 $0x400, s0;
	_ =	strace $0x80000047;
	s7 =	smul.u32 $0x1260, s2  }
0x6: {  	[dreg:$0x19] =	wrdreg s0;
	s24 =	ssub.s32 $0x2, s1;
	s3 =	smul.u32 $0x126000, s2  }
0x7: {  	s4 =	sshrl.u32 s24, $0x1;
	s1 =	sadd.s32 s5, s25;
	[dreg:$0x1a] =	wrdreg s7  }
0x8: {  	s0 =	ssub.s32 s24, s4;
	s29 =	sadd.s32 $0xE0, s7;
	[dreg:$0x1b] =	wrdreg s1  }
.Ltmp0:
0x9: {  	s30 =	sadd.s32 $0x70, s7;
	[dreg:$0x1d] =	wrdreg s29;
	(pc) =	sbr.rel .LBB2_1-.Ltmp0, $4  }
0xa: {  	s3 =	sshrl.u32 s3, $0x3;
	s31 =	sadd.s32 $0x150, s7;
	[dreg:$0x1e] =	wrdreg s30  }
0xb: {  	s0 =	smax.u32 s0, $0x1;
	s26 =	sadd.s32 s5, s3;
	[dreg:$0x1f] =	wrdreg s31  }
0xc: {  	s16 =	simm.s32 $0x180;
	[smem:$0x7FD] =	sst s0;
	s28 =	sadd.s32 $0xE00, s26  }
0xd: {  	s17 =	simm.s32 $0x7180;
	s2 =	simm.s32 $0x0;
	[dreg:$0x1c] =	wrdreg s28  }
.LBB2_8:
0xe: {  	s0 =	simm.s32 $0x3  }
0xf: {  	_ =	swait.ge [sflag:s0], $0x7000  }
0x10: {  	[sflag:s0] =	ssyncset.done $0x0  }
0x11: {  	s1 =	simm.s32 $0x4;
	[sflag:s0] =	ssyncadd.s32 $0xFFFF9000  }
0x12: {  	_ =	swait.ge [sflag:s1], $0x7000  }
0x13: {  	s2 =	sld [smem:$0x7FC]  }
0x14: {  	s31 =	sld [smem:$0x7FD];
	_ =	sdelay $0x1  }
0x15: {  	s2 =	sadd.s32 $0x1, s2  }
0x16: {  	p0 =	sne.s32 s2, s31  }
.Ltmp1:
0x17: {  	_ = 	snop;
	(pc) =	sbr.rel @!p0 .LBB2_9-.Ltmp1, $3  }
0x18: {  	_ =	sdelay $0x1  }
0x19: {  	[sflag:s1] =	ssyncset.done $0x0  }
0x1a: {  	[sflag:s1] =	ssyncadd.s32 $0xFFFF9000  }
.LBB2_1:
0x1b: {  	[smem:$0x7FC] =	sst s2  }
0x1c: {  	s0 =	rddreg [dreg:$0x1];
	s1 =	simm.s32 $0x5  }
0x1d: {  	[tilespmem:s6], [sflag:$0x5] =	stream.linear.gather [hbm4b:s0+s6], $0x100, $0x38;
	[tilespmem:$0x1C180] =	vst v63  }
0x1e: {  	_ =	swait.ge [sflag:s1], $0x100  }
0x1f: {  	[sflag:s1] =	ssyncset.done $0x0  }
0x20: {  	s29 =	simm.s32 $0x100;
	s28 =	rddreg [dreg:$0x19];
	[sflag:s1] =	ssyncadd.s32 $0xFFFFFF00  }
0x21: {  	[tilespmem:s29], [sflag:$0x5] =	stream.linear.gather [hbm4b:s28+s6], $0x80, $0x38;
	[tilespmem:$0x1C180] =	vst v63  }
0x22: {  	_ =	swait.ge [sflag:s1], $0x80  }
0x23: {  	[sflag:s1] =	ssyncset.done $0x0  }
0x24: {  	[sflag:s1] =	ssyncadd.s32 $0xFFFFFF80  }
0x25: {  	v3 =	vld [tilespmem:$0x0]  }
0x26: {  	v4 =	vld [tilespmem:$0x10]  }
0x27: {  	v16 =	vld [tilespmem:$0x70]  }
0x28: {  	v20 =	vld [tilespmem:$0x90]  }
0x29: {  	v12 =	vld [tilespmem:$0x50]  }
0x2a: {  	v32 =	vld [tilespmem:$0xF0];
	v2 =	vand.u32 $0x7F, v3;
	v3 =	vshll.u32 v3, $0x3  }
0x2b: {  	v24 =	vld [tilespmem:$0xB0];
	[tilespmem:$0x1FE20] =	vst v2;
	v2 =	vand.u32 $0xFFFFFC00, v3  }
0x2c: {  	v17 =	vshll.u32 v16, $0x3;
	v3 =	vand.u32 $0x7F, v4;
	[tilespmem:$0x1FE30] =	vst v2  }
0x2d: {  	v23 =	vld [tilespmem:$0xA0];
	v14 =	vand.u32 $0xFFFFFC00, v17;
	v17 =	vand.u32 $0x7F, v20;
	[tilespmem:$0x1FE40] =	vst v3  }
0x2e: {  	v13 =	vshll.u32 v12, $0x3;
	[tilespmem:$0x1FF70] =	vst v17  }
0x2f: {  	v7 =	vld [tilespmem:$0x20];
	v33 =	vshll.u32 v32, $0x3;
	v10 =	vand.u32 $0xFFFFFC00, v13;
	v13 =	vand.u32 $0x7F, v16;
	[tilespmem:$0x1FF80] =	vst v14  }
0x30: {  	v11 =	vld [tilespmem:$0x40];
	v5 =	vshll.u32 v4, $0x3;
	v25 =	vshll.u32 v24, $0x3;
	v4 =	vand.u32 $0xFFFFFC00, v33;
	[tilespmem:$0x1FF90] =	vst v13  }
0x31: {  	v18 =	vand.u32 $0xFFFFFC00, v25;
	[tilespmem:$0x1FFA0] =	vst v4  }
0x32: {  	v21 =	vshll.u32 v20, $0x3;
	v20 =	vand.u32 $0x7F, v23;
	[tilespmem:$0x1FFD0] =	vst v18  }
0x33: {  	v8 =	vld [tilespmem:$0x30];
	v2 =	vand.u32 $0xFFFFFC00, v5;
	[tilespmem:$0x1FFF0] =	vst v20  }
0x34: {  	v5 =	vand.u32 $0x7F, v7;
	[tilespmem:$0x1FE50] =	vst v2  }
0x35: {  	v23 =	vshll.u32 v23, $0x3;
	v3 =	vand.u32 $0x7F, v11;
	[tilespmem:$0x1FE60] =	vst v5  }
0x36: {  	v15 =	vld [tilespmem:$0x60];
	v7 =	vshll.u32 v7, $0x3;
	v27 =	vand.u32 $0xFFFFFC00, v23;
	[tilespmem:$0x1FEA0] =	vst v3  }
0x37: {  	v19 =	vld [tilespmem:$0x80];
	v2 =	vand.u32 $0xFFFFFC00, v7;
	[tilespmem:$0x1FFE0] =	vst v27  }
0x38: {  	v9 =	vshll.u32 v8, $0x3;
	[tilespmem:$0x1FE70] =	vst v2;
	v2 =	vand.u32 $0x7F, v8  }
0x39: {  	v0 =	vld [tilespmem:$0x100];
	v11 =	vshll.u32 v11, $0x3;
	[tilespmem:$0x1FE80] =	vst v2;
	v2 =	vand.u32 $0xFFFFFC00, v9  }
0x3a: {  	v28 =	vld [tilespmem:$0xD0];
	[tilespmem:$0x1FE90] =	vst v2;
	v2 =	vand.u32 $0xFFFFFC00, v11  }
0x3b: {  	s30 =	rddreg [dreg:$0x1b];
	v3 =	vld [tilespmem:$0xE0];
	v11 =	vand.u32 $0x7F, v15;
	v15 =	vshll.u32 v15, $0x3;
	[tilespmem:$0x1FEB0] =	vst v2  }
0x3c: {  	v9 =	vand.u32 $0x7F, v12;
	v2 =	vld [tilespmem:$0xC0];
	v12 =	vand.u32 $0xFFFFFC00, v15;
	v15 =	vand.u32 $0x7F, v19;
	[tilespmem:s16], [sflag:$0x1] =	stream.linear.gather [hbm4b:s30+s6], $0x7000, $0x38  }
0x3d: {  	[tilespmem:$0x1FF60] =	vst v15  }
0x3e: {  	s31 =	rddreg [dreg:$0x1c];
	v19 =	vshll.u32 v19, $0x3;
	[tilespmem:$0x1FFB0] =	vst v12  }
0x3f: {  	v16 =	vand.u32 $0xFFFFFC00, v19;
	v19 =	vand.u32 $0xFFFFFC00, v21;
	v21 =	vmov v11;
	[tilespmem:s17], [sflag:$0x2] =	stream.linear.gather [hbm4b:s31+s6], $0x7000, $0x38;
	[tilespmem:$0x1C180] =	vst v63  }
0x40: {  	[tilespmem:$0x1FF20] =	vst v21  }
0x41: {  	[tilespmem:$0x1FF30] =	vst v19  }
0x42: {  	v11 =	vand.u32 $0x7F, v24;
	[tilespmem:$0x1FF50] =	vst v16;
	v22 =	vand.u32 $0x7F, v2;
	v2 =	vshll.u32 v2, $0x3  }
0x43: {  	[tilespmem:$0x1FFC0] =	vst v11;
	v2 =	vand.u32 $0xFFFFFC00, v2  }
0x44: {  	v29 =	vshll.u32 v28, $0x3;
	[tilespmem:$0x1FEC0] =	vst v2;
	v2 =	vand.u32 $0x7F, v28  }
0x45: {  	[tilespmem:$0x1FED0] =	vst v2;
	v2 =	vand.u32 $0xFFFFFC00, v29  }
0x46: {  	[tilespmem:$0x1FEE0] =	vst v2;
	v2 =	vand.u32 $0x7F, v3  }
0x47: {  	[tilespmem:$0x1FEF0] =	vst v2;
	v2 =	vshll.u32 v3, $0x3  }
0x48: {  	[tilespmem:$0x1FF40] =	vst v22;
	v2 =	vand.u32 $0xFFFFFC00, v2  }
0x49: {  	[tilespmem:$0x1FF00] =	vst v2;
	v2 =	vand.u32 $0x7F, v32  }
0x4a: {  	s8 =	simm.s32 $0x0;
	v1 =	vsub.f32 $1.000000000e+00, v0;
	v33 =	vmov v10;
	v32 =	vmov v9;
	[tilespmem:$0x1FF10] =	vst v2  }
.LBB2_2:
0x4b: {  	v5 =	vld [tilespmem:$0x1FE30];
	s1 =	simm.s32 $0x1  }
0x4c: {  	s0 =	simm.s32 $0x3;
	_ =	swait.ge [sflag:s1], $0x7000  }
0x4d: {  	s9 =	simm.s32 $0x0;
	v35 =	vmov s0;
	v2 =	vld [tilespmem:$0x1FE20]  }
0x4e: {  	v34 =	vmov s9;
	v37 =	vshll.u32 v35, $0x8  }
0x4f: {  	v36 =	vshll.u32 v34, $0x7;
	v53 =	vshll.u32 v35, $0x7;
	v40 =	vand.u32 $0x7800, v37  }
0x50: {  	v34 =	vshll.u32 v34, $0x8;
	v41 =	vand.u32 $0x380, v53;
	v54 =	vadd.s32 v5, v40  }
0x51: {  	p0 =	seq.s32 s8, $0x0;
	[sflag:s1] =	ssyncset.done $0x0;
	v39 =	vand.u32 $0x7800, v34;
	v56 =	vor.u32 v41, v54  }
0x52: {  	s5 =	simm.s32 $0x1;
	s0 =	simm.s32 @!p0 $0x3;
	v35 =	vand.u32 $0x200, v36;
	[sflag:s1] =	ssyncadd.s32 $0xFFFF9000;
	v59 =	vadd.s32 v5, v39;
	v42 =	vor.u32 v2, v56  }
0x53: {  	s6 =	simm.s32 $0x2;
	s22 =	simm.s32 $0x180;
	_ =	swait.ge @!p0 [sflag:s0], $0x7000;
	v44 =	vor.u32 v35, v59  }
0x54: {  	s7 =	sand.u32 $0x7800, s9;
	s10 =	sand.u32 $0x380, s22;
	[sflag:s0] =	ssyncset.done @!p0 $0x0;
	v6 =	vld [tilespmem:$0x1FE50];
	v44 =	vor.u32 v2, v44  }
0x55: {  	s11 =	simm.s32 $0x0;
	v38 =	vmov s5;
	s2 =	sor.u32 s7, s10;
	v3 =	vld [tilespmem:$0x1FE40];
	[sflag:s0] =	ssyncadd.s32 @!p0 $0xFFFF9000  }
0x56: {  	v55 =	vmov s6;
	v57 =	vshll.u32 v38, $0x7;
	v38 =	vshll.u32 v38, $0x8;
	s1 =	sand.u32 $0x200, s11;
	v46 =	vld [tilespmem:s2+$0x180]  }
0x57: {  	v58 =	vshll.u32 v55, $0x7;
	v43 =	vshll.u32 v55, $0x8;
	v38 =	vand.u32 $0x7800, v38;
	s12 =	sor.u32 s1, s7;
	v42 =	vld.idx.msk [tilespmem:v42+s16+$0x0], $0xffff  }
0x58: {  	s3 =	simm.s32 $0x80;
	v37 =	vand.u32 $0x280, v57;
	v36 =	vand.u32 $0x7800, v43;
	v60 =	vadd.s32 v5, v38;
	v48 =	vld [tilespmem:s12+$0x180]  }
0x59: {  	s4 =	simm.s32 $0x100;
	s5 =	sand.u32 $0x280, s3;
	v34 =	vand.u32 $0x300, v58;
	v45 =	vadd.s32 v5, v36;
	v43 =	vor.u32 v37, v60;
	v44 =	vld.idx.msk [tilespmem:v44+s16+$0x0], $0xffff  }
0x5a: {  	s4 =	sand.u32 $0x300, s4;
	s14 =	sor.u32 s7, s5;
	v45 =	vor.u32 v34, v45;
	v43 =	vor.u32 v2, v43  }
0x5b: {  	s0 =	sor.u32 s7, s4;
	v45 =	vor.u32 v2, v45;
	v49 =	vld [tilespmem:s14+$0x180];
	v47 =	vadd.s32 v6, v40  }
0x5c: {  	v50 =	vld [tilespmem:s0+$0x180];
	v47 =	vor.u32 v41, v47;
	v46 =	vmul.f32 v46, v0;
	v42 =	vmul.f32 v42, v1  }
0x5d: {  	v52 =	vld [tilespmem:s2+$0x190];
	v61 =	vadd.s32 v6, v39;
	v47 =	vor.u32 v3, v47;
	v48 =	vmul.f32 v48, v0  }
0x5e: {  	v53 =	vld [tilespmem:s12+$0x190];
	v44 =	vmul.f32 v44, v1;
	v42 =	vadd.f32 v46, v42;
	v46 =	vor.u32 v35, v61  }
0x5f: {  	v43 =	vld.idx.msk [tilespmem:v43+s16+$0x0], $0xffff;
	v46 =	vor.u32 v3, v46  }
0x60: {  	v45 =	vld.idx.msk [tilespmem:v45+s16+$0x0], $0xffff;
	v44 =	vadd.f32 v48, v44;
	[tilespmem:s2+$0xE180] =	vst v42  }
0x61: {  	v62 =	vadd.s32 v6, v38;
	v51 =	vadd.s32 v6, v36;
	v9 =	vld [tilespmem:$0x1FE70]  }
0x62: {  	v51 =	vor.u32 v34, v51;
	v42 =	vor.u32 v37, v62;
	v47 =	vld.idx.msk [tilespmem:v47+s16+$0x0], $0xffff;
	[tilespmem:s12+$0xE180] =	vst v44  }
0x63: {  	v63 =	vor.u32 v3, v51;
	v42 =	vor.u32 v3, v42;
	v3 =	vld [tilespmem:$0x1FE60]  }
0x64: {  	v49 =	vmul.f32 v49, v0;
	v50 =	vmul.f32 v50, v0;
	v46 =	vld.idx.msk [tilespmem:v46+s16+$0x0], $0xffff  }
0x65: {  	v26 =	vmul.f32 v52, v0;
	v43 =	vmul.f32 v43, v1  }
0x66: {  	v54 =	vld [tilespmem:s14+$0x190];
	v30 =	vmul.f32 v53, v0;
	v45 =	vmul.f32 v45, v1;
	v10 =	vadd.s32 v9, v40  }
0x67: {  	v25 =	vld [tilespmem:s0+$0x190];
	v43 =	vadd.f32 v49, v43;
	v47 =	vmul.f32 v47, v1;
	v24 =	vor.u32 v41, v10  }
0x68: {  	v59 =	vld [tilespmem:s2+$0x1A0];
	v45 =	vadd.f32 v50, v45;
	v29 =	vadd.s32 v9, v39;
	v49 =	vor.u32 v3, v24  }
0x69: {  	v60 =	vld [tilespmem:s12+$0x1A0];
	[tilespmem:s14+$0xE180] =	vst v43;
	v44 =	vor.u32 v35, v29;
	v28 =	vadd.f32 v26, v47;
	v46 =	vmul.f32 v46, v1  }
0x6a: {  	[tilespmem:s0+$0xE180] =	vst v45;
	v42 =	vld.idx.msk [tilespmem:v42+s16+$0x0], $0xffff;
	v44 =	vor.u32 v3, v44  }
0x6b: {  	v45 =	vld.idx.msk [tilespmem:v63+s16+$0x0], $0xffff;
	[tilespmem:s2+$0xE190] =	vst v28;
	v46 =	vadd.f32 v30, v46  }
0x6c: {  	v57 =	vadd.s32 v9, v38;
	v58 =	vadd.s32 v9, v36;
	v61 =	vld [tilespmem:$0x1FE90]  }
0x6d: {  	v48 =	vor.u32 v37, v57;
	v51 =	vor.u32 v34, v58;
	v49 =	vld.idx.msk [tilespmem:v49+s16+$0x0], $0xffff;
	[tilespmem:s12+$0xE190] =	vst v46  }
0x6e: {  	v48 =	vor.u32 v3, v48;
	v51 =	vor.u32 v3, v51;
	v3 =	vld [tilespmem:$0x1FE80]  }
0x6f: {  	v31 =	vmul.f32 v54, v0;
	v42 =	vmul.f32 v42, v1;
	v44 =	vld.idx.msk [tilespmem:v44+s16+$0x0], $0xffff  }
0x70: {  	v50 =	vmul.f32 v25, v0;
	v63 =	vld [tilespmem:s14+$0x1A0]  }
0x71: {  	v45 =	vmul.f32 v45, v1;
	v42 =	vadd.f32 v31, v42;
	v62 =	vadd.s32 v61, v40  }
0x72: {  	v9 =	vmul.f32 v59, v0;
	v8 =	vor.u32 v41, v62;
	v49 =	vmul.f32 v49, v1  }
0x73: {  	v10 =	vld [tilespmem:s0+$0x1A0];
	v7 =	vadd.f32 v50, v45;
	[tilespmem:s14+$0xE190] =	vst v42;
	v45 =	vor.u32 v3, v8  }
0x74: {  	v47 =	vmul.f32 v60, v0;
	v42 =	vld.idx.msk [tilespmem:v48+s16+$0x0], $0xffff;
	v44 =	vmul.f32 v44, v1;
	v24 =	vadd.f32 v9, v49  }
0x75: {  	v28 =	vmul.f32 v63, v0;
	v31 =	vld [tilespmem:s2+$0x1B0];
	[tilespmem:s0+$0xE190] =	vst v7;
	v26 =	vadd.s32 v61, v39  }
0x76: {  	v25 =	vld.idx.msk [tilespmem:v51+s16+$0x0], $0xffff;
	v29 =	vor.u32 v35, v26;
	v44 =	vadd.f32 v47, v44;
	[tilespmem:s2+$0xE1A0] =	vst v24  }
0x77: {  	v30 =	vadd.s32 v61, v38;
	v56 =	vadd.s32 v61, v36;
	v43 =	vor.u32 v3, v29;
	v60 =	vld [tilespmem:$0x1FEB0]  }
0x78: {  	v48 =	vor.u32 v37, v30;
	v58 =	vor.u32 v34, v56;
	[tilespmem:s12+$0xE1A0] =	vst v44;
	v45 =	vld.idx.msk [tilespmem:v45+s16+$0x0], $0xffff  }
0x79: {  	v57 =	vor.u32 v3, v48;
	v48 =	vor.u32 v3, v58;
	v42 =	vmul.f32 v42, v1;
	v3 =	vld [tilespmem:$0x1FEA0];
	_ =	sdelay $0x1  }
0x7a: {  	v59 =	vld [tilespmem:s12+$0x1B0];
	v50 =	vmul.f32 v10, v0;
	v46 =	vmul.f32 v25, v1;
	v42 =	vadd.f32 v28, v42  }
0x7b: {  	v43 =	vld.idx.msk [tilespmem:v43+s16+$0x0], $0xffff;
	v61 =	vadd.s32 v60, v40  }
0x7c: {  	v62 =	vld [tilespmem:s14+$0x1B0];
	v63 =	vadd.f32 v50, v46;
	[tilespmem:s14+$0xE1A0] =	vst v42;
	v7 =	vor.u32 v41, v61  }
0x7d: {  	v8 =	vmul.f32 v31, v0;
	v42 =	vld.idx.msk [tilespmem:v57+s16+$0x0], $0xffff;
	v45 =	vmul.f32 v45, v1;
	v46 =	vor.u32 v3, v7  }
0x7e: {  	v9 =	vld [tilespmem:s0+$0x1B0];
	[tilespmem:s0+$0xE1A0] =	vst v63;
	v25 =	vadd.s32 v60, v39  }
0x7f: {  	v26 =	vmul.f32 v59, v0;
	v24 =	vld.idx.msk [tilespmem:v48+s16+$0x0], $0xffff;
	v29 =	vor.u32 v35, v25;
	v10 =	vadd.f32 v8, v45  }
0x80: {  	v30 =	vadd.s32 v60, v38;
	v43 =	vmul.f32 v43, v1;
	v44 =	vor.u32 v3, v29  }
0x81: {  	v31 =	vld [tilespmem:s2+$0x1C0];
	v28 =	vmul.f32 v62, v0;
	v57 =	vadd.s32 v60, v36;
	v47 =	vor.u32 v37, v30;
	[tilespmem:s2+$0xE1B0] =	vst v10  }
0x82: {  	v47 =	vor.u32 v3, v47;
	v43 =	vadd.f32 v26, v43;
	v42 =	vmul.f32 v42, v1;
	v46 =	vld.idx.msk [tilespmem:v46+s16+$0x0], $0xffff  }
0x83: {  	v50 =	vmul.f32 v9, v0;
	v48 =	vor.u32 v34, v57  }
0x84: {  	v58 =	vld [tilespmem:s12+$0x1C0];
	v48 =	vor.u32 v3, v48;
	v45 =	vmul.f32 v24, v1;
	[tilespmem:s12+$0xE1B0] =	vst v43;
	v42 =	vadd.f32 v28, v42  }
0x85: {  	v59 =	vadd.s32 v33, v40;
	v44 =	vld.idx.msk [tilespmem:v44+s16+$0x0], $0xffff  }
0x86: {  	v62 =	vor.u32 v41, v59;
	v60 =	vld [tilespmem:s14+$0x1C0];
	v61 =	vadd.f32 v50, v45;
	[tilespmem:s14+$0xE1B0] =	vst v42  }
0x87: {  	v63 =	vmul.f32 v31, v0;
	v45 =	vor.u32 v32, v62;
	v42 =	vld.idx.msk [tilespmem:v47+s16+$0x0], $0xffff;
	v46 =	vmul.f32 v46, v1  }
0x88: {  	v6 =	vld [tilespmem:s0+$0x1C0];
	v8 =	vadd.s32 v33, v39;
	[tilespmem:s0+$0xE1B0] =	vst v61  }
0x89: {  	v24 =	vadd.s32 v33, v38;
	v9 =	vld.idx.msk [tilespmem:v48+s16+$0x0], $0xffff;
	v7 =	vadd.f32 v63, v46;
	v46 =	vor.u32 v35, v8  }
0x8a: {  	v10 =	vmul.f32 v58, v0;
	v44 =	vmul.f32 v44, v1;
	v25 =	vor.u32 v32, v46  }
0x8b: {  	v30 =	vadd.s32 v33, v36;
	v29 =	vld [tilespmem:s2+$0x1D0];
	v26 =	vor.u32 v37, v24;
	v28 =	vmul.f32 v60, v0;
	[tilespmem:s2+$0xE1C0] =	vst v7  }
0x8c: {  	v42 =	vmul.f32 v42, v1;
	v44 =	vadd.f32 v10, v44;
	v46 =	vor.u32 v32, v26;
	v45 =	vld.idx.msk [tilespmem:v45+s16+$0x0], $0xffff  }
0x8d: {  	v31 =	vld [tilespmem:s12+$0x1D0];
	v50 =	vmul.f32 v6, v0;
	v48 =	vor.u32 v34, v30  }
0x8e: {  	v56 =	vor.u32 v32, v48;
	v47 =	vmul.f32 v9, v1;
	v42 =	vadd.f32 v28, v42;
	[tilespmem:s12+$0xE1C0] =	vst v44  }
0x8f: {  	v57 =	vadd.s32 v12, v40;
	v43 =	vld.idx.msk [tilespmem:v25+s16+$0x0], $0xffff  }
0x90: {  	v58 =	vld [tilespmem:s14+$0x1D0];
	v48 =	vor.u32 v41, v57;
	v47 =	vadd.f32 v50, v47;
	[tilespmem:s14+$0xE1C0] =	vst v42  }
0x91: {  	v59 =	vmul.f32 v29, v0;
	v48 =	vor.u32 v21, v48;
	v46 =	vld.idx.msk [tilespmem:v46+s16+$0x0], $0xffff;
	v45 =	vmul.f32 v45, v1  }
0x92: {  	v60 =	vadd.s32 v12, v39;
	v62 =	vmul.f32 v31, v0;
	v61 =	vld [tilespmem:s0+$0x1D0];
	[tilespmem:s0+$0xE1C0] =	vst v47  }
0x93: {  	v6 =	vadd.s32 v12, v38;
	v63 =	vor.u32 v35, v60;
	v44 =	vld.idx.msk [tilespmem:v56+s16+$0x0], $0xffff;
	v42 =	vadd.f32 v59, v45  }
0x94: {  	v8 =	vor.u32 v37, v6;
	v47 =	vor.u32 v21, v63;
	v43 =	vmul.f32 v43, v1  }
0x95: {  	v10 =	vld [tilespmem:s2+$0x1E0];
	v49 =	vor.u32 v21, v8;
	[tilespmem:s2+$0xE1D0] =	vst v42  }
0x96: {  	v7 =	vmul.f32 v58, v0;
	v9 =	vmul.f32 v46, v1;
	v48 =	vld.idx.msk [tilespmem:v48+s16+$0x0], $0xffff;
	v43 =	vadd.f32 v62, v43  }
0x97: {  	v24 =	vmul.f32 v61, v0;
	v25 =	vadd.s32 v12, v36  }
0x98: {  	v26 =	vld [tilespmem:s12+$0x1E0];
	v28 =	vor.u32 v34, v25;
	v44 =	vmul.f32 v44, v1;
	v42 =	vadd.f32 v7, v9;
	[tilespmem:s12+$0xE1D0] =	vst v43  }
0x99: {  	v30 =	vadd.s32 v14, v40;
	v43 =	vor.u32 v21, v28;
	v29 =	vld.idx.msk [tilespmem:v47+s16+$0x0], $0xffff  }
0x9a: {  	v31 =	vld [tilespmem:s14+$0x1E0];
	v57 =	vor.u32 v41, v30;
	v56 =	vadd.f32 v24, v44;
	[tilespmem:s14+$0xE1D0] =	vst v42  }
0x9b: {  	v46 =	vmul.f32 v10, v0;
	v44 =	vor.u32 v13, v57;
	v58 =	vld.idx.msk [tilespmem:v49+s16+$0x0], $0xffff;
	v48 =	vmul.f32 v48, v1  }
0x9c: {  	v60 =	vadd.s32 v14, v38;
	v59 =	vadd.s32 v14, v39  }
0x9d: {  	v61 =	vld [tilespmem:s0+$0x1E0];
	v50 =	vor.u32 v37, v60;
	[tilespmem:s0+$0xE1D0] =	vst v56;
	v49 =	vor.u32 v35, v59;
	v62 =	vadd.f32 v46, v48  }
0x9e: {  	v63 =	vmul.f32 v26, v0;
	v6 =	vor.u32 v13, v49;
	v43 =	vld.idx.msk [tilespmem:v43+s16+$0x0], $0xffff;
	v45 =	vmul.f32 v29, v1  }
0x9f: {  	v8 =	vor.u32 v13, v50;
	v12 =	vld [tilespmem:s2+$0x1F0];
	[tilespmem:s2+$0xE1E0] =	vst v62  }
0xa0: {  	v7 =	vmul.f32 v31, v0;
	v9 =	vmul.f32 v58, v1;
	v45 =	vadd.f32 v63, v45;
	v44 =	vld.idx.msk [tilespmem:v44+s16+$0x0], $0xffff  }
0xa1: {  	v10 =	vadd.s32 v14, v36  }
0xa2: {  	v25 =	vmul.f32 v61, v0;
	v14 =	vld [tilespmem:s12+$0x1F0];
	v47 =	vor.u32 v34, v10;
	v24 =	vadd.f32 v7, v9;
	[tilespmem:s12+$0xE1E0] =	vst v45  }
0xa3: {  	v47 =	vor.u32 v13, v47;
	v29 =	vadd.s32 v16, v40;
	v43 =	vmul.f32 v43, v1;
	v48 =	vld.idx.msk [tilespmem:v6+s16+$0x0], $0xffff  }
0xa4: {  	v26 =	vadd.s32 v16, v39;
	v31 =	vmul.f32 v12, v0;
	v28 =	vld [tilespmem:s14+$0x1F0];
	[tilespmem:s14+$0xE1E0] =	vst v24;
	v45 =	vor.u32 v41, v29  }
0xa5: {  	v42 =	vld.idx.msk [tilespmem:v8+s16+$0x0], $0xffff;
	v45 =	vor.u32 v15, v45;
	v43 =	vadd.f32 v25, v43;
	v44 =	vmul.f32 v44, v1  }
0xa6: {  	s15 =	sand.u32 $0x7, s9;
	v30 =	vor.u32 v35, v26  }
0xa7: {  	s4 =	sshll.u32 s15, $0x7;
	v54 =	vld [tilespmem:s0+$0x1F0];
	v55 =	vor.u32 v15, v30;
	[tilespmem:s0+$0xE1E0] =	vst v43;
	v44 =	vadd.f32 v31, v44  }
0xa8: {  	s6 =	sadd.s32 $0x0, s4;
	v56 =	vadd.s32 v16, v38;
	v51 =	vmul.f32 v14, v0;
	v47 =	vld.idx.msk [tilespmem:v47+s16+$0x0], $0xffff;
	v48 =	vmul.f32 v48, v1  }
0xa9: {  	p1 =	por $0x0, $0x0;
	s5 =	simm.s32 $0x1;
	s13 =	sadd.s32 $0x180, s6;
	v57 =	vmul.f32 v28, v0;
	v46 =	vor.u32 v37, v56;
	[tilespmem:s2+$0xE1F0] =	vst v44  }
0xaa: {  	s5 =	simm.s32 @!p1 $0x0;
	s19 =	sor.u32 $0x400, s13;
	v46 =	vor.u32 v15, v46;
	v42 =	vmul.f32 v42, v1;
	v48 =	vadd.f32 v51, v48;
	v45 =	vld.idx.msk [tilespmem:v45+s16+$0x0], $0xffff  }
0xab: {  	s18 =	sshll.u32 s5, $0x9;
	v58 =	vadd.s32 v16, v36;
	v59 =	vld [tilespmem:s19+$0x180]  }
0xac: {  	s20 =	sadd.s32 $0x0, s18;
	v44 =	vor.u32 v34, v58;
	v42 =	vadd.f32 v57, v42;
	[tilespmem:s12+$0xE1F0] =	vst v48  }
0xad: {  	s23 =	sor.u32 $0x400, s20;
	v60 =	vmul.f32 v54, v0;
	v44 =	vor.u32 v15, v44;
	v47 =	vmul.f32 v47, v1;
	v43 =	vld.idx.msk [tilespmem:v55+s16+$0x0], $0xffff  }
0xae: {  	s7 =	sand.u32 $0x3, s9;
	v63 =	vadd.s32 v19, v40;
	s2 =	sadd.s32 $0x80, s6;
	[tilespmem:s14+$0xE1F0] =	vst v42;
	v61 =	vld [tilespmem:s23+$0x180]  }
0xaf: {  	s24 =	sshll.u32 s7, $0x8;
	v49 =	vor.u32 v41, v63;
	s6 =	sor.u32 $0x400, s2;
	v46 =	vld.idx.msk [tilespmem:v46+s16+$0x0], $0xffff;
	v47 =	vadd.f32 v60, v47  }
0xb0: {  	s1 =	sadd.s32 $0x0, s24;
	v9 =	vor.u32 v17, v49;
	v7 =	vld [tilespmem:s6+$0x180];
	v8 =	vmul.f32 v59, v0;
	v45 =	vmul.f32 v45, v1  }
0xb1: {  	s1 =	sadd.s32 $0x100, s1;
	[tilespmem:s0+$0xE1F0] =	vst v47  }
0xb2: {  	s26 =	sor.u32 $0x400, s1;
	v62 =	vadd.s32 v19, v39;
	v12 =	vld.idx.msk [tilespmem:v44+s16+$0x0], $0xffff;
	v45 =	vadd.f32 v8, v45  }
0xb3: {  	v6 =	vadd.s32 v19, v38;
	v42 =	vor.u32 v35, v62;
	v14 =	vld [tilespmem:s26+$0x180]  }
0xb4: {  	v42 =	vor.u32 v17, v42;
	v13 =	vmul.f32 v61, v0;
	v43 =	vmul.f32 v43, v1;
	[tilespmem:s19+$0xE180] =	vst v45  }
0xb5: {  	s31 =	sor.u32 $0x410, s13;
	v51 =	vor.u32 v37, v6;
	v52 =	vmul.f32 v7, v0;
	v46 =	vmul.f32 v46, v1;
	v48 =	vld.idx.msk [tilespmem:v9+s16+$0x0], $0xffff  }
0xb6: {  	v25 =	vadd.s32 v19, v36;
	v51 =	vor.u32 v17, v51;
	v43 =	vadd.f32 v13, v43;
	v30 =	vld [tilespmem:s31+$0x180]  }
0xb7: {  	v29 =	vor.u32 v34, v25;
	v28 =	vadd.f32 v52, v46  }
0xb8: {  	v46 =	vor.u32 v17, v29;
	[tilespmem:s23+$0xE180] =	vst v43;
	v50 =	vmul.f32 v14, v0;
	v53 =	vmul.f32 v12, v1  }
0xb9: {  	s25 =	simm.s32 $0x4;
	s10 =	sor.u32 $0x410, s20;
	v61 =	vadd.s32 v27, v40;
	v42 =	vld.idx.msk [tilespmem:v42+s16+$0x0], $0xffff  }
0xba: {  	v10 =	vmov s25;
	[tilespmem:s6+$0xE180] =	vst v28;
	v55 =	vld [tilespmem:s10+$0x180];
	v50 =	vadd.f32 v50, v53;
	v53 =	vor.u32 v41, v61  }
0xbb: {  	s11 =	sor.u32 $0x410, s2;
	v51 =	vld.idx.msk [tilespmem:v51+s16+$0x0], $0xffff;
	v63 =	vmul.f32 v30, v0;
	v48 =	vmul.f32 v48, v1;
	v6 =	vor.u32 v20, v53  }
0xbc: {  	v49 =	vshll.u32 v10, $0x8;
	v15 =	vshll.u32 v10, $0x7;
	v56 =	vld [tilespmem:s11+$0x180];
	[tilespmem:s26+$0xE180] =	vst v50  }
0xbd: {  	v57 =	vadd.s32 v27, v38;
	s12 =	sor.u32 $0x410, s1;
	v60 =	vadd.s32 v27, v39;
	v46 =	vld.idx.msk [tilespmem:v46+s16+$0x0], $0xffff;
	v50 =	vadd.f32 v63, v48  }
0xbe: {  	v57 =	vor.u32 v37, v57;
	v59 =	vadd.s32 v27, v36;
	v43 =	vor.u32 v35, v60;
	v58 =	vld [tilespmem:s12+$0x180]  }
0xbf: {  	v43 =	vor.u32 v20, v43;
	v55 =	vmul.f32 v55, v0;
	v42 =	vmul.f32 v42, v1;
	[tilespmem:s31+$0xE180] =	vst v50  }
0xc0: {  	v57 =	vor.u32 v20, v57;
	s14 =	sor.u32 $0x420, s13;
	v44 =	vand.u32 $0x200, v15;
	v14 =	vor.u32 v34, v59;
	v52 =	vld.idx.msk [tilespmem:v6+s16+$0x0], $0xffff  }
0xc1: {  	s29 =	simm.s32 $0x5;
	s30 =	simm.s32 $0x6;
	v10 =	vmul.f32 v56, v0;
	v51 =	vmul.f32 v51, v1;
	v42 =	vadd.f32 v55, v42;
	v15 =	vld [tilespmem:s14+$0x180]  }
0xc2: {  	v26 =	vmov s30;
	v24 =	vmov s29;
	v61 =	vor.u32 v20, v14  }
0xc3: {  	v3 =	vld [tilespmem:$0x1FEC0];
	v51 =	vadd.f32 v10, v51;
	[tilespmem:s10+$0xE180] =	vst v42;
	v58 =	vmul.f32 v58, v0;
	v46 =	vmul.f32 v46, v1  }
0xc4: {  	s15 =	sor.u32 $0x420, s20;
	v31 =	vshll.u32 v24, $0x7;
	v62 =	vshll.u32 v24, $0x8;
	v47 =	vand.u32 $0x7800, v49;
	v24 =	vld.idx.msk [tilespmem:v43+s16+$0x0], $0xffff  }
0xc5: {  	v8 =	vshll.u32 v26, $0x8;
	v60 =	vadd.s32 v5, v47;
	[tilespmem:s11+$0xE180] =	vst v51;
	v25 =	vld [tilespmem:s15+$0x180];
	v46 =	vadd.f32 v58, v46  }
0xc6: {  	s18 =	sor.u32 $0x420, s2;
	v60 =	vor.u32 v44, v60;
	v27 =	vld.idx.msk [tilespmem:v57+s16+$0x0], $0xffff;
	v55 =	vmul.f32 v15, v0;
	v52 =	vmul.f32 v52, v1  }
0xc7: {  	v7 =	vshll.u32 v26, $0x7;
	v28 =	vadd.s32 v18, v40;
	v26 =	vor.u32 v2, v60;
	v29 =	vld [tilespmem:s18+$0x180];
	[tilespmem:s12+$0xE180] =	vst v46  }
0xc8: {  	s19 =	sor.u32 $0x420, s1;
	v57 =	vor.u32 v41, v28;
	v61 =	vld.idx.msk [tilespmem:v61+s16+$0x0], $0xffff;
	v63 =	vadd.f32 v55, v52  }
0xc9: {  	v57 =	vor.u32 v11, v57;
	v9 =	vld [tilespmem:s19+$0x180];
	[smem:$0x7F9] =	sst s8  }
0xca: {  	s21 =	smul.u32 $0xE0, s8;
	[tilespmem:s14+$0xE180] =	vst v63  }
0xcb: {  	s3 =	rddreg [dreg:$0x1a]  }
0xcc: {  	v45 =	vand.u32 $0x7800, v8;
	v12 =	vadd.s32 v18, v39;
	v30 =	vadd.s32 v18, v38;
	v55 =	vld.idx.msk [tilespmem:v26+s16+$0x0], $0xffff;
	[smem:$0x7FA] =	sst s21;
	s3 =	sadd.s32 s3, s21  }
0xcd: {  	s23 =	sor.u32 $0x440, s1;
	v50 =	vor.u32 v35, v12;
	v49 =	vmul.f32 v25, v0;
	v59 =	vmul.f32 v24, v1;
	[smem:$0x7FB] =	sst s3  }
0xce: {  	s24 =	sor.u32 $0x450, s20;
	v60 =	vor.u32 v37, v30;
	v43 =	vand.u32 $0x280, v31;
	v31 =	vor.u32 v11, v50;
	s3 =	sor.u32 $0x430, s13;
	v24 =	vld.idx.msk [tilespmem:v57+s16+$0x0], $0xffff;
	[dreg:$0xf] =	wrdreg s23  }
0xcf: {  	s25 =	sor.u32 $0x450, s1;
	v48 =	vadd.s32 v4, v39;
	v53 =	vmul.f32 v27, v1;
	v49 =	vadd.f32 v49, v59;
	v27 =	vld [tilespmem:s3+$0x180];
	[dreg:$0xe] =	wrdreg s24  }
0xd0: {  	v10 =	vor.u32 v11, v60;
	v42 =	vand.u32 $0x300, v7;
	v13 =	vadd.s32 v3, v39;
	[dreg:$0x8] =	wrdreg s25  }
0xd1: {  	s26 =	sor.u32 $0x460, s20;
	v14 =	vadd.s32 v3, v38;
	v15 =	vadd.s32 v18, v36;
	v12 =	vmul.f32 v29, v0;
	[tilespmem:s15+$0xE180] =	vst v49  }
0xd2: {  	s29 =	sor.u32 $0x440, s2;
	v51 =	vadd.s32 v3, v36;
	v46 =	vand.u32 $0x7800, v62;
	v52 =	vor.u32 v35, v13;
	[dreg:$0x6] =	wrdreg s26  }
0xd3: {  	s30 =	sor.u32 $0x450, s2;
	v13 =	vadd.s32 v5, v46;
	v26 =	vor.u32 v34, v15;
	v53 =	vadd.f32 v12, v53;
	v58 =	vld.idx.msk [tilespmem:v31+s16+$0x0], $0xffff;
	[dreg:$0x12] =	wrdreg s29  }
0xd4: {  	s4 =	simm.s32 $0x8;
	s28 =	sor.u32 $0x470, s2;
	v54 =	vor.u32 v11, v26;
	v28 =	vmul.f32 v9, v0;
	v61 =	vmul.f32 v61, v1;
	[dreg:$0x11] =	wrdreg s30  }
0xd5: {  	s31 =	sor.u32 $0x460, s2;
	s11 =	sor.u32 $0x430, s1;
	v30 =	vadd.s32 v3, v40;
	s12 =	sor.u32 $0x430, s20;
	v25 =	vadd.s32 v5, v45;
	v29 =	vor.u32 v43, v13;
	[tilespmem:s18+$0xE180] =	vst v53  }
0xd6: {  	s14 =	sor.u32 $0x440, s20;
	v63 =	vor.u32 v2, v29;
	s21 =	simm.s32 $0x0;
	v57 =	vor.u32 v42, v25;
	v61 =	vadd.f32 v28, v61;
	v59 =	vld [tilespmem:s12+$0x180];
	[dreg:$0xb] =	wrdreg s31  }
0xd7: {  	s23 =	sor.u32 $0x470, s20;
	s20 =	sor.u32 $0x430, s2;
	s2 =	simm.s32 $0x7;
	v49 =	vor.u32 v2, v57;
	v31 =	vor.u32 v41, v30;
	v53 =	vor.u32 v37, v14;
	v56 =	vld.idx.msk [tilespmem:v10+s16+$0x0], $0xffff  }
0xd8: {  	s24 =	sor.u32 $0x460, s1;
	s15 =	sor.u32 $0x470, s1;
	s1 =	simm.s32 $0x0;
	v62 =	vmul.f32 v24, v1;
	v60 =	vor.u32 v22, v31;
	v57 =	vld [tilespmem:s20+$0x180];
	[tilespmem:s19+$0xE180] =	vst v61;
	v61 =	vmul.f32 v27, v0  }
.LBB2_3:
0xd9: {  	v31 =	vld.idx.msk [tilespmem:v54+s16+$0x0], $0xffff  }
0xda: {  	v3 =	vld [tilespmem:s11+$0x180]  }
0xdb: {  	v63 =	vld.idx.msk [tilespmem:v63+s16+$0x0], $0xffff  }
0xdc: {  	v24 =	vld [tilespmem:$0x1FE30]  }
0xdd: {  	v26 =	vld [tilespmem:$0x1FE20]  }
0xde: {  	v17 =	vld [tilespmem:$0x1FF00]  }
0xdf: {  	v30 =	vld [tilespmem:$0x1FF50]  }
0xe0: {  	v27 =	vld [tilespmem:$0x1FFB0]  }
0xe1: {  	v23 =	vld [tilespmem:$0x1FED0]  }
0xe2: {  	v16 =	vld [tilespmem:$0x1FE70]  }
0xe3: {  	v4 =	vadd.f32 v61, v62;
	v62 =	vld.idx.msk [tilespmem:v49+s16+$0x0], $0xffff  }
0xe4: {  	v49 =	vadd.s32 v19, v47;
	v19 =	vld [tilespmem:$0x1FEE0]  }
0xe5: {  	v50 =	vmov s2;
	v52 =	vor.u32 v22, v52;
	v21 =	vld [tilespmem:$0x1FEA0];
	[tilespmem:s3+$0xE180] =	vst v4  }
0xe6: {  	v2 =	vor.u32 v22, v53;
	s0 =	sor.u32 $0x440, s13;
	v58 =	vmul.f32 v58, v1;
	v9 =	vmul.f32 v59, v0;
	v60 =	vld.idx.msk [tilespmem:v60+s16+$0x0], $0xffff  }
0xe7: {  	v51 =	vor.u32 v34, v51;
	v11 =	vmul.f32 v56, v1;
	v14 =	vmul.f32 v57, v0;
	v5 =	vld [tilespmem:s0+$0x180]  }
0xe8: {  	v53 =	vmul.f32 v31, v1;
	v31 =	vld [tilespmem:$0x1FF80];
	v13 =	vadd.f32 v9, v58;
	v58 =	vadd.s32 v17, v39  }
0xe9: {  	v54 =	vadd.f32 v14, v11;
	v57 =	vadd.s32 v19, v39;
	v39 =	vor.u32 v22, v51;
	v22 =	vld [tilespmem:$0x1FEB0]  }
0xea: {  	v8 =	vshll.u32 v50, $0x8;
	v50 =	vshll.u32 v50, $0x7;
	v15 =	vadd.s32 v19, v40;
	[tilespmem:s12+$0xE180] =	vst v13;
	v13 =	vld [tilespmem:$0x1FE50]  }
0xeb: {  	v61 =	vand.u32 $0x7800, v8;
	v3 =	vmul.f32 v3, v0;
	[tilespmem:s20+$0xE180] =	vst v54;
	v54 =	vor.u32 v41, v15;
	v15 =	vld [tilespmem:$0x1FE40]  }
0xec: {  	s22 =	sadd.s32 $0x200, s22;
	s1 =	sadd.s32 $0x400, s1;
	v59 =	vand.u32 $0x380, v50;
	v10 =	vadd.s32 v24, v61;
	v52 =	vld.idx.msk [tilespmem:v52+s16+$0x0], $0xffff  }
0xed: {  	s6 =	sand.u32 $0x7800, s1;
	s7 =	sand.u32 $0x380, s22;
	s10 =	sadd.s32 $0xFFFFFF80, s22;
	v12 =	vor.u32 v59, v10;
	v3 =	vadd.f32 v3, v53;
	v51 =	vld [tilespmem:s14+$0x180]  }
0xee: {  	s10 =	sand.u32 $0x300, s10;
	v4 =	vor.u32 v26, v12;
	s20 =	sor.u32 s6, s7;
	v2 =	vld.idx.msk [tilespmem:v2+s16+$0x0], $0xffff  }
0xef: {  	s31 =	sadd.s32 $0xFFFFFE80, s22;
	s26 =	sor.u32 s6, s10;
	v50 =	vadd.s32 v30, v47;
	v5 =	vmul.f32 v5, v0;
	v6 =	vmul.f32 v60, v1;
	v9 =	vld [tilespmem:s20+$0x180];
	[tilespmem:s11+$0xE180] =	vst v3  }
0xf0: {  	s3 =	sand.u32 $0x200, s31;
	v53 =	vadd.s32 v27, v47;
	v7 =	vor.u32 v23, v54;
	v54 =	vadd.s32 v33, v47;
	v14 =	vld [tilespmem:s26+$0x180]  }
0xf1: {  	s19 =	sadd.s32 $0x2, s9;
	s8 =	sadd.s32 $0xFFFFFF00, s22;
	s3 =	sor.u32 s3, s6;
	v56 =	vadd.s32 v31, v47;
	v60 =	vadd.s32 v22, v47;
	v10 =	vld.idx.msk [tilespmem:v39+s16+$0x0], $0xffff;
	v5 =	vadd.f32 v5, v6  }
0xf2: {  	s30 =	sand.u32 $0x3, s19;
	s9 =	sand.u32 $0x280, s8;
	v6 =	vld [tilespmem:s3+$0x180];
	v39 =	vmovc v47;
	v8 =	vadd.s32 v13, v47;
	v11 =	vadd.s32 v13, v46;
	v12 =	vadd.s32 v13, v45  }
0xf3: {  	s5 =	sshll.u32 s30, $0x8;
	s30 =	sor.u32 s6, s9;
	v4 =	vld.idx.msk [tilespmem:v4+s16+$0x0], $0xffff;
	v13 =	vadd.s32 v13, v61;
	v3 =	vor.u32 v44, v8;
	v8 =	vadd.s32 v16, v47  }
0xf4: {  	s8 =	sor.u32 $0x450, s13;
	[tilespmem:s0+$0xE180] =	vst v5;
	v51 =	vmul.f32 v51, v0;
	v52 =	vmul.f32 v52, v1;
	v47 =	vld [tilespmem:s30+$0x180];
	v28 =	vor.u32 v59, v13  }
0xf5: {  	v55 =	vmul.f32 v55, v1;
	v11 =	vor.u32 v43, v11;
	v5 =	vor.u32 v15, v28;
	v28 =	vld [tilespmem:s8+$0x180]  }
0xf6: {  	v12 =	vor.u32 v42, v12;
	v29 =	vadd.f32 v51, v52;
	v51 =	vmul.f32 v2, v1;
	v2 =	vld.idx.msk [tilespmem:v7+s16+$0x0], $0xffff  }
0xf7: {  	v6 =	vmul.f32 v6, v0;
	v52 =	vmul.f32 v10, v1;
	v10 =	vor.u32 v15, v11;
	v11 =	vld [tilespmem:s30+$0x190]  }
0xf8: {  	v3 =	vor.u32 v15, v3;
	v12 =	vor.u32 v15, v12;
	v15 =	vld [tilespmem:$0x1FE60]  }
0xf9: {  	v25 =	vmul.f32 v9, v0;
	v4 =	vmul.f32 v4, v1;
	[tilespmem:s14+$0xE180] =	vst v29;
	v6 =	vadd.f32 v6, v55;
	v55 =	vld [tilespmem:s20+$0x190]  }
0xfa: {  	v13 =	vld [tilespmem:s3+$0x190]  }
0xfb: {  	p1 =	por !p1, !p1;
	s2 =	simm.s32 $0x1;
	v29 =	vadd.s32 v17, v40;
	v4 =	vadd.f32 v25, v4;
	v25 =	vmul.f32 v63, v1;
	v63 =	vld [tilespmem:s26+$0x190]  }
0xfc: {  	s2 =	simm.s32 @!p1 $0x0;
	s5 =	sadd.s32 s1, s5;
	v7 =	vmul.f32 v47, v0;
	v47 =	vor.u32 v41, v29;
	v29 =	vld [tilespmem:$0x1FEF0];
	[tilespmem:s3+$0xE180] =	vst v6  }
0xfd: {  	s2 =	sshll.u32 s2, $0x9;
	s9 =	sadd.s32 $0x100, s5;
	v9 =	vmul.f32 v28, v0;
	v28 =	vmul.f32 v62, v1;
	v62 =	vld [tilespmem:s3+$0x1A0];
	[tilespmem:s20+$0xE180] =	vst v4  }
0xfe: {  	s31 =	sadd.s32 s2, s1;
	s5 =	sor.u32 $0x400, s9;
	s10 =	sor.u32 $0x420, s9;
	v2 =	vmul.f32 v2, v1;
	v6 =	vadd.f32 v7, v25;
	v25 =	vmul.f32 v14, v0;
	v3 =	vld.idx.msk [tilespmem:v3+s16+$0x0], $0xffff  }
0xff: {  	s29 =	sor.u32 $0x440, s9;
	s7 =	sor.u32 $0x410, s9;
	s14 =	sor.u32 $0x440, s31;
	v5 =	vld.idx.msk [tilespmem:v5+s16+$0x0], $0xffff  }
0x100: {  	s12 =	sor.u32 $0x430, s9;
	s0 =	sor.u32 $0x460, s9;
	[dreg:$0x16] =	wrdreg s14;
	v2 =	vadd.f32 v9, v2;
	[tilespmem:s30+$0xE180] =	vst v6;
	v7 =	vadd.f32 v25, v28;
	v28 =	vmul.f32 v55, v0;
	v55 =	vld [tilespmem:s26+$0x1A0]  }
0x101: {  	v8 =	vor.u32 v44, v8;
	s14 =	smov.u32 s15;
	s15 =	sor.u32 $0x450, s9;
	s9 =	sor.u32 $0x470, s9;
	v10 =	vld.idx.msk [tilespmem:v10+s16+$0x0], $0xffff  }
0x102: {  	[dreg:$0x17] =	wrdreg s9;
	s9 =	smov.u32 s19;
	s19 =	sor.u32 $0x460, s13;
	v8 =	vor.u32 v15, v8;
	v6 =	vmul.f32 v11, v0;
	[tilespmem:s8+$0xE180] =	vst v2;
	v9 =	vmul.f32 v62, v0;
	v62 =	vld [tilespmem:s30+$0x1A0]  }
0x103: {  	v4 =	vor.u32 v29, v47;
	v11 =	vmul.f32 v63, v0;
	v63 =	vadd.s32 v16, v61;
	[tilespmem:s26+$0xE180] =	vst v7;
	v47 =	vld [tilespmem:s19+$0x180]  }
0x104: {  	v13 =	vmul.f32 v13, v0;
	v2 =	vadd.s32 v16, v46;
	v25 =	vor.u32 v59, v63;
	v12 =	vld.idx.msk [tilespmem:v12+s16+$0x0], $0xffff  }
0x105: {  	v7 =	vor.u32 v15, v25;
	v25 =	vadd.s32 v16, v45;
	v3 =	vmul.f32 v3, v1;
	v16 =	vld [tilespmem:$0x1FE90]  }
0x106: {  	v14 =	vor.u32 v42, v25;
	v25 =	vld [tilespmem:$0x1FFA0]  }
0x107: {  	v3 =	vadd.f32 v13, v3;
	v13 =	vld [tilespmem:s3+$0x1B0];
	v10 =	vmul.f32 v10, v1  }
0x108: {  	v5 =	vmul.f32 v5, v1;
	v4 =	vld.idx.msk [tilespmem:v4+s16+$0x0], $0xffff  }
0x109: {  	v2 =	vor.u32 v43, v2;
	[tilespmem:s3+$0xE190] =	vst v3;
	v6 =	vadd.f32 v6, v10;
	v10 =	vor.u32 v15, v14;
	v14 =	vld [tilespmem:s20+$0x1A0]  }
0x10a: {  	v2 =	vor.u32 v15, v2;
	v5 =	vadd.f32 v28, v5;
	v8 =	vld.idx.msk [tilespmem:v8+s16+$0x0], $0xffff  }
0x10b: {  	v12 =	vmul.f32 v12, v1;
	v15 =	vld [tilespmem:$0x1FE80];
	v28 =	vadd.s32 v25, v40  }
0x10c: {  	[tilespmem:s20+$0xE190] =	vst v5;
	v47 =	vmul.f32 v47, v0;
	v63 =	vor.u32 v41, v28;
	v28 =	vld [tilespmem:$0x1FF10]  }
0x10d: {  	v3 =	vadd.s32 v16, v39;
	v7 =	vld.idx.msk [tilespmem:v7+s16+$0x0], $0xffff;
	v11 =	vadd.f32 v11, v12;
	v4 =	vmul.f32 v4, v1  }
0x10e: {  	v40 =	vmovc v61;
	v3 =	vor.u32 v44, v3;
	[tilespmem:s30+$0xE190] =	vst v6;
	v6 =	vld [tilespmem:s30+$0x1B0];
	v41 =	vmov v59;
	v59 =	vadd.s32 v16, v46  }
0x10f: {  	v2 =	vld.idx.msk [tilespmem:v2+s16+$0x0], $0xffff;
	[tilespmem:s26+$0xE190] =	vst v11;
	v4 =	vadd.f32 v47, v4;
	v47 =	vadd.s32 v16, v40  }
0x110: {  	v11 =	vmul.f32 v14, v0;
	v3 =	vor.u32 v15, v3;
	v10 =	vld.idx.msk [tilespmem:v10+s16+$0x0], $0xffff;
	v8 =	vmul.f32 v8, v1  }
0x111: {  	v14 =	vor.u32 v43, v59;
	v12 =	vor.u32 v41, v47;
	v5 =	vor.u32 v28, v63;
	v63 =	vld [tilespmem:s26+$0x1B0]  }
0x112: {  	v7 =	vmul.f32 v7, v1;
	[tilespmem:s19+$0xE180] =	vst v4;
	s19 =	sor.u32 $0x470, s13;
	v8 =	vadd.f32 v9, v8;
	v9 =	vor.u32 v15, v14;
	v14 =	vld [tilespmem:s30+$0x1C0]  }
0x113: {  	v18 =	vadd.s32 v19, v38;
	v4 =	vmul.f32 v13, v0;
	v12 =	vor.u32 v15, v12;
	v13 =	vld [tilespmem:s19+$0x180]  }
0x114: {  	v19 =	vadd.s32 v19, v36;
	v61 =	vmul.f32 v62, v0;
	v7 =	vadd.f32 v11, v7;
	v11 =	vld [tilespmem:s3+$0x1C0]  }
0x115: {  	v58 =	vor.u32 v35, v58;
	v62 =	vmul.f32 v55, v0;
	v2 =	vmul.f32 v2, v1;
	[tilespmem:s3+$0xE1A0] =	vst v8;
	v8 =	vld [tilespmem:s20+$0x1B0]  }
0x116: {  	v55 =	vor.u32 v35, v48;
	v48 =	vadd.s32 v25, v38;
	v59 =	vadd.s32 v16, v45;
	v3 =	vld.idx.msk [tilespmem:v3+s16+$0x0], $0xffff  }
0x117: {  	v59 =	vor.u32 v42, v59;
	v2 =	vadd.f32 v61, v2;
	v5 =	vld.idx.msk [tilespmem:v5+s16+$0x0], $0xffff;
	[tilespmem:s20+$0xE1A0] =	vst v7  }
0x118: {  	v16 =	vor.u32 v35, v57;
	v10 =	vmul.f32 v10, v1;
	v7 =	vor.u32 v15, v59;
	v12 =	vld.idx.msk [tilespmem:v12+s16+$0x0], $0xffff  }
0x119: {  	v47 =	vadd.s32 v25, v36;
	v6 =	vmul.f32 v6, v0;
	v61 =	vadd.s32 v22, v40;
	[tilespmem:s30+$0xE1A0] =	vst v2;
	v2 =	vld [tilespmem:s26+$0x1C0]  }
0x11a: {  	v61 =	vor.u32 v41, v61;
	v59 =	vadd.s32 v17, v38;
	v10 =	vadd.f32 v62, v10;
	v9 =	vld.idx.msk [tilespmem:v9+s16+$0x0], $0xffff  }
0x11b: {  	v62 =	vadd.s32 v22, v46;
	v15 =	vld [tilespmem:s30+$0x1D0];
	v13 =	vmul.f32 v13, v0;
	v3 =	vmul.f32 v3, v1  }
0x11c: {  	v38 =	vmov v46;
	v46 =	vld [tilespmem:s30+$0x1E0];
	[tilespmem:s26+$0xE1A0] =	vst v10;
	v8 =	vmul.f32 v8, v0;
	v5 =	vmul.f32 v5, v1  }
0x11d: {  	v7 =	vld.idx.msk [tilespmem:v7+s16+$0x0], $0xffff;
	v3 =	vadd.f32 v4, v3;
	v10 =	vmul.f32 v12, v1;
	v12 =	vor.u32 v21, v61  }
0x11e: {  	v35 =	vmovc v44;
	v5 =	vadd.f32 v13, v5;
	v13 =	vor.u32 v44, v60;
	v60 =	vadd.s32 v17, v36;
	v17 =	vld [tilespmem:s26+$0x1D0]  }
0x11f: {  	v36 =	vmul.f32 v9, v1;
	[tilespmem:s3+$0xE1B0] =	vst v3;
	v13 =	vor.u32 v21, v13;
	v8 =	vadd.f32 v8, v10;
	v10 =	vld [tilespmem:s3+$0x1E0]  }
0x120: {  	v57 =	vor.u32 v35, v56;
	v61 =	vor.u32 v43, v62;
	[tilespmem:s19+$0xE180] =	vst v5;
	v5 =	vld [tilespmem:s3+$0x1D0]  }
0x121: {  	v56 =	vadd.s32 v22, v45;
	v44 =	vor.u32 v21, v61;
	v3 =	vadd.f32 v6, v36;
	[tilespmem:s20+$0xE1B0] =	vst v8;
	v6 =	vld [tilespmem:s20+$0x1C0]  }
0x122: {  	v63 =	vmul.f32 v63, v0;
	v61 =	vor.u32 v42, v56;
	v56 =	vadd.s32 v31, v45;
	v12 =	vld.idx.msk [tilespmem:v12+s16+$0x0], $0xffff  }
0x123: {  	v36 =	vadd.s32 v33, v40;
	v8 =	vmul.f32 v15, v0;
	v7 =	vmul.f32 v7, v1;
	[tilespmem:s30+$0xE1B0] =	vst v3;
	v3 =	vld [tilespmem:s26+$0x1E0]  }
0x124: {  	v15 =	vmul.f32 v17, v0;
	v17 =	vor.u32 v35, v53;
	v53 =	vmul.f32 v46, v0;
	v13 =	vld.idx.msk [tilespmem:v13+s16+$0x0], $0xffff  }
0x125: {  	v7 =	vadd.f32 v63, v7;
	v46 =	vld [tilespmem:s3+$0x1F0];
	v4 =	vmul.f32 v5, v0;
	v5 =	vor.u32 v21, v61  }
0x126: {  	v9 =	vor.u32 v41, v36;
	v36 =	vmov v45;
	v61 =	vmul.f32 v10, v0;
	v10 =	vld.idx.msk [tilespmem:v44+s16+$0x0], $0xffff  }
0x127: {  	s19 =	rddreg [dreg:$0x12];
	v45 =	vld [tilespmem:s30+$0x1F0];
	v44 =	vor.u32 v35, v54;
	[tilespmem:s26+$0xE1B0] =	vst v7;
	v6 =	vmul.f32 v6, v0;
	v7 =	vmul.f32 v12, v1  }
0x128: {  	v11 =	vmul.f32 v11, v0;
	v9 =	vor.u32 v32, v9;
	v21 =	vld [tilespmem:s19+$0x180];
	v12 =	vor.u32 v32, v44  }
0x129: {  	v54 =	vmul.f32 v3, v0;
	v3 =	vld [tilespmem:s26+$0x1F0];
	v13 =	vmul.f32 v13, v1;
	v6 =	vadd.f32 v6, v7  }
0x12a: {  	s8 =	rddreg [dreg:$0xf];
	v16 =	vor.u32 v23, v16;
	v14 =	vmul.f32 v14, v0;
	v63 =	vadd.s32 v33, v38;
	v5 =	vld.idx.msk [tilespmem:v5+s16+$0x0], $0xffff  }
0x12b: {  	v44 =	vor.u32 v43, v63;
	v10 =	vmul.f32 v10, v1;
	v11 =	vadd.f32 v11, v13;
	[tilespmem:s20+$0xE1C0] =	vst v6;
	v6 =	vld [tilespmem:s8+$0x180]  }
0x12c: {  	v18 =	vor.u32 v37, v18;
	v7 =	vor.u32 v32, v44;
	v44 =	vadd.s32 v33, v36;
	v13 =	vld [tilespmem:s20+$0x1D0]  }
0x12d: {  	v22 =	vmov v20;
	v44 =	vor.u32 v42, v44;
	v9 =	vld.idx.msk [tilespmem:v9+s16+$0x0], $0xffff;
	v10 =	vadd.f32 v14, v10;
	[tilespmem:s3+$0xE1C0] =	vst v11  }
0x12e: {  	v2 =	vmul.f32 v2, v0;
	v20 =	vadd.s32 v27, v36;
	v11 =	vor.u32 v32, v44;
	v12 =	vld.idx.msk [tilespmem:v12+s16+$0x0], $0xffff  }
0x12f: {  	v44 =	vmul.f32 v3, v0;
	[tilespmem:s30+$0xE1C0] =	vst v10;
	v3 =	vld.idx.msk [tilespmem:v16+s16+$0x0], $0xffff;
	v10 =	vmul.f32 v21, v0  }
0x130: {  	s13 =	rddreg [dreg:$0xe];
	v63 =	vadd.s32 v27, v38;
	v14 =	vor.u32 v34, v19;
	v21 =	vld [tilespmem:$0x1FF20];
	v5 =	vmul.f32 v5, v1  }
0x131: {  	v16 =	vor.u32 v23, v18;
	v18 =	vld [tilespmem:s13+$0x180];
	v6 =	vmul.f32 v6, v0;
	v10 =	vadd.f32 v10, v51  }
0x132: {  	v27 =	vadd.s32 v27, v40;
	v14 =	vor.u32 v23, v14;
	v7 =	vld.idx.msk [tilespmem:v7+s16+$0x0], $0xffff;
	v2 =	vadd.f32 v2, v5  }
0x133: {  	v19 =	vld [tilespmem:$0x1FF90];
	v5 =	vor.u32 v41, v27;
	v9 =	vmul.f32 v9, v1;
	[tilespmem:s19+$0xE180] =	vst v10;
	v6 =	vadd.f32 v6, v52  }
0x134: {  	v52 =	vor.u32 v43, v63;
	s19 =	rddreg [dreg:$0x11];
	v10 =	vor.u32 v29, v58;
	v58 =	vld [tilespmem:s20+$0x1E0];
	[tilespmem:s26+$0xE1C0] =	vst v2;
	v2 =	vmul.f32 v13, v0  }
0x135: {  	v5 =	vor.u32 v21, v5;
	v13 =	vor.u32 v21, v17;
	v51 =	vmul.f32 v12, v1;
	v17 =	vld [tilespmem:s19+$0x180]  }
0x136: {  	v12 =	vor.u32 v21, v52;
	v3 =	vmul.f32 v3, v1;
	v11 =	vld.idx.msk [tilespmem:v11+s16+$0x0], $0xffff;
	[tilespmem:s8+$0xE180] =	vst v6;
	s8 =	smov.u32 s29  }
0x137: {  	v27 =	vmul.f32 v18, v0;
	v18 =	vor.u32 v34, v60;
	v2 =	vadd.f32 v2, v9;
	v9 =	vld.idx.msk [tilespmem:v16+s16+$0x0], $0xffff;
	[dreg:$0xf] =	wrdreg s8  }
0x138: {  	v63 =	vmul.f32 v7, v1;
	v16 =	vor.u32 v28, v55;
	v55 =	vor.u32 v42, v20;
	s8 =	rddreg [dreg:$0x8];
	v20 =	vld [tilespmem:$0x1FF30]  }
0x139: {  	v4 =	vadd.f32 v4, v51;
	v51 =	vor.u32 v37, v59;
	v3 =	vadd.f32 v27, v3;
	v27 =	vld [tilespmem:s8+$0x180]  }
0x13a: {  	v52 =	vadd.f32 v8, v63;
	v6 =	vor.u32 v21, v55;
	[tilespmem:s20+$0xE1D0] =	vst v2;
	v2 =	vld.idx.msk [tilespmem:v14+s16+$0x0], $0xffff  }
0x13b: {  	v63 =	vor.u32 v29, v51;
	[tilespmem:s3+$0xE1D0] =	vst v4;
	v5 =	vld.idx.msk [tilespmem:v5+s16+$0x0], $0xffff;
	v11 =	vmul.f32 v11, v1  }
0x13c: {  	v13 =	vld.idx.msk [tilespmem:v13+s16+$0x0], $0xffff;
	[tilespmem:s30+$0xE1D0] =	vst v52;
	v59 =	vmul.f32 v17, v0;
	v60 =	vmul.f32 v9, v1  }
0x13d: {  	v62 =	vadd.s32 v31, v38;
	[tilespmem:s13+$0xE180] =	vst v3;
	v12 =	vld.idx.msk [tilespmem:v12+s16+$0x0], $0xffff;
	v11 =	vadd.f32 v15, v11  }
0x13e: {  	v31 =	vadd.s32 v31, v40;
	v55 =	vor.u32 v19, v57;
	s13 =	rddreg [dreg:$0x6];
	v10 =	vld.idx.msk [tilespmem:v10+s16+$0x0], $0xffff;
	v4 =	vadd.f32 v59, v60  }
0x13f: {  	v57 =	vor.u32 v43, v62;
	v52 =	vld [tilespmem:s13+$0x180];
	v2 =	vmul.f32 v2, v1;
	v60 =	vmul.f32 v27, v0;
	[tilespmem:s26+$0xE1D0] =	vst v11  }
0x140: {  	v51 =	vmul.f32 v58, v0;
	v3 =	vor.u32 v41, v31;
	v6 =	vld.idx.msk [tilespmem:v6+s16+$0x0], $0xffff;
	[tilespmem:s19+$0xE180] =	vst v4  }
0x141: {  	v3 =	vor.u32 v19, v3;
	v5 =	vmul.f32 v5, v1;
	s19 =	rddreg [dreg:$0xb];
	v2 =	vadd.f32 v60, v2;
	v59 =	vld.idx.msk [tilespmem:v63+s16+$0x0], $0xffff  }
0x142: {  	v62 =	vor.u32 v19, v57;
	v58 =	vmul.f32 v13, v1;
	v63 =	vld [tilespmem:s19+$0x180]  }
0x143: {  	v17 =	vor.u32 v29, v18;
	v31 =	vor.u32 v42, v56;
	v5 =	vadd.f32 v51, v5;
	v51 =	vld [tilespmem:s20+$0x1F0];
	[tilespmem:s8+$0xE180] =	vst v2  }
0x144: {  	v27 =	vor.u32 v37, v48;
	v37 =	vmovc v43;
	v12 =	vmul.f32 v12, v1;
	v4 =	vadd.f32 v61, v58;
	v58 =	vld [tilespmem:s24+$0x180]  }
0x145: {  	v8 =	vmul.f32 v52, v0;
	v43 =	vmul.f32 v10, v1;
	[tilespmem:s20+$0xE1E0] =	vst v5;
	v5 =	vor.u32 v19, v31;
	v19 =	vld [tilespmem:$0x1FF60]  }
0x146: {  	v48 =	vadd.f32 v53, v12;
	[tilespmem:s3+$0xE1E0] =	vst v4;
	v3 =	vld.idx.msk [tilespmem:v3+s16+$0x0], $0xffff  }
0x147: {  	v56 =	vadd.s32 v30, v40;
	v8 =	vadd.f32 v8, v43;
	v11 =	vld.idx.msk [tilespmem:v55+s16+$0x0], $0xffff  }
0x148: {  	v15 =	vor.u32 v41, v56;
	[tilespmem:s30+$0xE1E0] =	vst v48;
	v55 =	vld.idx.msk [tilespmem:v17+s16+$0x0], $0xffff  }
0x149: {  	v52 =	vor.u32 v28, v27;
	[tilespmem:s13+$0xE180] =	vst v8;
	v6 =	vmul.f32 v6, v1;
	v13 =	vld.idx.msk [tilespmem:v62+s16+$0x0], $0xffff  }
0x14a: {  	v17 =	vadd.s32 v30, v38;
	v61 =	vld [tilespmem:s23+$0x180];
	v53 =	vmul.f32 v63, v0;
	v7 =	vmul.f32 v59, v1  }
0x14b: {  	s6 =	sor.u32 $0x450, s31;
	v16 =	vld.idx.msk [tilespmem:v16+s16+$0x0], $0xffff;
	v59 =	vmul.f32 v51, v0;
	v63 =	vor.u32 v37, v17;
	v6 =	vadd.f32 v54, v6  }
0x14c: {  	s21 =	sadd.s32 $0x4, s21;
	s2 =	sor.u32 $0x460, s31;
	s29 =	smov.u32 s6;
	v17 =	vld [tilespmem:$0x1FF30];
	v4 =	vadd.f32 v53, v7;
	v60 =	vor.u32 v19, v15;
	v3 =	vmul.f32 v3, v1  }
0x14d: {  	v46 =	vmul.f32 v46, v0;
	[dreg:$0xe] =	wrdreg s29;
	s29 =	smov.u32 s15;
	s15 =	sand.u32 $0x7, s21;
	v57 =	vor.u32 v35, v50;
	v51 =	vld [tilespmem:$0x1FF70];
	[tilespmem:s26+$0xE1E0] =	vst v6  }
0x14e: {  	s8 =	smov.u32 s2;
	s2 =	sshll.u32 s15, $0x7;
	v62 =	vmul.f32 v11, v1;
	v5 =	vld.idx.msk [tilespmem:v5+s16+$0x0], $0xffff;
	[tilespmem:s19+$0xE180] =	vst v4;
	v3 =	vadd.f32 v59, v3  }
0x14f: {  	v45 =	vmul.f32 v45, v0;
	v50 =	vor.u32 v34, v47;
	s2 =	sadd.s32 s1, s2;
	v8 =	vor.u32 v19, v57;
	v27 =	vld.idx.msk [tilespmem:v52+s16+$0x0], $0xffff  }
0x150: {  	v18 =	vadd.s32 v30, v36;
	v20 =	vadd.s32 v20, v40;
	s13 =	sadd.s32 $0x180, s2;
	v4 =	vadd.f32 v46, v62;
	[tilespmem:s20+$0xE1F0] =	vst v3;
	v3 =	vld [tilespmem:s28+$0x180]  }
0x151: {  	[dreg:$0x8] =	wrdreg s29;
	v2 =	vmov s4;
	s29 =	sor.u32 $0x400, s13;
	v11 =	vor.u32 v19, v63;
	v13 =	vmul.f32 v13, v1;
	v10 =	vld.idx.msk [tilespmem:v60+s16+$0x0], $0xffff  }
0x152: {  	s25 =	sor.u32 $0x400, s31;
	v43 =	vor.u32 v35, v49;
	v48 =	vor.u32 v42, v18;
	v7 =	vmul.f32 v58, v0;
	[tilespmem:s3+$0xE1F0] =	vst v4;
	v18 =	vld [tilespmem:s29+$0x180]  }
0x153: {  	v49 =	vor.u32 v19, v48;
	v9 =	vmul.f32 v55, v1;
	v46 =	vadd.f32 v45, v13;
	v19 =	vld [tilespmem:s25+$0x180]  }
0x154: {  	v14 =	vshll.u32 v2, $0x7;
	v2 =	vshll.u32 v2, $0x8;
	v8 =	vld.idx.msk [tilespmem:v8+s16+$0x0], $0xffff;
	v5 =	vmul.f32 v5, v1  }
0x155: {  	v20 =	vor.u32 v41, v20;
	[dreg:$0x6] =	wrdreg s8;
	s8 =	sadd.s32 $0x80, s2;
	v47 =	vand.u32 $0x7800, v2;
	v7 =	vadd.f32 v7, v9;
	[tilespmem:s30+$0xE1F0] =	vst v46;
	v46 =	vld [tilespmem:$0x1FFE0]  }
0x156: {  	s15 =	sor.u32 $0x400, s8;
	v15 =	vmul.f32 v61, v0;
	v11 =	vld.idx.msk [tilespmem:v11+s16+$0x0], $0xffff;
	v52 =	vmul.f32 v27, v1;
	v5 =	vadd.f32 v44, v5  }
0x157: {  	v53 =	vor.u32 v28, v50;
	[tilespmem:s24+$0xE180] =	vst v7;
	v55 =	vld [tilespmem:s15+$0x180];
	v3 =	vmul.f32 v3, v0;
	v56 =	vmul.f32 v18, v0  }
0x158: {  	s19 =	sor.u32 $0x440, s8;
	[tilespmem:s26+$0xE1F0] =	vst v5;
	v10 =	vmul.f32 v10, v1;
	v18 =	vor.u32 v51, v20;
	v57 =	vmul.f32 v19, v0;
	v19 =	vld [tilespmem:$0x1FF30]  }
0x159: {  	v16 =	vmul.f32 v16, v1;
	v17 =	vadd.s32 v17, v38;
	[dreg:$0x12] =	wrdreg s19;
	s19 =	sor.u32 $0x450, s8;
	v20 =	vld [tilespmem:s14+$0x180];
	v3 =	vadd.f32 v3, v52  }
0x15a: {  	v12 =	vor.u32 v51, v43;
	[dreg:$0x11] =	wrdreg s19;
	s19 =	sor.u32 $0x460, s8;
	v8 =	vmul.f32 v8, v1;
	v9 =	vld.idx.msk [tilespmem:v49+s16+$0x0], $0xffff;
	v5 =	vadd.f32 v56, v10  }
0x15b: {  	v48 =	vadd.s32 v25, v39;
	v17 =	vor.u32 v37, v17;
	v15 =	vadd.f32 v15, v16;
	[dreg:$0xb] =	wrdreg s19;
	s19 =	sadd.s32 $0x1, s4;
	v16 =	vld [tilespmem:s5+$0x180];
	[tilespmem:s28+$0xE180] =	vst v3  }
0x15c: {  	v59 =	vor.u32 v51, v17;
	v54 =	vmov s19;
	v4 =	vadd.f32 v57, v8;
	v3 =	vld.idx.msk [tilespmem:v53+s16+$0x0], $0xffff;
	[tilespmem:s29+$0xE180] =	vst v5  }
0x15d: {  	[tilespmem:s23+$0xE180] =	vst v15;
	v13 =	vshll.u32 v54, $0x8;
	s26 =	sadd.s32 $0x2, s4;
	v60 =	vmul.f32 v55, v0;
	v61 =	vmul.f32 v11, v1;
	s29 =	sor.u32 $0x410, s13;
	v5 =	vld.idx.msk [tilespmem:v18+s16+$0x0], $0xffff  }
0x15e: {  	v34 =	vmovc v42;
	v44 =	vand.u32 $0x200, v14;
	v17 =	vadd.s32 v46, v39;
	v58 =	vmov s26;
	[tilespmem:s25+$0xE180] =	vst v4;
	v31 =	vld [tilespmem:s29+$0x180]  }
0x15f: {  	s18 =	sor.u32 $0x410, s31;
	v52 =	vor.u32 v35, v17;
	v63 =	vadd.f32 v60, v61;
	v2 =	vadd.s32 v19, v36;
	v42 =	vld.idx.msk [tilespmem:v12+s16+$0x0], $0xffff  }
0x160: {  	v2 =	vor.u32 v34, v2;
	v43 =	vmul.f32 v16, v0;
	v9 =	vmul.f32 v9, v1;
	v16 =	vld [tilespmem:s18+$0x180]  }
0x161: {  	[tilespmem:s15+$0xE180] =	vst v63;
	v62 =	vmul.f32 v20, v0;
	v2 =	vor.u32 v51, v2;
	v51 =	vadd.s32 v46, v40  }
0x162: {  	s6 =	sor.u32 $0x410, s8;
	v11 =	vshll.u32 v54, $0x7;
	v20 =	vmovc v22;
	v4 =	vld.idx.msk [tilespmem:v59+s16+$0x0], $0xffff;
	v9 =	vadd.f32 v43, v9;
	v12 =	vor.u32 v41, v51  }
0x163: {  	v17 =	vld [tilespmem:s6+$0x180];
	v53 =	vor.u32 v20, v12;
	v6 =	vmul.f32 v31, v0;
	v5 =	vmul.f32 v5, v1  }
0x164: {  	v23 =	vld [tilespmem:$0x1FEC0];
	v45 =	vshll.u32 v58, $0x7;
	v18 =	vadd.s32 v46, v38;
	v3 =	vmul.f32 v3, v1;
	[tilespmem:s5+$0xE180] =	vst v9  }
0x165: {  	v55 =	vor.u32 v37, v18;
	v56 =	vmul.f32 v16, v0;
	v16 =	vld [tilespmem:s7+$0x180];
	v5 =	vadd.f32 v6, v5  }
0x166: {  	s11 =	sor.u32 $0x420, s31;
	v54 =	vor.u32 v20, v52;
	v3 =	vadd.f32 v62, v3;
	v7 =	vmul.f32 v42, v1;
	v2 =	vld.idx.msk [tilespmem:v2+s16+$0x0], $0xffff  }
0x167: {  	[dreg:$0x14] =	wrdreg s12;
	s12 =	sor.u32 $0x430, s31;
	s31 =	sor.u32 $0x470, s31;
	v61 =	vadd.s32 v46, v36;
	v18 =	vld [tilespmem:$0x1FFD0];
	v57 =	vor.u32 v20, v55;
	v4 =	vmul.f32 v4, v1;
	[tilespmem:s29+$0xE180] =	vst v5  }
0x168: {  	s23 =	smov.u32 s31;
	s31 =	sor.u32 $0x420, s13;
	v6 =	vshll.u32 v58, $0x8;
	[tilespmem:s14+$0xE180] =	vst v3;
	v58 =	vmul.f32 v17, v0;
	v3 =	vadd.f32 v56, v7;
	v9 =	vld.idx.msk [tilespmem:v53+s16+$0x0], $0xffff  }
0x169: {  	v60 =	vadd.s32 v23, v39;
	v62 =	vor.u32 v34, v61;
	v17 =	vadd.s32 v24, v47;
	v63 =	vld [tilespmem:s31+$0x180]  }
0x16a: {  	[tilespmem:s18+$0xE180] =	vst v3;
	v3 =	vadd.f32 v58, v4;
	v25 =	vmul.f32 v16, v0;
	v16 =	vor.u32 v44, v17;
	v17 =	vld [tilespmem:$0x1FFC0]  }
0x16b: {  	v46 =	vand.u32 $0x7800, v13;
	v4 =	vor.u32 v20, v62;
	v12 =	vld.idx.msk [tilespmem:v54+s16+$0x0], $0xffff;
	v2 =	vmul.f32 v2, v1  }
0x16c: {  	v52 =	vor.u32 v35, v60;
	v43 =	vand.u32 $0x280, v11;
	v51 =	vadd.s32 v23, v36;
	v27 =	vld [tilespmem:s11+$0x180];
	[tilespmem:s6+$0xE180] =	vst v3  }
0x16d: {  	s2 =	sor.u32 $0x420, s8;
	v28 =	vadd.s32 v18, v40;
	v3 =	vor.u32 v26, v16;
	v10 =	vld.idx.msk [tilespmem:v57+s16+$0x0], $0xffff;
	v2 =	vadd.f32 v25, v2  }
0x16e: {  	v42 =	vand.u32 $0x300, v45;
	v59 =	vadd.s32 v18, v39;
	v14 =	vor.u32 v41, v28;
	v29 =	vld [tilespmem:s2+$0x180]  }
0x16f: {  	v30 =	vmul.f32 v9, v1;
	[tilespmem:s7+$0xE180] =	vst v2;
	v2 =	vmul.f32 v63, v0;
	v31 =	vor.u32 v17, v14  }
0x170: {  	v45 =	vand.u32 $0x7800, v6;
	v5 =	vor.u32 v35, v59;
	v16 =	vadd.s32 v18, v38;
	v4 =	vld.idx.msk [tilespmem:v4+s16+$0x0], $0xffff  }
0x171: {  	v49 =	vor.u32 v37, v16;
	v5 =	vor.u32 v17, v5;
	v50 =	vld [tilespmem:s10+$0x180];
	v2 =	vadd.f32 v2, v30  }
0x172: {  	v11 =	vmul.f32 v27, v0;
	v12 =	vmul.f32 v12, v1;
	v63 =	vadd.s32 v18, v36;
	v55 =	vld.idx.msk [tilespmem:v3+s16+$0x0], $0xffff  }
0x173: {  	s3 =	sor.u32 $0x470, s8;
	v22 =	vld [tilespmem:$0x1FF40];
	v3 =	vor.u32 v17, v49;
	v61 =	vmul.f32 v29, v0;
	v62 =	vmul.f32 v10, v1;
	[tilespmem:s31+$0xE180] =	vst v2  }
0x174: {  	s28 =	smov.u32 s3;
	s3 =	sor.u32 $0x430, s13;
	v25 =	vadd.s32 v24, v45;
	v28 =	vor.u32 v34, v63;
	v60 =	vadd.f32 v11, v12;
	v9 =	vld.idx.msk [tilespmem:v31+s16+$0x0], $0xffff  }
0x175: {  	p2 =	slt.u32 s4, $0x6C;
	v10 =	vadd.s32 v23, v38;
	v54 =	vor.u32 v17, v28;
	v27 =	vadd.f32 v61, v62;
	v29 =	vld [tilespmem:s3+$0x180]  }
.Ltmp2:
0x176: {  	v2 =	vadd.s32 v24, v46;
	[tilespmem:s11+$0xE180] =	vst v60;
	v30 =	vmul.f32 v50, v0;
	v4 =	vmul.f32 v4, v1;
	(pc) =	sbr.rel @p2 .LBB2_3-.Ltmp2, $4  }
0x177: {  	v58 =	vld.idx.msk [tilespmem:v5+s16+$0x0], $0xffff;
	v2 =	vor.u32 v43, v2;
	v31 =	vor.u32 v42, v25;
	[tilespmem:s2+$0xE180] =	vst v27  }
0x178: {  	s20 =	sor.u32 $0x430, s8;
	s30 =	rddreg [dreg:$0x17];
	v63 =	vor.u32 v26, v2;
	v56 =	vld.idx.msk [tilespmem:v3+s16+$0x0], $0xffff;
	v3 =	vadd.s32 v23, v40;
	v2 =	vadd.f32 v30, v4  }
0x179: {  	s24 =	smov.u32 s0;
	s15 =	smov.u32 s30;
	s14 =	rddreg [dreg:$0x16];
	v53 =	vor.u32 v37, v10;
	v59 =	vld [tilespmem:s12+$0x180];
	v49 =	vor.u32 v26, v31;
	v3 =	vor.u32 v41, v3  }
0x17a: {  	s11 =	rddreg [dreg:$0x14];
	s2 =	sadd.s32 $0x3, s4;
	s4 =	sadd.s32 $0x4, s4;
	v57 =	vld [tilespmem:s20+$0x180];
	v60 =	vor.u32 v22, v3;
	[tilespmem:s10+$0xE180] =	vst v2;
	v61 =	vmul.f32 v29, v0;
	v62 =	vmul.f32 v9, v1  }
0x17b: {  	v2 =	vmov s2  }
0x17c: {  	v3 =	vshll.u32 v2, $0x8  }
0x17d: {  	v18 =	vand.u32 $0x7800, v3;
	v3 =	vld [tilespmem:$0x1FE30];
	_ =	sdelay $0x3  }
0x17e: {  	v2 =	vshll.u32 v2, $0x7  }
0x17f: {  	v50 =	vand.u32 $0x380, v2;
	v3 =	vadd.s32 v3, v18  }
0x180: {  	v2 =	vor.u32 v50, v3;
	v3 =	vld [tilespmem:$0x1FE20];
	_ =	sdelay $0x4  }
0x181: {  	v2 =	vor.u32 v3, v2  }
0x182: {  	s31 =	sadd.s32 $0x200, s22;
	s1 =	sadd.s32 $0x400, s1;
	v25 =	vld [tilespmem:$0x1FE50]  }
0x183: {  	v5 =	vld.idx.msk [tilespmem:v63+s16+$0x0], $0xffff;
	s4 =	sand.u32 $0x7800, s1;
	s0 =	sand.u32 $0x380, s31  }
0x184: {  	v63 =	vld [tilespmem:$0x1FE40];
	s0 =	sor.u32 s4, s0  }
0x185: {  	v3 =	vld [tilespmem:s0+$0x180]  }
0x186: {  	s5 =	sadd.s32 $0xFFFFFE80, s31;
	v2 =	vld.idx.msk [tilespmem:v2+s16+$0x0], $0xffff  }
0x187: {  	s5 =	sand.u32 $0x200, s5  }
0x188: {  	s5 =	sor.u32 s5, s4  }
0x189: {  	v7 =	vld [tilespmem:s5+$0x180];
	v4 =	vadd.s32 v25, v18  }
0x18a: {  	s6 =	sadd.s32 $0xFFFFFF00, s31;
	v4 =	vor.u32 v50, v4  }
0x18b: {  	s7 =	sadd.s32 $0xFFFFFF80, s31;
	s6 =	sand.u32 $0x280, s6;
	v4 =	vor.u32 v63, v4;
	v3 =	vmul.f32 v3, v0;
	v2 =	vmul.f32 v2, v1  }
0x18c: {  	v6 =	vld.idx.msk [tilespmem:v49+s16+$0x0], $0xffff;
	s7 =	sand.u32 $0x300, s7;
	s6 =	sor.u32 s4, s6  }
0x18d: {  	s4 =	sor.u32 s4, s7;
	v8 =	vld [tilespmem:s6+$0x180];
	v2 =	vadd.f32 v3, v2;
	v3 =	vadd.s32 v25, v47  }
0x18e: {  	v11 =	vmul.f32 v55, v1;
	v9 =	vld [tilespmem:s4+$0x180];
	v7 =	vmul.f32 v7, v0;
	v3 =	vor.u32 v44, v3  }
0x18f: {  	v12 =	vld [tilespmem:s0+$0x190];
	[tilespmem:s0+$0xE180] =	vst v2;
	v3 =	vor.u32 v63, v3  }
0x190: {  	v7 =	vadd.f32 v7, v11;
	v4 =	vld.idx.msk [tilespmem:v4+s16+$0x0], $0xffff  }
0x191: {  	v10 =	vadd.s32 v25, v45;
	v5 =	vmul.f32 v5, v1;
	v6 =	vmul.f32 v6, v1;
	v23 =	vld [tilespmem:$0x1FE70]  }
0x192: {  	v13 =	vld [tilespmem:s5+$0x190];
	v10 =	vor.u32 v42, v10;
	v8 =	vmul.f32 v8, v0;
	v2 =	vadd.s32 v25, v46;
	[tilespmem:s5+$0xE180] =	vst v7  }
0x193: {  	v10 =	vor.u32 v63, v10;
	v9 =	vmul.f32 v9, v0;
	v2 =	vor.u32 v43, v2;
	v26 =	vld [tilespmem:$0x1FE60]  }
0x194: {  	v5 =	vadd.f32 v8, v5;
	v2 =	vor.u32 v63, v2;
	v3 =	vld.idx.msk [tilespmem:v3+s16+$0x0], $0xffff  }
0x195: {  	v6 =	vadd.f32 v9, v6  }
0x196: {  	v49 =	vld [tilespmem:s6+$0x190];
	v15 =	vmul.f32 v12, v0;
	[tilespmem:s6+$0xE180] =	vst v5;
	v31 =	vadd.s32 v23, v18;
	v4 =	vmul.f32 v4, v1  }
0x197: {  	v14 =	vld [tilespmem:s4+$0x190];
	[tilespmem:s4+$0xE180] =	vst v6;
	v55 =	vor.u32 v50, v31  }
0x198: {  	v5 =	vld.idx.msk [tilespmem:v10+s16+$0x0], $0xffff;
	v30 =	vadd.s32 v23, v47;
	v9 =	vor.u32 v26, v55;
	v4 =	vadd.f32 v15, v4  }
0x199: {  	v7 =	vmul.f32 v13, v0;
	v2 =	vld.idx.msk [tilespmem:v2+s16+$0x0], $0xffff;
	v31 =	vor.u32 v44, v30;
	v3 =	vmul.f32 v3, v1  }
0x19a: {  	v11 =	vld [tilespmem:s0+$0x1A0];
	[tilespmem:s0+$0xE190] =	vst v4;
	v4 =	vor.u32 v26, v31  }
0x19b: {  	v13 =	vld [tilespmem:s5+$0x1A0];
	v6 =	vmul.f32 v49, v0;
	v49 =	vadd.s32 v23, v46;
	v3 =	vadd.f32 v7, v3  }
0x19c: {  	v8 =	vor.u32 v43, v49;
	v30 =	vadd.s32 v23, v45;
	v29 =	vld [tilespmem:$0x1FE90]  }
0x19d: {  	v55 =	vmul.f32 v14, v0;
	v8 =	vor.u32 v26, v8;
	v9 =	vld.idx.msk [tilespmem:v9+s16+$0x0], $0xffff;
	[tilespmem:s5+$0xE190] =	vst v3  }
0x19e: {  	v12 =	vor.u32 v42, v30;
	v5 =	vmul.f32 v5, v1;
	v2 =	vmul.f32 v2, v1;
	v28 =	vld [tilespmem:$0x1FE80]  }
0x19f: {  	v7 =	vor.u32 v26, v12;
	v4 =	vld.idx.msk [tilespmem:v4+s16+$0x0], $0xffff  }
0x1a0: {  	v5 =	vadd.f32 v55, v5;
	v55 =	vld [tilespmem:s4+$0x1A0];
	v2 =	vadd.f32 v6, v2  }
0x1a1: {  	v30 =	vld [tilespmem:s0+$0x1B0];
	v31 =	vadd.s32 v29, v18  }
0x1a2: {  	v6 =	vld [tilespmem:s6+$0x1A0];
	v3 =	vmul.f32 v11, v0;
	[tilespmem:s6+$0xE190] =	vst v2;
	v49 =	vor.u32 v50, v31;
	v9 =	vmul.f32 v9, v1  }
0x1a3: {  	[tilespmem:s4+$0xE190] =	vst v5;
	v2 =	vld.idx.msk [tilespmem:v8+s16+$0x0], $0xffff;
	v10 =	vor.u32 v28, v49  }
0x1a4: {  	v5 =	vld.idx.msk [tilespmem:v7+s16+$0x0], $0xffff;
	v7 =	vmul.f32 v13, v0;
	v3 =	vadd.f32 v3, v9;
	v4 =	vmul.f32 v4, v1  }
0x1a5: {  	v55 =	vmul.f32 v55, v0;
	v49 =	vadd.s32 v29, v47  }
0x1a6: {  	v15 =	vadd.s32 v29, v46;
	v13 =	vld [tilespmem:s5+$0x1B0];
	v8 =	vor.u32 v44, v49;
	[tilespmem:s0+$0xE1A0] =	vst v3;
	v4 =	vadd.f32 v7, v4  }
0x1a7: {  	v31 =	vadd.s32 v29, v45;
	v3 =	vmul.f32 v6, v0;
	v8 =	vor.u32 v28, v8;
	v24 =	vld [tilespmem:$0x1FEB0]  }
0x1a8: {  	v2 =	vmul.f32 v2, v1;
	[tilespmem:s5+$0xE1A0] =	vst v4;
	v9 =	vld.idx.msk [tilespmem:v10+s16+$0x0], $0xffff;
	v10 =	vor.u32 v43, v15  }
0x1a9: {  	v12 =	vor.u32 v42, v31;
	v15 =	vmul.f32 v30, v0;
	v30 =	vld [tilespmem:$0x1FEA0];
	v10 =	vor.u32 v28, v10  }
0x1aa: {  	v5 =	vmul.f32 v5, v1;
	v7 =	vor.u32 v28, v12;
	v2 =	vadd.f32 v3, v2;
	v3 =	vld [tilespmem:s6+$0x1B0]  }
0x1ab: {  	v12 =	vld [tilespmem:s4+$0x1B0]  }
0x1ac: {  	v5 =	vadd.f32 v55, v5;
	v8 =	vld.idx.msk [tilespmem:v8+s16+$0x0], $0xffff;
	v49 =	vadd.s32 v24, v18  }
0x1ad: {  	[tilespmem:s6+$0xE1A0] =	vst v2;
	v55 =	vor.u32 v50, v49  }
0x1ae: {  	[tilespmem:s4+$0xE1A0] =	vst v5;
	v9 =	vmul.f32 v9, v1;
	v6 =	vor.u32 v30, v55;
	v2 =	vld.idx.msk [tilespmem:v10+s16+$0x0], $0xffff  }
0x1af: {  	v5 =	vld.idx.msk [tilespmem:v7+s16+$0x0], $0xffff;
	v31 =	vadd.s32 v24, v45;
	v49 =	vadd.s32 v24, v47;
	v3 =	vmul.f32 v3, v0  }
0x1b0: {  	v55 =	vmul.f32 v13, v0;
	v14 =	vor.u32 v44, v49;
	v4 =	vadd.f32 v15, v9  }
0x1b1: {  	v10 =	vmul.f32 v12, v0;
	v15 =	vadd.s32 v24, v46;
	v8 =	vmul.f32 v8, v1  }
0x1b2: {  	v11 =	vld [tilespmem:s0+$0x1C0];
	v12 =	vor.u32 v42, v31;
	v7 =	vor.u32 v43, v15;
	[tilespmem:s0+$0xE1B0] =	vst v4;
	v4 =	vor.u32 v30, v14  }
0x1b3: {  	v7 =	vor.u32 v30, v7;
	v8 =	vadd.f32 v55, v8;
	v6 =	vld.idx.msk [tilespmem:v6+s16+$0x0], $0xffff;
	v2 =	vmul.f32 v2, v1  }
0x1b4: {  	v13 =	vld [tilespmem:s5+$0x1C0];
	v5 =	vmul.f32 v5, v1;
	v49 =	vor.u32 v30, v12  }
0x1b5: {  	[tilespmem:s5+$0xE1B0] =	vst v8;
	v8 =	vld [tilespmem:s4+$0x1C0];
	v2 =	vadd.f32 v3, v2  }
0x1b6: {  	v3 =	vadd.f32 v10, v5;
	v5 =	vld [tilespmem:s6+$0x1C0]  }
0x1b7: {  	v11 =	vmul.f32 v11, v0;
	v55 =	vadd.s32 v33, v18;
	[tilespmem:s6+$0xE1B0] =	vst v2;
	v2 =	vld.idx.msk [tilespmem:v4+s16+$0x0], $0xffff  }
0x1b8: {  	v15 =	vor.u32 v50, v55;
	v6 =	vmul.f32 v6, v1;
	[tilespmem:s4+$0xE1B0] =	vst v3;
	v3 =	vld.idx.msk [tilespmem:v7+s16+$0x0], $0xffff  }
0x1b9: {  	v55 =	vadd.f32 v61, v62;
	v10 =	vor.u32 v32, v15;
	v49 =	vld.idx.msk [tilespmem:v49+s16+$0x0], $0xffff  }
0x1ba: {  	v17 =	vld.idx.msk [tilespmem:v54+s16+$0x0], $0xffff;
	v15 =	vmul.f32 v56, v1;
	v31 =	vadd.f32 v11, v6  }
0x1bb: {  	v14 =	vld [tilespmem:s0+$0x1D0];
	[tilespmem:s3+$0xE180] =	vst v55;
	v6 =	vmul.f32 v58, v1;
	v11 =	vmul.f32 v59, v0;
	v59 =	vadd.s32 v33, v47  }
0x1bc: {  	v58 =	vmul.f32 v13, v0;
	v13 =	vld.idx.msk [tilespmem:v60+s16+$0x0], $0xffff;
	v4 =	vor.u32 v44, v59;
	v2 =	vmul.f32 v2, v1  }
0x1bd: {  	v56 =	vld [tilespmem:s6+$0x1E0];
	v5 =	vmul.f32 v5, v0;
	[tilespmem:s0+$0xE1C0] =	vst v31;
	v4 =	vor.u32 v32, v4;
	v3 =	vmul.f32 v3, v1  }
0x1be: {  	s8 =	sor.u32 $0x440, s13;
	v8 =	vmul.f32 v8, v0;
	v10 =	vld.idx.msk [tilespmem:v10+s16+$0x0], $0xffff;
	v7 =	vmul.f32 v49, v1;
	v2 =	vadd.f32 v58, v2  }
0x1bf: {  	v61 =	vadd.s32 v33, v46;
	v49 =	vld [tilespmem:s8+$0x180];
	v3 =	vadd.f32 v5, v3  }
0x1c0: {  	v62 =	vor.u32 v43, v61;
	v7 =	vadd.f32 v8, v7;
	[tilespmem:s5+$0xE1C0] =	vst v2;
	v2 =	vld [tilespmem:s5+$0x1D0]  }
0x1c1: {  	v9 =	vor.u32 v32, v62;
	v58 =	vld [tilespmem:$0x1FFB0];
	[tilespmem:s6+$0xE1C0] =	vst v3  }
0x1c2: {  	v31 =	vadd.s32 v33, v45;
	[tilespmem:s4+$0xE1C0] =	vst v7;
	v4 =	vld.idx.msk [tilespmem:v4+s16+$0x0], $0xffff  }
0x1c3: {  	v16 =	vmul.f32 v57, v0;
	v12 =	vor.u32 v42, v31;
	v61 =	vld [tilespmem:$0x1FF40]  }
0x1c4: {  	v14 =	vmul.f32 v14, v0;
	v59 =	vld [tilespmem:s4+$0x1D0];
	v12 =	vor.u32 v32, v12;
	v13 =	vmul.f32 v13, v1  }
0x1c5: {  	v3 =	vld [tilespmem:s6+$0x1D0];
	v10 =	vmul.f32 v10, v1;
	v5 =	vmul.f32 v49, v0  }
0x1c6: {  	v15 =	vadd.f32 v16, v15;
	v6 =	vadd.f32 v11, v6;
	v9 =	vld.idx.msk [tilespmem:v9+s16+$0x0], $0xffff  }
0x1c7: {  	v60 =	vld [tilespmem:$0x1FED0];
	v10 =	vadd.f32 v14, v10;
	v5 =	vadd.f32 v5, v13;
	v2 =	vmul.f32 v2, v0  }
0x1c8: {  	v55 =	vadd.s32 v58, v18;
	v4 =	vmul.f32 v4, v1;
	v11 =	vor.u32 v61, v52;
	v61 =	vld [tilespmem:$0x1FEE0]  }
0x1c9: {  	v12 =	vld.idx.msk [tilespmem:v12+s16+$0x0], $0xffff;
	v16 =	vadd.s32 v58, v47;
	v8 =	vor.u32 v50, v55;
	[tilespmem:s0+$0xE1D0] =	vst v10  }
0x1ca: {  	v13 =	vor.u32 v44, v16;
	v16 =	vld [tilespmem:s11+$0x180];
	[tilespmem:s8+$0xE180] =	vst v5;
	v8 =	vor.u32 v21, v8;
	v2 =	vadd.f32 v2, v4  }
0x1cb: {  	s10 =	sor.u32 $0x450, s13;
	[tilespmem:s12+$0xE180] =	vst v6;
	v10 =	vor.u32 v21, v13;
	v13 =	vld [tilespmem:s0+$0x1E0]  }
0x1cc: {  	v31 =	vmul.f32 v59, v0;
	v3 =	vmul.f32 v3, v0;
	v6 =	vld [tilespmem:s10+$0x180];
	[tilespmem:s5+$0xE1D0] =	vst v2  }
0x1cd: {  	v57 =	vadd.s32 v58, v46;
	v9 =	vmul.f32 v9, v1;
	v54 =	vld [tilespmem:$0x1FF80];
	v62 =	vadd.s32 v61, v40  }
0x1ce: {  	v7 =	vor.u32 v43, v57;
	v2 =	vmul.f32 v12, v1;
	v52 =	vld [tilespmem:$0x1FF40];
	v14 =	vor.u32 v41, v62  }
0x1cf: {  	v59 =	vadd.s32 v58, v45;
	v7 =	vor.u32 v21, v7;
	v8 =	vld.idx.msk [tilespmem:v8+s16+$0x0], $0xffff;
	v14 =	vor.u32 v60, v14  }
0x1d0: {  	v4 =	vor.u32 v42, v59;
	v3 =	vadd.f32 v3, v9;
	v2 =	vadd.f32 v31, v2;
	v31 =	vld [tilespmem:$0x1FF90]  }
0x1d1: {  	v4 =	vor.u32 v21, v4;
	v62 =	vld [tilespmem:s5+$0x1E0]  }
0x1d2: {  	[tilespmem:s6+$0xE1D0] =	vst v3;
	v10 =	vld.idx.msk [tilespmem:v10+s16+$0x0], $0xffff  }
0x1d3: {  	v59 =	vld [tilespmem:$0x1FF00];
	v49 =	vadd.s32 v54, v18  }
0x1d4: {  	v13 =	vmul.f32 v13, v0;
	v12 =	vor.u32 v50, v49;
	v8 =	vmul.f32 v8, v1;
	v14 =	vld.idx.msk [tilespmem:v14+s16+$0x0], $0xffff  }
0x1d5: {  	v7 =	vld.idx.msk [tilespmem:v7+s16+$0x0], $0xffff;
	[tilespmem:s4+$0xE1D0] =	vst v2;
	v5 =	vor.u32 v52, v53;
	v53 =	vor.u32 v31, v12  }
0x1d6: {  	v4 =	vld.idx.msk [tilespmem:v4+s16+$0x0], $0xffff;
	v2 =	vadd.s32 v54, v47;
	v8 =	vadd.f32 v13, v8  }
0x1d7: {  	v52 =	vld.idx.msk [tilespmem:v11+s16+$0x0], $0xffff;
	v2 =	vor.u32 v44, v2  }
0x1d8: {  	v57 =	vld [tilespmem:s4+$0x1E0];
	v9 =	vmul.f32 v62, v0;
	v2 =	vor.u32 v31, v2;
	v10 =	vmul.f32 v10, v1;
	[tilespmem:s0+$0xE1E0] =	vst v8  }
0x1d9: {  	v6 =	vmul.f32 v6, v0;
	v22 =	vld [tilespmem:$0x1FEF0];
	v14 =	vmul.f32 v14, v1  }
0x1da: {  	v9 =	vadd.f32 v9, v10;
	v11 =	vld.idx.msk [tilespmem:v53+s16+$0x0], $0xffff  }
0x1db: {  	v7 =	vmul.f32 v7, v1;
	v13 =	vmul.f32 v56, v0;
	[tilespmem:s20+$0xE180] =	vst v15;
	v53 =	vld [tilespmem:s0+$0x1F0];
	v6 =	vadd.f32 v6, v14  }
0x1dc: {  	v55 =	vmul.f32 v16, v0;
	v49 =	vmul.f32 v17, v1;
	[tilespmem:s5+$0xE1E0] =	vst v9;
	v9 =	vld [tilespmem:s5+$0x1F0]  }
0x1dd: {  	v62 =	vadd.s32 v54, v46;
	v7 =	vadd.f32 v13, v7;
	v2 =	vld.idx.msk [tilespmem:v2+s16+$0x0], $0xffff;
	[tilespmem:s10+$0xE180] =	vst v6  }
0x1de: {  	v3 =	vadd.s32 v59, v40;
	v12 =	vadd.f32 v55, v49;
	v14 =	vor.u32 v43, v62;
	v49 =	vld [tilespmem:$0x1FF50]  }
0x1df: {  	v3 =	vor.u32 v41, v3;
	v8 =	vmul.f32 v57, v0;
	v14 =	vor.u32 v31, v14;
	[tilespmem:s6+$0xE1E0] =	vst v7;
	v7 =	vld [tilespmem:s6+$0x1F0]  }
0x1e0: {  	v3 =	vor.u32 v22, v3;
	v10 =	vmul.f32 v53, v0;
	v11 =	vmul.f32 v11, v1;
	v57 =	vld [tilespmem:$0x1FF40]  }
0x1e1: {  	s12 =	sor.u32 $0x460, s13;
	v16 =	vor.u32 v34, v51;
	v51 =	vld [tilespmem:$0x1FF60]  }
0x1e2: {  	v55 =	vadd.s32 v54, v45;
	v4 =	vmul.f32 v4, v1;
	[tilespmem:s11+$0xE180] =	vst v12;
	v10 =	vadd.f32 v10, v11;
	v11 =	vld [tilespmem:s12+$0x180]  }
0x1e3: {  	v15 =	vor.u32 v42, v55;
	v9 =	vmul.f32 v9, v0;
	v2 =	vmul.f32 v2, v1;
	v55 =	vld [tilespmem:$0x1FFA0]  }
0x1e4: {  	s18 =	sadd.s32 $0x4, s21;
	v13 =	vor.u32 v31, v15;
	v14 =	vld.idx.msk [tilespmem:v14+s16+$0x0], $0xffff  }
0x1e5: {  	s3 =	sand.u32 $0x7, s18;
	v4 =	vadd.f32 v8, v4;
	v2 =	vadd.f32 v9, v2;
	v3 =	vld.idx.msk [tilespmem:v3+s16+$0x0], $0xffff  }
0x1e6: {  	s3 =	sshll.u32 s3, $0x7;
	v56 =	vadd.s32 v49, v18;
	v62 =	vadd.s32 v49, v47;
	v17 =	vadd.s32 v49, v46  }
0x1e7: {  	p1 =	por !p1, !p1;
	s7 =	simm.s32 $0x1;
	s3 =	sadd.s32 s1, s3;
	v6 =	vld [tilespmem:s14+$0x180];
	[tilespmem:s4+$0xE1E0] =	vst v4;
	v7 =	vmul.f32 v7, v0;
	v15 =	vor.u32 v50, v56;
	v8 =	vor.u32 v57, v16  }
0x1e8: {  	s7 =	simm.s32 @!p1 $0x0;
	v4 =	vld [tilespmem:s4+$0x1F0];
	[tilespmem:s0+$0xE1F0] =	vst v10;
	s0 =	sadd.s32 $0x180, s3;
	v12 =	vor.u32 v44, v62;
	v57 =	vor.u32 v43, v17;
	v15 =	vor.u32 v51, v15  }
0x1e9: {  	s7 =	sshll.u32 s7, $0x9;
	v13 =	vld.idx.msk [tilespmem:v13+s16+$0x0], $0xffff;
	s8 =	sor.u32 $0x400, s0;
	v11 =	vmul.f32 v11, v0;
	v16 =	vadd.s32 v55, v40;
	v12 =	vor.u32 v51, v12  }
0x1ea: {  	s2 =	sadd.s32 s7, s1;
	[tilespmem:s5+$0xE1F0] =	vst v2;
	v2 =	vld [tilespmem:s8+$0x180];
	v9 =	vor.u32 v51, v57;
	v62 =	vmul.f32 v14, v1;
	v3 =	vmul.f32 v3, v1  }
0x1eb: {  	s20 =	sor.u32 $0x400, s2;
	v16 =	vor.u32 v41, v16;
	v41 =	vld [tilespmem:$0x1FF10]  }
0x1ec: {  	v7 =	vadd.f32 v7, v62;
	v3 =	vadd.f32 v11, v3;
	v11 =	vld [tilespmem:s20+$0x180]  }
0x1ed: {  	v14 =	vld.idx.msk [tilespmem:v15+s16+$0x0], $0xffff  }
0x1ee: {  	s3 =	sadd.s32 $0x80, s3;
	v53 =	vadd.s32 v49, v45;
	v12 =	vld.idx.msk [tilespmem:v12+s16+$0x0], $0xffff;
	[tilespmem:s6+$0xE1F0] =	vst v7  }
0x1ef: {  	s22 =	sor.u32 $0x400, s3;
	v56 =	vor.u32 v42, v53;
	v9 =	vld.idx.msk [tilespmem:v9+s16+$0x0], $0xffff  }
0x1f0: {  	v4 =	vmul.f32 v4, v0;
	v10 =	vor.u32 v51, v56;
	v13 =	vmul.f32 v13, v1;
	[tilespmem:s12+$0xE180] =	vst v3;
	v3 =	vld [tilespmem:s22+$0x180]  }
0x1f1: {  	s19 =	sadd.s32 $0x2, s9;
	v16 =	vor.u32 v41, v16;
	v53 =	vld [tilespmem:$0x1FF70]  }
0x1f2: {  	s7 =	sand.u32 $0x3, s19;
	v6 =	vmul.f32 v6, v0;
	v57 =	vadd.s32 v19, v18;
	v4 =	vadd.f32 v4, v13  }
0x1f3: {  	s21 =	sshll.u32 s7, $0x8;
	v5 =	vld.idx.msk [tilespmem:v5+s16+$0x0], $0xffff;
	v62 =	vadd.s32 v19, v47;
	v2 =	vmul.f32 v2, v0;
	v56 =	vmul.f32 v14, v1  }
0x1f4: {  	s1 =	sadd.s32 s1, s21;
	v7 =	vor.u32 v50, v57;
	[tilespmem:s4+$0xE1F0] =	vst v4;
	v11 =	vmul.f32 v11, v0;
	v12 =	vmul.f32 v12, v1  }
0x1f5: {  	s1 =	sadd.s32 $0x100, s1;
	v10 =	vld.idx.msk [tilespmem:v10+s16+$0x0], $0xffff;
	v3 =	vmul.f32 v3, v0;
	v9 =	vmul.f32 v9, v1;
	v2 =	vadd.f32 v2, v56  }
0x1f6: {  	s25 =	sor.u32 $0x400, s1;
	v40 =	vld.idx.msk [tilespmem:v16+s16+$0x0], $0xffff;
	v16 =	vmul.f32 v52, v1;
	v7 =	vor.u32 v53, v7;
	v11 =	vadd.f32 v11, v12  }
0x1f7: {  	s26 =	sor.u32 $0x410, s0;
	v15 =	vor.u32 v44, v62;
	v62 =	vld [tilespmem:s25+$0x180];
	v3 =	vadd.f32 v3, v9;
	[tilespmem:s8+$0xE180] =	vst v2  }
0x1f8: {  	v57 =	vadd.s32 v19, v46;
	v15 =	vor.u32 v53, v15;
	v6 =	vadd.f32 v6, v16;
	s8 =	rddreg [dreg:$0x12];
	v16 =	vld [tilespmem:s26+$0x180];
	[tilespmem:s20+$0xE180] =	vst v11  }
0x1f9: {  	v4 =	vor.u32 v43, v57;
	[tilespmem:s22+$0xE180] =	vst v3;
	v2 =	vld [tilespmem:s8+$0x180]  }
0x1fa: {  	v4 =	vor.u32 v53, v4;
	v27 =	vld [tilespmem:$0x1FFE0]  }
0x1fb: {  	s29 =	sor.u32 $0x410, s2;
	v5 =	vmul.f32 v5, v1;
	v56 =	vadd.s32 v19, v45;
	v7 =	vld.idx.msk [tilespmem:v7+s16+$0x0], $0xffff  }
0x1fc: {  	v57 =	vor.u32 v42, v56;
	v62 =	vmul.f32 v62, v0;
	v10 =	vmul.f32 v10, v1;
	v56 =	vld [tilespmem:s29+$0x180]  }
0x1fd: {  	v14 =	vadd.s32 v61, v39;
	v52 =	vadd.s32 v61, v38;
	v9 =	vor.u32 v53, v57;
	v11 =	vld.idx.msk [tilespmem:v15+s16+$0x0], $0xffff  }
0x1fe: {  	v8 =	vld.idx.msk [tilespmem:v8+s16+$0x0], $0xffff;
	v14 =	vor.u32 v35, v14;
	v13 =	vor.u32 v37, v52;
	v10 =	vadd.f32 v62, v10  }
0x1ff: {  	s30 =	sor.u32 $0x410, s3;
	v14 =	vor.u32 v60, v14;
	v13 =	vor.u32 v60, v13;
	v4 =	vld.idx.msk [tilespmem:v4+s16+$0x0], $0xffff;
	v2 =	vmul.f32 v2, v0  }
0x200: {  	s31 =	sor.u32 $0x410, s1;
	v12 =	vld [tilespmem:s30+$0x180];
	s9 =	rddreg [dreg:$0xf];
	[tilespmem:s25+$0xE180] =	vst v10;
	v16 =	vmul.f32 v16, v0;
	v3 =	vadd.s32 v27, v18;
	v7 =	vmul.f32 v7, v1  }
0x201: {  	[tilespmem:s14+$0xE180] =	vst v6;
	v52 =	vld [tilespmem:s31+$0x180];
	v57 =	vadd.s32 v27, v47;
	v62 =	vmul.f32 v56, v0;
	v2 =	vadd.f32 v2, v5  }
0x202: {  	v9 =	vld.idx.msk [tilespmem:v9+s16+$0x0], $0xffff;
	v3 =	vor.u32 v50, v3;
	v11 =	vmul.f32 v11, v1;
	v7 =	vadd.f32 v16, v7  }
0x203: {  	v10 =	vor.u32 v44, v57;
	v3 =	vor.u32 v20, v3;
	v5 =	vld [tilespmem:s9+$0x180];
	[tilespmem:s8+$0xE180] =	vst v2  }
0x204: {  	v6 =	vor.u32 v20, v10;
	v10 =	vadd.f32 v62, v11;
	[tilespmem:s26+$0xE180] =	vst v7;
	v7 =	vld.idx.msk [tilespmem:v14+s16+$0x0], $0xffff  }
0x205: {  	s10 =	sor.u32 $0x420, s0;
	v57 =	vmul.f32 v12, v0;
	v4 =	vmul.f32 v4, v1;
	v16 =	vadd.s32 v27, v46;
	v13 =	vld.idx.msk [tilespmem:v13+s16+$0x0], $0xffff  }
0x206: {  	s11 =	sor.u32 $0x420, s2;
	v56 =	vor.u32 v43, v16;
	v16 =	vadd.s32 v59, v39;
	[tilespmem:s29+$0xE180] =	vst v10;
	v14 =	vld [tilespmem:s10+$0x180]  }
0x207: {  	v4 =	vadd.f32 v57, v4;
	v15 =	vor.u32 v35, v16;
	v16 =	vld [tilespmem:s11+$0x180]  }
0x208: {  	v52 =	vmul.f32 v52, v0;
	v62 =	vadd.s32 v27, v45;
	s8 =	rddreg [dreg:$0xe];
	v3 =	vld.idx.msk [tilespmem:v3+s16+$0x0], $0xffff  }
0x209: {  	v9 =	vmul.f32 v9, v1;
	v39 =	vor.u32 v42, v62;
	v2 =	vor.u32 v20, v56;
	[tilespmem:s30+$0xE180] =	vst v4;
	v10 =	vld [tilespmem:s8+$0x180]  }
0x20a: {  	v11 =	vor.u32 v20, v39;
	v57 =	vld [tilespmem:$0x1FFD0]  }
0x20b: {  	v9 =	vadd.f32 v52, v9;
	v6 =	vld.idx.msk [tilespmem:v6+s16+$0x0], $0xffff  }
0x20c: {  	s12 =	sor.u32 $0x420, s3;
	v8 =	vmul.f32 v8, v1;
	v52 =	vadd.s32 v61, v36;
	v5 =	vmul.f32 v5, v0;
	v56 =	vld [tilespmem:$0x1FFC0]  }
0x20d: {  	[tilespmem:s31+$0xE180] =	vst v9;
	v9 =	vld [tilespmem:s12+$0x180];
	v39 =	vmul.f32 v14, v0;
	v14 =	vor.u32 v34, v52;
	v3 =	vmul.f32 v3, v1  }
0x20e: {  	v5 =	vadd.f32 v5, v8;
	v2 =	vld.idx.msk [tilespmem:v2+s16+$0x0], $0xffff;
	v14 =	vor.u32 v60, v14  }
0x20f: {  	v11 =	vld.idx.msk [tilespmem:v11+s16+$0x0], $0xffff;
	v7 =	vmul.f32 v7, v1;
	v62 =	vadd.s32 v57, v18;
	v3 =	vadd.f32 v39, v3  }
0x210: {  	s14 =	sor.u32 $0x420, s1;
	[tilespmem:s9+$0xE180] =	vst v5;
	v5 =	vor.u32 v22, v15;
	v10 =	vmul.f32 v10, v0;
	v4 =	vor.u32 v50, v62  }
0x211: {  	s18 =	sor.u32 $0x430, s0;
	v62 =	vadd.s32 v57, v47;
	v4 =	vor.u32 v56, v4;
	v39 =	vmul.f32 v16, v0;
	v16 =	vld [tilespmem:s14+$0x180];
	[tilespmem:s10+$0xE180] =	vst v3  }
0x212: {  	v6 =	vmul.f32 v6, v1;
	v8 =	vor.u32 v44, v62;
	v62 =	vadd.f32 v10, v7;
	v7 =	vld [tilespmem:s18+$0x180]  }
0x213: {  	v9 =	vmul.f32 v9, v0;
	v8 =	vor.u32 v56, v8;
	s9 =	rddreg [dreg:$0x11];
	v14 =	vld.idx.msk [tilespmem:v14+s16+$0x0], $0xffff  }
0x214: {  	v2 =	vmul.f32 v2, v1;
	v3 =	vadd.s32 v57, v46;
	v6 =	vadd.f32 v39, v6;
	[tilespmem:s8+$0xE180] =	vst v62;
	v10 =	vld [tilespmem:s9+$0x180]  }
0x215: {  	v11 =	vmul.f32 v11, v1;
	v39 =	vadd.s32 v57, v45;
	v3 =	vor.u32 v43, v3;
	v5 =	vld.idx.msk [tilespmem:v5+s16+$0x0], $0xffff  }
0x216: {  	v3 =	vor.u32 v56, v3;
	[tilespmem:s11+$0xE180] =	vst v6;
	v6 =	vor.u32 v42, v39;
	v4 =	vld.idx.msk [tilespmem:v4+s16+$0x0], $0xffff  }
0x217: {  	s19 =	sor.u32 $0x430, s2;
	v2 =	vadd.f32 v9, v2;
	v16 =	vmul.f32 v16, v0;
	v6 =	vor.u32 v56, v6;
	v62 =	vld [tilespmem:$0x1FEC0]  }
0x218: {  	v9 =	vld [tilespmem:s19+$0x180]  }
0x219: {  	[tilespmem:s12+$0xE180] =	vst v2;
	v8 =	vld.idx.msk [tilespmem:v8+s16+$0x0], $0xffff;
	v11 =	vadd.f32 v16, v11  }
0x21a: {  	v13 =	vmul.f32 v13, v1;
	v52 =	vadd.s32 v59, v38;
	v16 =	vld [tilespmem:$0x1FF40];
	v10 =	vmul.f32 v10, v0  }
0x21b: {  	s10 =	rddreg [dreg:$0x8];
	v7 =	vmul.f32 v7, v0;
	v3 =	vld.idx.msk [tilespmem:v3+s16+$0x0], $0xffff;
	[tilespmem:s14+$0xE180] =	vst v11;
	v4 =	vmul.f32 v4, v1  }
0x21c: {  	v12 =	vor.u32 v37, v52;
	v52 =	vadd.s32 v62, v18;
	v6 =	vld.idx.msk [tilespmem:v6+s16+$0x0], $0xffff;
	v10 =	vadd.f32 v10, v13  }
0x21d: {  	s20 =	sor.u32 $0x430, s3;
	v12 =	vor.u32 v22, v12;
	v15 =	vor.u32 v50, v52;
	v52 =	vld [tilespmem:$0x1FF40];
	v4 =	vadd.f32 v7, v4  }
0x21e: {  	s21 =	sor.u32 $0x430, s1;
	v9 =	vmul.f32 v9, v0;
	v8 =	vmul.f32 v8, v1;
	v7 =	vld [tilespmem:s20+$0x180];
	[tilespmem:s9+$0xE180] =	vst v10  }
0x21f: {  	v39 =	vadd.s32 v62, v47;
	v13 =	vld [tilespmem:s21+$0x180];
	v15 =	vor.u32 v16, v15;
	[tilespmem:s18+$0xE180] =	vst v4  }
0x220: {  	v11 =	vor.u32 v44, v39;
	v8 =	vadd.f32 v9, v8;
	v17 =	vld [tilespmem:$0x1FF40]  }
0x221: {  	v2 =	vld [tilespmem:s10+$0x180];
	v39 =	vadd.s32 v62, v46;
	v16 =	vadd.s32 v55, v38;
	v38 =	vadd.s32 v59, v36  }
0x222: {  	v9 =	vor.u32 v43, v39;
	v12 =	vld.idx.msk [tilespmem:v12+s16+$0x0], $0xffff;
	[tilespmem:s19+$0xE180] =	vst v8;
	v11 =	vor.u32 v52, v11  }
0x223: {  	v39 =	vor.u32 v37, v16;
	v3 =	vmul.f32 v3, v1;
	v16 =	vld [tilespmem:$0x1FF40];
	v7 =	vmul.f32 v7, v0  }
0x224: {  	s22 =	sor.u32 $0x440, s0;
	v4 =	vor.u32 v34, v38;
	v6 =	vmul.f32 v6, v1;
	v15 =	vld.idx.msk [tilespmem:v15+s16+$0x0], $0xffff  }
0x225: {  	v8 =	vld [tilespmem:s22+$0x180];
	v38 =	vmul.f32 v13, v0;
	s11 =	rddreg [dreg:$0xb];
	v3 =	vadd.f32 v7, v3;
	v9 =	vor.u32 v17, v9  }
0x226: {  	v14 =	vmul.f32 v14, v1;
	v2 =	vmul.f32 v2, v0;
	v52 =	vadd.s32 v62, v45;
	v17 =	vld [tilespmem:s11+$0x180]  }
0x227: {  	s25 =	sor.u32 $0x440, s2;
	v10 =	vor.u32 v42, v52;
	v11 =	vld.idx.msk [tilespmem:v11+s16+$0x0], $0xffff;
	[tilespmem:s20+$0xE180] =	vst v3;
	v3 =	vadd.f32 v38, v6  }
0x228: {  	s26 =	sor.u32 $0x440, s3;
	v4 =	vor.u32 v22, v4;
	v52 =	vadd.s32 v61, v18;
	v10 =	vor.u32 v16, v10;
	v16 =	vld [tilespmem:s25+$0x180]  }
0x229: {  	v6 =	vor.u32 v50, v52;
	v37 =	vmul.f32 v15, v1;
	v15 =	vld [tilespmem:s26+$0x180];
	[tilespmem:s21+$0xE180] =	vst v3  }
0x22a: {  	v2 =	vadd.f32 v2, v14;
	v8 =	vmul.f32 v8, v0;
	v6 =	vor.u32 v60, v6;
	s9 =	rddreg [dreg:$0x6];
	v7 =	vld.idx.msk [tilespmem:v9+s16+$0x0], $0xffff  }
0x22b: {  	s29 =	sor.u32 $0x440, s1;
	v5 =	vmul.f32 v5, v1;
	v13 =	vor.u32 v41, v39;
	v38 =	vadd.s32 v61, v47;
	v3 =	vld [tilespmem:s9+$0x180]  }
0x22c: {  	v39 =	vor.u32 v44, v38;
	v8 =	vadd.f32 v8, v37;
	[tilespmem:s10+$0xE180] =	vst v2;
	v2 =	vmul.f32 v17, v0;
	v17 =	vld [tilespmem:s29+$0x180]  }
0x22d: {  	v9 =	vor.u32 v60, v39;
	v4 =	vld.idx.msk [tilespmem:v4+s16+$0x0], $0xffff;
	v52 =	vmul.f32 v16, v0;
	v11 =	vmul.f32 v11, v1  }
0x22e: {  	v12 =	vmul.f32 v12, v1;
	v10 =	vld.idx.msk [tilespmem:v10+s16+$0x0], $0xffff;
	v16 =	vadd.s32 v61, v46;
	[tilespmem:s22+$0xE180] =	vst v8  }
0x22f: {  	s30 =	sor.u32 $0x450, s0;
	v38 =	vor.u32 v43, v16;
	v6 =	vld.idx.msk [tilespmem:v6+s16+$0x0], $0xffff;
	v39 =	vmul.f32 v15, v0;
	v37 =	vadd.f32 v52, v11  }
0x230: {  	s10 =	sor.u32 $0x470, s13;
	v2 =	vadd.f32 v2, v12;
	v12 =	vld [tilespmem:s30+$0x180];
	v11 =	vor.u32 v60, v38;
	v7 =	vmul.f32 v7, v1  }
0x231: {  	v16 =	vld [tilespmem:s10+$0x180];
	v52 =	vadd.s32 v61, v45;
	v61 =	vor.u32 v35, v48;
	v38 =	vadd.s32 v59, v18;
	[tilespmem:s25+$0xE180] =	vst v37  }
0x232: {  	s31 =	sor.u32 $0x450, s2;
	v8 =	vor.u32 v42, v52;
	v3 =	vmul.f32 v3, v0;
	v9 =	vld.idx.msk [tilespmem:v9+s16+$0x0], $0xffff;
	v7 =	vadd.f32 v39, v7  }
0x233: {  	[tilespmem:s11+$0xE180] =	vst v2;
	v35 =	vmul.f32 v17, v0;
	v8 =	vor.u32 v60, v8;
	v2 =	vmul.f32 v10, v1;
	v37 =	vld [tilespmem:s31+$0x180]  }
0x234: {  	v48 =	vor.u32 v50, v38;
	v13 =	vld.idx.msk [tilespmem:v13+s16+$0x0], $0xffff;
	v3 =	vadd.f32 v3, v5;
	[tilespmem:s26+$0xE180] =	vst v7  }
0x235: {  	s4 =	sor.u32 $0x450, s3;
	v12 =	vmul.f32 v12, v0;
	v6 =	vmul.f32 v6, v1;
	v2 =	vadd.f32 v35, v2;
	v10 =	vld.idx.msk [tilespmem:v11+s16+$0x0], $0xffff  }
0x236: {  	v39 =	vadd.s32 v59, v47;
	v35 =	vadd.s32 v59, v46;
	v7 =	vor.u32 v41, v61;
	[tilespmem:s9+$0xE180] =	vst v3;
	v52 =	vld [tilespmem:s4+$0x180]  }
0x237: {  	v38 =	vld [tilespmem:s24+$0x180];
	v3 =	vadd.f32 v12, v6;
	v11 =	vor.u32 v22, v48;
	[tilespmem:s29+$0xE180] =	vst v2;
	v2 =	vor.u32 v44, v39  }
0x238: {  	s11 =	sor.u32 $0x450, s1;
	v60 =	vmul.f32 v9, v1;
	v8 =	vld.idx.msk [tilespmem:v8+s16+$0x0], $0xffff;
	v61 =	vmul.f32 v37, v0;
	v2 =	vor.u32 v22, v2  }
0x239: {  	s12 =	sor.u32 $0x460, s0;
	v6 =	vor.u32 v43, v35;
	v37 =	vld [tilespmem:s11+$0x180];
	[tilespmem:s30+$0xE180] =	vst v3  }
0x23a: {  	v6 =	vor.u32 v22, v6;
	v48 =	vld [tilespmem:s12+$0x180];
	v5 =	vadd.f32 v61, v60  }
0x23b: {  	v39 =	vadd.s32 v59, v45;
	v7 =	vld.idx.msk [tilespmem:v7+s16+$0x0], $0xffff;
	v3 =	vmul.f32 v52, v0;
	v10 =	vmul.f32 v10, v1  }
0x23c: {  	v14 =	vor.u32 v42, v39;
	v11 =	vld.idx.msk [tilespmem:v11+s16+$0x0], $0xffff;
	[tilespmem:s31+$0xE180] =	vst v5  }
0x23d: {  	s13 =	sor.u32 $0x460, s2;
	v60 =	vor.u32 v22, v14;
	v2 =	vld.idx.msk [tilespmem:v2+s16+$0x0], $0xffff;
	v3 =	vadd.f32 v3, v10  }
0x23e: {  	v61 =	vadd.s32 v55, v36;
	v52 =	vmul.f32 v8, v1;
	v59 =	vmul.f32 v37, v0;
	v35 =	vld [tilespmem:s13+$0x180]  }
0x23f: {  	v17 =	vld [tilespmem:s23+$0x180];
	v36 =	vor.u32 v34, v61;
	v37 =	vmul.f32 v38, v0;
	v38 =	vadd.s32 v55, v18;
	[tilespmem:s4+$0xE180] =	vst v3  }
0x240: {  	s14 =	sor.u32 $0x460, s3;
	v9 =	vor.u32 v50, v38;
	v5 =	vadd.f32 v59, v52;
	v3 =	vmul.f32 v4, v1;
	v6 =	vld.idx.msk [tilespmem:v6+s16+$0x0], $0xffff  }
0x241: {  	v15 =	vmul.f32 v48, v0;
	v48 =	vadd.s32 v55, v47;
	v4 =	vor.u32 v41, v36;
	v39 =	vld [tilespmem:s14+$0x180]  }
0x242: {  	v18 =	vld [tilespmem:s28+$0x180];
	v50 =	vor.u32 v41, v9;
	v11 =	vmul.f32 v11, v1;
	[tilespmem:s11+$0xE180] =	vst v5;
	v3 =	vadd.f32 v37, v3  }
0x243: {  	s18 =	sor.u32 $0x460, s1;
	v52 =	vld.idx.msk [tilespmem:v60+s16+$0x0], $0xffff;
	v60 =	vadd.s32 v55, v46;
	v34 =	vmul.f32 v35, v0;
	v2 =	vmul.f32 v2, v1  }
0x244: {  	v5 =	vor.u32 v44, v48;
	v61 =	vld [tilespmem:s18+$0x180];
	v59 =	vadd.f32 v15, v11;
	[tilespmem:s24+$0xE180] =	vst v3;
	v3 =	vor.u32 v43, v60  }
0x245: {  	v5 =	vor.u32 v41, v5;
	v2 =	vadd.f32 v34, v2;
	v35 =	vld [tilespmem:s15+$0x180];
	v3 =	vor.u32 v41, v3  }
0x246: {  	v4 =	vld.idx.msk [tilespmem:v4+s16+$0x0], $0xffff;
	[tilespmem:s12+$0xE180] =	vst v59;
	v12 =	vmul.f32 v39, v0;
	v6 =	vmul.f32 v6, v1  }
0x247: {  	s0 =	sor.u32 $0x470, s0;
	v8 =	vld.idx.msk [tilespmem:v50+s16+$0x0], $0xffff  }
0x248: {  	s2 =	sor.u32 $0x470, s2;
	v47 =	vmul.f32 v17, v0;
	v36 =	vadd.s32 v55, v45;
	v37 =	vld [tilespmem:s0+$0x180];
	[tilespmem:s13+$0xE180] =	vst v2;
	v6 =	vadd.f32 v12, v6  }
0x249: {  	v10 =	vor.u32 v42, v36;
	v2 =	vmul.f32 v52, v1;
	v38 =	vmul.f32 v61, v0;
	v39 =	vld [tilespmem:s2+$0x180]  }
0x24a: {  	v7 =	vmul.f32 v7, v1;
	v42 =	vor.u32 v41, v10;
	v5 =	vld.idx.msk [tilespmem:v5+s16+$0x0], $0xffff;
	[tilespmem:s14+$0xE180] =	vst v6  }
0x24b: {  	s3 =	sor.u32 $0x470, s3;
	v2 =	vadd.f32 v38, v2;
	v3 =	vld.idx.msk [tilespmem:v3+s16+$0x0], $0xffff  }
0x24c: {  	v44 =	vmul.f32 v40, v1;
	v7 =	vadd.f32 v47, v7;
	v43 =	vmul.f32 v16, v0;
	v45 =	vld [tilespmem:s3+$0x180]  }
0x24d: {  	s1 =	sor.u32 $0x470, s1;
	v46 =	vmul.f32 v18, v0;
	[tilespmem:s18+$0xE180] =	vst v2;
	v2 =	vmul.f32 v13, v1  }
0x24e: {  	[tilespmem:s23+$0xE180] =	vst v7;
	v9 =	vadd.f32 v43, v44;
	v50 =	vmul.f32 v37, v0;
	v8 =	vmul.f32 v8, v1;
	v16 =	vld [tilespmem:s1+$0x180]  }
0x24f: {  	v48 =	vmul.f32 v35, v0;
	v4 =	vmul.f32 v4, v1;
	v6 =	vld.idx.msk [tilespmem:v42+s16+$0x0], $0xffff;
	v2 =	vadd.f32 v46, v2  }
0x250: {  	[tilespmem:s10+$0xE180] =	vst v9;
	v60 =	vmul.f32 v39, v0;
	v5 =	vmul.f32 v5, v1;
	v59 =	vadd.f32 v50, v8  }
0x251: {  	[tilespmem:s28+$0xE180] =	vst v2;
	v2 =	vadd.f32 v48, v4;
	v3 =	vmul.f32 v3, v1;
	v52 =	vmul.f32 v45, v0  }
0x252: {  	v5 =	vadd.f32 v60, v5;
	[tilespmem:s0+$0xE180] =	vst v59  }
0x253: {  	[tilespmem:s15+$0xE180] =	vst v2;
	v2 =	vadd.f32 v52, v3  }
0x254: {  	[tilespmem:s2+$0xE180] =	vst v5;
	v61 =	vmul.f32 v6, v1;
	v3 =	vmul.f32 v16, v0  }
0x255: {  	[tilespmem:s3+$0xE180] =	vst v2  }
0x256: {  	v2 =	vadd.f32 v3, v61;
	s0 =	sld [smem:$0x7FB];
	_ =	sdelay $0x1  }
0x257: {  	s19 =	rddreg [dreg:$0x3];
	[tilespmem:s1+$0xE180] =	vst v2  }
0x258: {  	s20 =	simm.s32 $0x0;
	s22 =	sld [smem:$0x7F9];
	s0 =	sshll.u32 s0, $0x5  }
0x259: {  	s21 =	simm.s32 $0xE180;
	s8 =	sld [smem:$0x7FA];
	s0 =	sadd.s32 s19, s0  }
0x25a: {  	[hbm4b:s0+s20] =	stream.linear.scatter [tilespmem:s21], [sflag:$0x3], $0x7000, $0x38;
	[tilespmem:$0x1C180] =	vst v63  }
0x25b: {  	p1 =	seq.s32 s22, $0x14;
	s0 =	rddreg [dreg:$0x1d]  }
0x25c: {  	s0 =	sadd.s32 @!p1 s8, s0  }
0x25d: {  	s26 =	simm.s32 $0x2;
	s2 =	rddreg [dreg:$0x0];
	s0 =	sshll.u32 @!p1 s0, $0x5  }
0x25e: {  	s1 =	simm.s32 @!p1 $0x0;
	s0 =	sadd.s32 @!p1 s2, s0;
	s2 =	simm.s32 @!p1 $0x180  }
0x25f: {  	v22 =	vld [tilespmem:$0x1FE30];
	[tilespmem:s2], [sflag:$0x1] =	stream.linear.gather @!p1 [hbm4b:s0+s1], $0x7000, $0x38  }
0x260: {  	s23 =	simm.s32 $0x3;
	_ =	swait.ge [sflag:s26], $0x7000  }
0x261: {  	v3 =	vmov s23;
	v34 =	vld [tilespmem:$0x1FE20]  }
0x262: {  	s9 =	simm.s32 $0x0;
	v10 =	vshll.u32 v3, $0x8;
	v3 =	vshll.u32 v3, $0x7  }
0x263: {  	v2 =	vmov s9;
	v39 =	vand.u32 $0x7800, v10;
	v40 =	vand.u32 $0x380, v3  }
0x264: {  	v9 =	vshll.u32 v2, $0x7;
	v2 =	vshll.u32 v2, $0x8;
	v12 =	vadd.s32 v22, v39  }
0x265: {  	s24 =	simm.s32 $0x1;
	v41 =	vand.u32 $0x7800, v2;
	v2 =	vor.u32 v40, v12;
	[sflag:s26] =	ssyncset.done $0x0  }
0x266: {  	v11 =	vmov s24;
	s0 =	simm.s32 @!p0 $0x4;
	[sflag:s26] =	ssyncadd.s32 $0xFFFF9000;
	v2 =	vor.u32 v34, v2  }
0x267: {  	s25 =	simm.s32 $0x2;
	v14 =	vshll.u32 v11, $0x8;
	v13 =	vshll.u32 v11, $0x7;
	s22 =	simm.s32 $0x180;
	_ =	swait.ge @!p0 [sflag:s0], $0x7000  }
0x268: {  	s29 =	sand.u32 $0x7800, s9;
	v38 =	vand.u32 $0x7800, v14;
	v18 =	vand.u32 $0x280, v13;
	s30 =	sand.u32 $0x380, s22;
	[sflag:s0] =	ssyncset.done @!p0 $0x0  }
0x269: {  	v3 =	vmov s25;
	v35 =	vand.u32 $0x200, v9;
	v42 =	vadd.s32 v22, v41;
	s31 =	sor.u32 s29, s30;
	[sflag:s0] =	ssyncadd.s32 @!p0 $0xFFFF9000  }
0x26a: {  	v15 =	vshll.u32 v3, $0x7;
	v3 =	vshll.u32 v3, $0x8;
	v7 =	vor.u32 v35, v42;
	v45 =	vld [tilespmem:s31+$0x7180]  }
0x26b: {  	s5 =	simm.s32 $0x0;
	v36 =	vand.u32 $0x7800, v3;
	v3 =	vadd.s32 v22, v38;
	v43 =	vor.u32 v34, v7;
	v2 =	vld.idx.msk [tilespmem:v2+s17+$0x0], $0xffff  }
0x26c: {  	s6 =	simm.s32 $0x80;
	v37 =	vand.u32 $0x300, v15;
	v44 =	vadd.s32 v22, v36;
	v3 =	vor.u32 v18, v3;
	s1 =	sand.u32 $0x200, s5  }
0x26d: {  	s10 =	sand.u32 $0x280, s6;
	v5 =	vor.u32 v37, v44;
	s11 =	sor.u32 s1, s29;
	v3 =	vor.u32 v34, v3  }
0x26e: {  	s7 =	simm.s32 $0x100;
	s12 =	sor.u32 s29, s10;
	v46 =	vadd.s32 v25, v39;
	v5 =	vor.u32 v34, v5;
	v47 =	vld [tilespmem:s11+$0x7180]  }
0x26f: {  	s4 =	sand.u32 $0x300, s7;
	v7 =	vor.u32 v40, v46;
	v48 =	vld [tilespmem:s12+$0x7180]  }
0x270: {  	s0 =	sor.u32 s29, s4;
	v7 =	vor.u32 v63, v7;
	v4 =	vld.idx.msk [tilespmem:v43+s17+$0x0], $0xffff;
	v6 =	vmul.f32 v45, v0;
	v2 =	vmul.f32 v2, v1  }
0x271: {  	v52 =	vld [tilespmem:s0+$0x7180]  }
0x272: {  	v3 =	vld.idx.msk [tilespmem:v3+s17+$0x0], $0xffff;
	v2 =	vadd.f32 v6, v2  }
0x273: {  	v50 =	vadd.s32 v25, v41;
	v59 =	vadd.s32 v25, v36;
	v5 =	vld.idx.msk [tilespmem:v5+s17+$0x0], $0xffff  }
0x274: {  	v11 =	vor.u32 v37, v59;
	v60 =	vld [tilespmem:s31+$0x7190];
	v8 =	vmul.f32 v47, v0;
	v6 =	vor.u32 v35, v50;
	[tilespmem:s31+$0x15180] =	vst v2  }
0x275: {  	v4 =	vmul.f32 v4, v1;
	v6 =	vor.u32 v63, v6;
	v2 =	vadd.s32 v25, v38;
	v7 =	vld.idx.msk [tilespmem:v7+s17+$0x0], $0xffff  }
0x276: {  	v42 =	vadd.s32 v23, v39;
	v9 =	vmul.f32 v48, v0;
	v2 =	vor.u32 v18, v2  }
0x277: {  	v3 =	vmul.f32 v3, v1;
	v4 =	vadd.f32 v8, v4;
	v2 =	vor.u32 v63, v2  }
0x278: {  	v61 =	vld [tilespmem:s11+$0x7190];
	v10 =	vmul.f32 v52, v0;
	v5 =	vmul.f32 v5, v1;
	v63 =	vor.u32 v63, v11  }
0x279: {  	v44 =	vor.u32 v40, v42;
	v43 =	vld [tilespmem:s12+$0x7190];
	v46 =	vmul.f32 v60, v0;
	v3 =	vadd.f32 v9, v3;
	[tilespmem:s11+$0x15180] =	vst v4  }
0x27a: {  	v5 =	vadd.f32 v10, v5;
	v9 =	vor.u32 v26, v44;
	v6 =	vld.idx.msk [tilespmem:v6+s17+$0x0], $0xffff;
	v7 =	vmul.f32 v7, v1  }
0x27b: {  	v45 =	vld [tilespmem:s0+$0x7190];
	[tilespmem:s12+$0x15180] =	vst v3  }
0x27c: {  	[tilespmem:s0+$0x15180] =	vst v5;
	v2 =	vld.idx.msk [tilespmem:v2+s17+$0x0], $0xffff;
	v3 =	vadd.f32 v46, v7  }
0x27d: {  	v47 =	vadd.s32 v23, v41;
	v5 =	vld.idx.msk [tilespmem:v63+s17+$0x0], $0xffff  }
0x27e: {  	v59 =	vld [tilespmem:s31+$0x71A0];
	v48 =	vmul.f32 v61, v0;
	v50 =	vadd.s32 v23, v38;
	v4 =	vor.u32 v35, v47;
	[tilespmem:s31+$0x15190] =	vst v3  }
0x27f: {  	v8 =	vor.u32 v18, v50;
	v4 =	vor.u32 v26, v4;
	v6 =	vmul.f32 v6, v1;
	v9 =	vld.idx.msk [tilespmem:v9+s17+$0x0], $0xffff  }
0x280: {  	v52 =	vadd.s32 v23, v36;
	v61 =	vadd.s32 v29, v39;
	v8 =	vor.u32 v26, v8  }
0x281: {  	v3 =	vmul.f32 v43, v0;
	v6 =	vadd.f32 v48, v6;
	v2 =	vmul.f32 v2, v1  }
0x282: {  	v10 =	vmul.f32 v45, v0;
	v11 =	vor.u32 v37, v52;
	v5 =	vmul.f32 v5, v1  }
0x283: {  	v60 =	vld [tilespmem:s11+$0x71A0];
	v42 =	vmul.f32 v59, v0;
	v11 =	vor.u32 v26, v11;
	[tilespmem:s11+$0x15190] =	vst v6;
	v2 =	vadd.f32 v3, v2  }
0x284: {  	v15 =	vor.u32 v40, v61;
	v3 =	vadd.f32 v10, v5;
	v4 =	vld.idx.msk [tilespmem:v4+s17+$0x0], $0xffff;
	v9 =	vmul.f32 v9, v1  }
0x285: {  	v63 =	vld [tilespmem:s12+$0x71A0];
	v5 =	vor.u32 v28, v15;
	[tilespmem:s12+$0x15190] =	vst v2  }
0x286: {  	[tilespmem:s0+$0x15190] =	vst v3;
	v2 =	vld.idx.msk [tilespmem:v8+s17+$0x0], $0xffff;
	v3 =	vadd.f32 v42, v9  }
0x287: {  	v45 =	vadd.s32 v29, v41;
	v43 =	vld [tilespmem:s0+$0x71A0]  }
0x288: {  	v47 =	vadd.s32 v29, v38;
	v44 =	vld.idx.msk [tilespmem:v11+s17+$0x0], $0xffff;
	[tilespmem:s31+$0x151A0] =	vst v3;
	v3 =	vor.u32 v35, v45  }
0x289: {  	v7 =	vmul.f32 v60, v0;
	v48 =	vld [tilespmem:s31+$0x71B0];
	v4 =	vmul.f32 v4, v1;
	v3 =	vor.u32 v28, v3  }
0x28a: {  	v50 =	vadd.s32 v29, v36;
	v46 =	vmul.f32 v63, v0;
	v8 =	vor.u32 v18, v47;
	v5 =	vld.idx.msk [tilespmem:v5+s17+$0x0], $0xffff  }
0x28b: {  	v52 =	vor.u32 v28, v8;
	v4 =	vadd.f32 v7, v4;
	v2 =	vmul.f32 v2, v1  }
0x28c: {  	v61 =	vadd.s32 v24, v39;
	v59 =	vor.u32 v37, v50;
	v10 =	vmul.f32 v43, v0  }
0x28d: {  	v60 =	vld [tilespmem:s11+$0x71B0];
	v8 =	vor.u32 v28, v59;
	v6 =	vmul.f32 v44, v1;
	[tilespmem:s11+$0x151A0] =	vst v4;
	v2 =	vadd.f32 v46, v2  }
0x28e: {  	v43 =	vmul.f32 v48, v0;
	v42 =	vor.u32 v40, v61;
	v3 =	vld.idx.msk [tilespmem:v3+s17+$0x0], $0xffff  }
0x28f: {  	v63 =	vld [tilespmem:s12+$0x71B0];
	v15 =	vadd.f32 v10, v6;
	v6 =	vor.u32 v30, v42;
	v5 =	vmul.f32 v5, v1;
	[tilespmem:s12+$0x151A0] =	vst v2  }
0x290: {  	v2 =	vld.idx.msk [tilespmem:v52+s17+$0x0], $0xffff  }
0x291: {  	v47 =	vadd.s32 v24, v41;
	v44 =	vld [tilespmem:s0+$0x71B0];
	[tilespmem:s0+$0x151A0] =	vst v15;
	v45 =	vadd.f32 v43, v5  }
0x292: {  	v48 =	vmul.f32 v60, v0;
	v59 =	vadd.s32 v24, v38;
	v46 =	vld.idx.msk [tilespmem:v8+s17+$0x0], $0xffff;
	v52 =	vor.u32 v35, v47  }
0x293: {  	v60 =	vld [tilespmem:s31+$0x71C0];
	v7 =	vor.u32 v18, v59;
	v4 =	vor.u32 v30, v52;
	[tilespmem:s31+$0x151B0] =	vst v45;
	v3 =	vmul.f32 v3, v1  }
0x294: {  	v50 =	vmul.f32 v63, v0;
	v61 =	vadd.s32 v24, v36;
	v7 =	vor.u32 v30, v7;
	v6 =	vld.idx.msk [tilespmem:v6+s17+$0x0], $0xffff  }
0x295: {  	v8 =	vor.u32 v37, v61;
	v2 =	vmul.f32 v2, v1;
	v3 =	vadd.f32 v48, v3  }
0x296: {  	v10 =	vmul.f32 v44, v0;
	v8 =	vor.u32 v30, v8  }
0x297: {  	v63 =	vld [tilespmem:s11+$0x71C0];
	v30 =	vadd.s32 v33, v39;
	v5 =	vmul.f32 v46, v1;
	v2 =	vadd.f32 v50, v2;
	[tilespmem:s11+$0x151B0] =	vst v3  }
0x298: {  	v44 =	vmul.f32 v60, v0;
	v43 =	vor.u32 v40, v30;
	v4 =	vld.idx.msk [tilespmem:v4+s17+$0x0], $0xffff  }
0x299: {  	v42 =	vld [tilespmem:s12+$0x71C0];
	v3 =	vadd.f32 v10, v5;
	v5 =	vor.u32 v32, v43;
	v6 =	vmul.f32 v6, v1;
	[tilespmem:s12+$0x151B0] =	vst v2  }
0x29a: {  	v2 =	vld.idx.msk [tilespmem:v7+s17+$0x0], $0xffff  }
0x29b: {  	v45 =	vld [tilespmem:s0+$0x71C0];
	v46 =	vadd.s32 v33, v41;
	[tilespmem:s0+$0x151B0] =	vst v3;
	v3 =	vadd.f32 v44, v6  }
0x29c: {  	v61 =	vadd.s32 v33, v36;
	v48 =	vmul.f32 v63, v0;
	v47 =	vld.idx.msk [tilespmem:v8+s17+$0x0], $0xffff;
	v6 =	vor.u32 v35, v46  }
0x29d: {  	v60 =	vld [tilespmem:s31+$0x71D0];
	v50 =	vadd.s32 v33, v38;
	[tilespmem:s31+$0x151C0] =	vst v3;
	v3 =	vor.u32 v32, v6;
	v4 =	vmul.f32 v4, v1  }
0x29e: {  	v59 =	vmul.f32 v42, v0;
	v52 =	vor.u32 v18, v50;
	v8 =	vor.u32 v37, v61;
	v5 =	vld.idx.msk [tilespmem:v5+s17+$0x0], $0xffff  }
0x29f: {  	v6 =	vor.u32 v32, v52;
	v2 =	vmul.f32 v2, v1;
	v4 =	vadd.f32 v48, v4  }
0x2a0: {  	v30 =	vadd.s32 v58, v39;
	v10 =	vmul.f32 v45, v0;
	v15 =	vor.u32 v32, v8  }
0x2a1: {  	v63 =	vld [tilespmem:s11+$0x71D0];
	v8 =	vor.u32 v40, v30;
	v7 =	vmul.f32 v47, v1;
	v2 =	vadd.f32 v59, v2;
	[tilespmem:s11+$0x151C0] =	vst v4  }
0x2a2: {  	v8 =	vor.u32 v21, v8;
	v3 =	vld.idx.msk [tilespmem:v3+s17+$0x0], $0xffff  }
0x2a3: {  	v42 =	vld [tilespmem:s12+$0x71D0];
	v7 =	vadd.f32 v10, v7;
	[tilespmem:s12+$0x151C0] =	vst v2;
	v2 =	vmul.f32 v60, v0;
	v5 =	vmul.f32 v5, v1  }
0x2a4: {  	v6 =	vld.idx.msk [tilespmem:v6+s17+$0x0], $0xffff  }
0x2a5: {  	v43 =	vadd.s32 v58, v41;
	v44 =	vld [tilespmem:s0+$0x71D0];
	[tilespmem:s0+$0x151C0] =	vst v7;
	v2 =	vadd.f32 v2, v5  }
0x2a6: {  	v45 =	vmul.f32 v63, v0;
	v46 =	vor.u32 v35, v43;
	v47 =	vadd.s32 v58, v38;
	v4 =	vld.idx.msk [tilespmem:v15+s17+$0x0], $0xffff  }
0x2a7: {  	v52 =	vld [tilespmem:s31+$0x71E0];
	v48 =	vor.u32 v18, v47;
	v7 =	vor.u32 v21, v46;
	[tilespmem:s31+$0x151D0] =	vst v2;
	v3 =	vmul.f32 v3, v1  }
0x2a8: {  	v9 =	vor.u32 v21, v48;
	v8 =	vld.idx.msk [tilespmem:v8+s17+$0x0], $0xffff  }
0x2a9: {  	v2 =	vmul.f32 v42, v0;
	v50 =	vmul.f32 v6, v1;
	v3 =	vadd.f32 v45, v3  }
0x2aa: {  	v30 =	vadd.s32 v54, v39;
	v59 =	vmul.f32 v44, v0;
	v60 =	vadd.s32 v58, v36  }
0x2ab: {  	v61 =	vld [tilespmem:s11+$0x71E0];
	v4 =	vmul.f32 v4, v1;
	v2 =	vadd.f32 v2, v50;
	[tilespmem:s11+$0x151D0] =	vst v3;
	v3 =	vor.u32 v37, v60  }
0x2ac: {  	v43 =	vor.u32 v40, v30;
	v6 =	vmul.f32 v52, v0;
	v63 =	vld.idx.msk [tilespmem:v7+s17+$0x0], $0xffff;
	v3 =	vor.u32 v21, v3  }
0x2ad: {  	v42 =	vld [tilespmem:s12+$0x71E0];
	[tilespmem:s12+$0x151D0] =	vst v2;
	v2 =	vadd.f32 v59, v4;
	v8 =	vmul.f32 v8, v1;
	v4 =	vor.u32 v31, v43  }
0x2ae: {  	v44 =	vld.idx.msk [tilespmem:v9+s17+$0x0], $0xffff  }
0x2af: {  	v47 =	vld [tilespmem:s0+$0x71E0];
	v45 =	vadd.s32 v54, v41;
	[tilespmem:s0+$0x151D0] =	vst v2;
	v2 =	vadd.f32 v6, v8  }
0x2b0: {  	v48 =	vmul.f32 v61, v0;
	v46 =	vadd.s32 v54, v38;
	v60 =	vld [tilespmem:s31+$0x71F0];
	v9 =	vor.u32 v35, v45  }
0x2b1: {  	v50 =	vor.u32 v31, v9;
	[tilespmem:s31+$0x151E0] =	vst v2;
	v3 =	vld.idx.msk [tilespmem:v3+s17+$0x0], $0xffff;
	v5 =	vmul.f32 v63, v1  }
0x2b2: {  	v10 =	vor.u32 v18, v46;
	v52 =	vmul.f32 v42, v0;
	v4 =	vld.idx.msk [tilespmem:v4+s17+$0x0], $0xffff  }
0x2b3: {  	v2 =	vor.u32 v31, v10;
	v58 =	vmul.f32 v44, v1;
	v5 =	vadd.f32 v48, v5  }
0x2b4: {  	v30 =	vmul.f32 v47, v0;
	v59 =	vadd.s32 v54, v36  }
0x2b5: {  	v61 =	vld [tilespmem:s11+$0x71F0];
	v43 =	vadd.s32 v49, v39;
	v7 =	vor.u32 v37, v59;
	v63 =	vadd.f32 v52, v58;
	[tilespmem:s11+$0x151E0] =	vst v5  }
0x2b6: {  	v7 =	vor.u32 v31, v7;
	v5 =	vor.u32 v40, v43;
	v8 =	vld.idx.msk [tilespmem:v50+s17+$0x0], $0xffff;
	v3 =	vmul.f32 v3, v1  }
0x2b7: {  	v42 =	vld [tilespmem:s12+$0x71F0];
	v45 =	vmul.f32 v60, v0;
	[tilespmem:s12+$0x151E0] =	vst v63;
	v4 =	vmul.f32 v4, v1;
	v5 =	vor.u32 v51, v5  }
0x2b8: {  	s14 =	sand.u32 $0x7, s9;
	v2 =	vld.idx.msk [tilespmem:v2+s17+$0x0], $0xffff;
	v3 =	vadd.f32 v30, v3  }
0x2b9: {  	s4 =	sshll.u32 s14, $0x7;
	v46 =	vld [tilespmem:s0+$0x71F0];
	v47 =	vadd.s32 v49, v38;
	v31 =	vadd.s32 v49, v41;
	v4 =	vadd.f32 v45, v4  }
0x2ba: {  	s15 =	sadd.s32 $0x0, s4;
	v11 =	vmul.f32 v61, v0;
	v6 =	vor.u32 v18, v47;
	v44 =	vor.u32 v35, v31;
	[tilespmem:s0+$0x151E0] =	vst v3  }
0x2bb: {  	s13 =	sadd.s32 $0x180, s15;
	v3 =	vor.u32 v51, v44;
	[tilespmem:s31+$0x151F0] =	vst v4;
	v7 =	vld.idx.msk [tilespmem:v7+s17+$0x0], $0xffff;
	v8 =	vmul.f32 v8, v1  }
0x2bc: {  	s5 =	simm.s32 $0x1;
	p0 =	por $0x0, $0x0;
	s19 =	sor.u32 $0x400, s13;
	v6 =	vor.u32 v51, v6;
	v5 =	vld.idx.msk [tilespmem:v5+s17+$0x0], $0xffff  }
0x2bd: {  	s5 =	simm.s32 @!p0 $0x0;
	v48 =	vmul.f32 v42, v0;
	v50 =	vld [tilespmem:s19+$0x7180];
	v2 =	vmul.f32 v2, v1;
	v8 =	vadd.f32 v11, v8  }
0x2be: {  	s18 =	sshll.u32 s5, $0x9;
	v49 =	vadd.s32 v49, v36;
	v52 =	vmul.f32 v46, v0  }
0x2bf: {  	s20 =	sadd.s32 $0x0, s18;
	v58 =	vadd.s32 v19, v39;
	v4 =	vor.u32 v37, v49;
	v2 =	vadd.f32 v48, v2;
	[tilespmem:s11+$0x151F0] =	vst v8  }
0x2c0: {  	s21 =	sor.u32 $0x400, s20;
	v9 =	vor.u32 v40, v58;
	v4 =	vor.u32 v51, v4;
	v3 =	vld.idx.msk [tilespmem:v3+s17+$0x0], $0xffff;
	v7 =	vmul.f32 v7, v1  }
0x2c1: {  	s23 =	sand.u32 $0x3, s9;
	s2 =	sadd.s32 $0x80, s15;
	v63 =	vor.u32 v53, v9;
	v54 =	vld [tilespmem:s21+$0x7180];
	[tilespmem:s12+$0x151F0] =	vst v2  }
0x2c2: {  	s24 =	sshll.u32 s23, $0x8;
	s6 =	sor.u32 $0x400, s2;
	v61 =	vmul.f32 v50, v0;
	v5 =	vmul.f32 v5, v1;
	v6 =	vld.idx.msk [tilespmem:v6+s17+$0x0], $0xffff;
	v7 =	vadd.f32 v52, v7  }
0x2c3: {  	s1 =	sadd.s32 $0x0, s24;
	v60 =	vld [tilespmem:s6+$0x7180]  }
0x2c4: {  	s1 =	sadd.s32 $0x100, s1;
	v5 =	vadd.f32 v61, v5;
	[tilespmem:s0+$0x151F0] =	vst v7  }
0x2c5: {  	s26 =	sor.u32 $0x400, s1;
	v59 =	vadd.s32 v19, v38;
	v2 =	vadd.s32 v19, v41;
	v4 =	vld.idx.msk [tilespmem:v4+s17+$0x0], $0xffff  }
0x2c6: {  	v2 =	vor.u32 v35, v2;
	[tilespmem:s19+$0x15180] =	vst v5;
	v10 =	vmul.f32 v54, v0;
	v3 =	vmul.f32 v3, v1;
	v31 =	vld [tilespmem:s26+$0x7180]  }
0x2c7: {  	s31 =	sor.u32 $0x410, s13;
	v11 =	vor.u32 v18, v59;
	v2 =	vor.u32 v53, v2;
	v8 =	vld.idx.msk [tilespmem:v63+s17+$0x0], $0xffff  }
0x2c8: {  	v58 =	vld [tilespmem:s31+$0x7180];
	v49 =	vmul.f32 v60, v0;
	v6 =	vmul.f32 v6, v1;
	v3 =	vadd.f32 v10, v3  }
0x2c9: {  	v51 =	vadd.s32 v19, v36;
	v11 =	vor.u32 v53, v11;
	v63 =	vadd.s32 v27, v39  }
0x2ca: {  	v54 =	vor.u32 v37, v51;
	v10 =	vor.u32 v40, v63;
	[tilespmem:s21+$0x15180] =	vst v3;
	v3 =	vadd.f32 v49, v6  }
0x2cb: {  	s25 =	simm.s32 $0x4;
	v6 =	vor.u32 v53, v54;
	v59 =	vmul.f32 v31, v0;
	v4 =	vmul.f32 v4, v1  }
0x2cc: {  	s10 =	sor.u32 $0x410, s20;
	v30 =	vmov s25;
	v45 =	vor.u32 v20, v10;
	v2 =	vld.idx.msk [tilespmem:v2+s17+$0x0], $0xffff  }
0x2cd: {  	v61 =	vld [tilespmem:s10+$0x7180];
	v42 =	vmul.f32 v58, v0;
	v43 =	vmul.f32 v8, v1;
	[tilespmem:s6+$0x15180] =	vst v3;
	v4 =	vadd.f32 v59, v4  }
0x2ce: {  	v9 =	vshll.u32 v30, $0x8;
	s11 =	sor.u32 $0x410, s2;
	v11 =	vld.idx.msk [tilespmem:v11+s17+$0x0], $0xffff  }
0x2cf: {  	s29 =	simm.s32 $0x5;
	v47 =	vand.u32 $0x7800, v9;
	v48 =	vshll.u32 v30, $0x7;
	v30 =	vld [tilespmem:s11+$0x7180];
	[tilespmem:s26+$0x15180] =	vst v4;
	v4 =	vadd.f32 v42, v43  }
0x2d0: {  	v17 =	vadd.s32 v22, v47;
	v44 =	vand.u32 $0x200, v48;
	v50 =	vmov s29;
	s12 =	sor.u32 $0x410, s1;
	v6 =	vld.idx.msk [tilespmem:v6+s17+$0x0], $0xffff  }
0x2d1: {  	v48 =	vadd.s32 v55, v41;
	v5 =	vshll.u32 v50, $0x8;
	v60 =	vshll.u32 v50, $0x7;
	v16 =	vld [tilespmem:s12+$0x7180];
	[tilespmem:s31+$0x15180] =	vst v4  }
0x2d2: {  	s14 =	sor.u32 $0x420, s13;
	v54 =	vadd.s32 v27, v36;
	v31 =	vadd.s32 v27, v38;
	v3 =	vadd.s32 v27, v41;
	v8 =	vld.idx.msk [tilespmem:v45+s17+$0x0], $0xffff  }
0x2d3: {  	v3 =	vor.u32 v35, v3;
	v13 =	vmul.f32 v61, v0;
	v2 =	vmul.f32 v2, v1;
	v58 =	vld [tilespmem:s14+$0x7180]  }
0x2d4: {  	v55 =	vor.u32 v37, v54;
	v15 =	vor.u32 v18, v31;
	v3 =	vor.u32 v20, v3  }
0x2d5: {  	v2 =	vadd.f32 v13, v2;
	v51 =	vmul.f32 v30, v0;
	v11 =	vmul.f32 v11, v1  }
0x2d6: {  	v50 =	vor.u32 v20, v15;
	v59 =	vmul.f32 v16, v0;
	v6 =	vmul.f32 v6, v1  }
0x2d7: {  	v63 =	vadd.s32 v57, v39;
	[tilespmem:s10+$0x15180] =	vst v2;
	v2 =	vadd.f32 v51, v11;
	v11 =	vor.u32 v20, v55  }
0x2d8: {  	v6 =	vadd.f32 v59, v6;
	v31 =	vmul.f32 v58, v0;
	v8 =	vmul.f32 v8, v1  }
0x2d9: {  	s15 =	sor.u32 $0x420, s20;
	v12 =	vor.u32 v40, v63;
	v3 =	vld.idx.msk [tilespmem:v3+s17+$0x0], $0xffff;
	v16 =	vor.u32 v44, v17;
	[tilespmem:s11+$0x15180] =	vst v2  }
0x2da: {  	v43 =	vand.u32 $0x280, v60;
	v60 =	vld [tilespmem:s15+$0x7180];
	v2 =	vor.u32 v34, v16;
	[tilespmem:s12+$0x15180] =	vst v6;
	v6 =	vadd.f32 v31, v8  }
0x2db: {  	s18 =	sor.u32 $0x420, s2;
	v12 =	vor.u32 v56, v12;
	v61 =	vld.idx.msk [tilespmem:v50+s17+$0x0], $0xffff  }
0x2dc: {  	s30 =	simm.s32 $0x6;
	v30 =	vld [tilespmem:s18+$0x7180];
	[tilespmem:s14+$0x15180] =	vst v6  }
0x2dd: {  	v52 =	vmov s30;
	s21 =	sor.u32 $0x420, s1;
	v11 =	vld.idx.msk [tilespmem:v11+s17+$0x0], $0xffff;
	s0 =	rddreg [dreg:$0x1e]  }
0x2de: {  	v46 =	vshll.u32 v52, $0x7;
	v7 =	vshll.u32 v52, $0x8;
	v52 =	vadd.s32 v57, v41;
	v50 =	vld [tilespmem:s21+$0x7180];
	s0 =	sadd.s32 s8, s0  }
0x2df: {  	s24 =	sor.u32 $0x440, s1;
	v4 =	vor.u32 v35, v52;
	v9 =	vmul.f32 v60, v0;
	v3 =	vmul.f32 v3, v1;
	v59 =	vld.idx.msk [tilespmem:v2+s17+$0x0], $0xffff;
	[smem:$0x7F8] =	sst s0  }
0x2e0: {  	s25 =	sor.u32 $0x450, s20;
	s6 =	sor.u32 $0x430, s13;
	v4 =	vor.u32 v56, v4;
	v10 =	vld.idx.msk [tilespmem:v12+s17+$0x0], $0xffff;
	[dreg:$0xd] =	wrdreg s24  }
0x2e1: {  	s26 =	sor.u32 $0x450, s1;
	v3 =	vadd.f32 v9, v3;
	v55 =	vmul.f32 v30, v0;
	v30 =	vld [tilespmem:s6+$0x7180];
	[dreg:$0xc] =	wrdreg s25  }
0x2e2: {  	v58 =	vmul.f32 v61, v1;
	[dreg:$0x9] =	wrdreg s26  }
0x2e3: {  	s29 =	sor.u32 $0x460, s20;
	v53 =	vadd.s32 v62, v41;
	v42 =	vand.u32 $0x300, v46;
	v46 =	vand.u32 $0x7800, v5;
	[tilespmem:s15+$0x15180] =	vst v3  }
0x2e4: {  	s30 =	sor.u32 $0x450, s2;
	v45 =	vand.u32 $0x7800, v7;
	v16 =	vadd.s32 v57, v38;
	v5 =	vadd.f32 v55, v58;
	[dreg:$0x7] =	wrdreg s29  }
0x2e5: {  	v52 =	vor.u32 v35, v53;
	v63 =	vadd.s32 v22, v45;
	v49 =	vor.u32 v18, v16;
	v58 =	vld.idx.msk [tilespmem:v4+s17+$0x0], $0xffff;
	[dreg:$0x10] =	wrdreg s30  }
0x2e6: {  	v51 =	vadd.s32 v62, v36;
	v60 =	vadd.s32 v22, v46;
	v2 =	vor.u32 v56, v49;
	[tilespmem:s18+$0x15180] =	vst v5  }
0x2e7: {  	v8 =	vadd.s32 v62, v38;
	v62 =	vadd.s32 v62, v39;
	v31 =	vor.u32 v43, v60;
	v22 =	vld [tilespmem:$0x1FF40]  }
0x2e8: {  	s4 =	simm.s32 $0x8;
	s28 =	sor.u32 $0x470, s2;
	s23 =	sor.u32 $0x440, s20;
	v61 =	vadd.s32 v57, v36;
	v11 =	vmul.f32 v11, v1;
	v3 =	vmul.f32 v50, v0  }
0x2e9: {  	s19 =	sor.u32 $0x440, s2;
	s31 =	sor.u32 $0x460, s2;
	s12 =	sor.u32 $0x430, s20;
	v57 =	vor.u32 v42, v63;
	v63 =	vor.u32 v34, v31;
	v15 =	vor.u32 v37, v61  }
0x2ea: {  	s11 =	sor.u32 $0x430, s1;
	s14 =	sor.u32 $0x470, s20;
	v49 =	vor.u32 v34, v57;
	v57 =	vor.u32 v18, v8;
	v3 =	vadd.f32 v3, v11;
	v54 =	vld [tilespmem:s12+$0x7180];
	[dreg:$0xa] =	wrdreg s31  }
0x2eb: {  	s20 =	sor.u32 $0x430, s2;
	v56 =	vor.u32 v56, v15;
	s0 =	simm.s32 $0x7;
	s24 =	sor.u32 $0x460, s1;
	v55 =	vld.idx.msk [tilespmem:v2+s17+$0x0], $0xffff;
	[tilespmem:$0x1FE10] =	vst v18;
	v2 =	vor.u32 v40, v62  }
0x2ec: {  	s15 =	sor.u32 $0x470, s1;
	s1 =	simm.s32 $0x0;
	v61 =	vmul.f32 v30, v0;
	v62 =	vmul.f32 v10, v1;
	[tilespmem:s21+$0x15180] =	vst v3;
	v53 =	vld [tilespmem:s20+$0x7180];
	s21 =	simm.s32 $0x0;
	v60 =	vor.u32 v22, v2  }
.LBB2_5:
0x2ed: {  	_ =	sdelay $0x2  }
0x2ee: {  	v5 =	vld.idx.msk [tilespmem:v56+s17+$0x0], $0xffff  }
0x2ef: {  	v8 =	vld [tilespmem:s11+$0x7180]  }
0x2f0: {  	v63 =	vld.idx.msk [tilespmem:v63+s17+$0x0], $0xffff  }
0x2f1: {  	v24 =	vld [tilespmem:$0x1FE30]  }
0x2f2: {  	v3 =	vor.u32 v22, v52;
	v4 =	vor.u32 v22, v57;
	v22 =	vld [tilespmem:$0x1FE20]  }
0x2f3: {  	v21 =	vld [tilespmem:$0x1FF00]  }
0x2f4: {  	v34 =	vld [tilespmem:$0x1FEE0]  }
0x2f5: {  	v31 =	vld [tilespmem:$0x1FF40]  }
0x2f6: {  	v28 =	vld [tilespmem:$0x1FFB0]  }
0x2f7: {  	v25 =	vld [tilespmem:$0x1FF80]  }
0x2f8: {  	v16 =	vld [tilespmem:$0x1FE50]  }
0x2f9: {  	v23 =	vld [tilespmem:$0x1FEB0]  }
0x2fa: {  	v20 =	vld [tilespmem:$0x1FE70]  }
0x2fb: {  	v18 =	vld [tilespmem:$0x1FE40]  }
0x2fc: {  	v2 =	vmov s0;
	v30 =	vadd.s32 v19, v47;
	v19 =	vld [tilespmem:$0x1FE60]  }
0x2fd: {  	v26 =	vld [tilespmem:$0x1FFA0];
	v9 =	vadd.f32 v61, v62;
	v7 =	vmul.f32 v58, v1;
	v52 =	vmul.f32 v54, v0  }
0x2fe: {  	v11 =	vor.u32 v37, v51;
	v29 =	vld [tilespmem:$0x1FF10];
	v6 =	vshll.u32 v2, $0x8;
	v2 =	vshll.u32 v2, $0x7  }
0x2ff: {  	v61 =	vand.u32 $0x7800, v6;
	[tilespmem:s6+$0x15180] =	vst v9;
	v6 =	vadd.f32 v52, v7;
	v7 =	vor.u32 v31, v11;
	v31 =	vld [tilespmem:$0x1FF50]  }
0x300: {  	s0 =	sor.u32 $0x440, s13;
	v58 =	vand.u32 $0x380, v2;
	v2 =	vmul.f32 v55, v1;
	v55 =	vmul.f32 v53, v0;
	v60 =	vld.idx.msk [tilespmem:v60+s17+$0x0], $0xffff  }
0x301: {  	v12 =	vld [tilespmem:s0+$0x7180];
	v10 =	vadd.s32 v24, v61  }
0x302: {  	v62 =	vld.idx.msk [tilespmem:v49+s17+$0x0], $0xffff;
	v54 =	vor.u32 v58, v10;
	v2 =	vadd.f32 v55, v2;
	[tilespmem:s12+$0x15180] =	vst v6  }
0x303: {  	s22 =	sadd.s32 $0x200, s22;
	s1 =	sadd.s32 $0x400, s1;
	v57 =	vadd.s32 v21, v41;
	v9 =	vor.u32 v22, v54;
	v3 =	vld.idx.msk [tilespmem:v3+s17+$0x0], $0xffff  }
0x304: {  	s29 =	sand.u32 $0x7800, s1;
	s7 =	sand.u32 $0x380, s22;
	v15 =	vmul.f32 v8, v0;
	v56 =	vadd.s32 v34, v41;
	[tilespmem:s20+$0x15180] =	vst v2;
	v8 =	vld [tilespmem:s23+$0x7180];
	v41 =	vadd.s32 v31, v47  }
0x305: {  	v5 =	vmul.f32 v5, v1;
	v49 =	vadd.s32 v34, v39;
	s20 =	sor.u32 s29, s7;
	v4 =	vld.idx.msk [tilespmem:v4+s17+$0x0], $0xffff  }
0x306: {  	s9 =	sadd.s32 $0x2, s9;
	s8 =	sadd.s32 $0xFFFFFF00, s22;
	v53 =	vadd.s32 v28, v47;
	v50 =	vmul.f32 v12, v0;
	v10 =	vmul.f32 v60, v1;
	v12 =	vld [tilespmem:s20+$0x7180]  }
0x307: {  	[dreg:$0x5] =	wrdreg s9;
	s3 =	sand.u32 $0x3, s9;
	s9 =	sand.u32 $0x280, s8;
	v51 =	vadd.s32 v16, v47;
	v2 =	vadd.f32 v15, v5;
	[tilespmem:$0x1FDF0] =	vst v41;
	v41 =	vmov v37;
	v37 =	vld [tilespmem:$0x1FED0]  }
0x308: {  	s31 =	sadd.s32 $0xFFFFFE80, s22;
	s10 =	sadd.s32 $0xFFFFFF80, s22;
	s30 =	sor.u32 s29, s9;
	v13 =	vadd.s32 v16, v46;
	v63 =	vmul.f32 v63, v1;
	v6 =	vld.idx.msk [tilespmem:v9+s17+$0x0], $0xffff;
	v9 =	vadd.f32 v50, v10  }
0x309: {  	s5 =	sshll.u32 s3, $0x8;
	s3 =	sand.u32 $0x200, s31;
	s10 =	sand.u32 $0x300, s10;
	v55 =	vadd.s32 v25, v47;
	v11 =	vadd.s32 v20, v47;
	v13 =	vor.u32 v43, v13;
	v14 =	vld [tilespmem:s30+$0x7180];
	[tilespmem:s11+$0x15180] =	vst v2  }
0x30a: {  	s3 =	sor.u32 s3, s29;
	s26 =	sor.u32 s29, s10;
	v54 =	vadd.s32 v33, v47;
	v5 =	vor.u32 v40, v49;
	s29 =	sor.u32 $0x450, s13;
	v7 =	vld.idx.msk [tilespmem:v7+s17+$0x0], $0xffff;
	[tilespmem:s0+$0x15180] =	vst v9  }
0x30b: {  	v15 =	vadd.s32 v16, v45;
	v16 =	vadd.s32 v16, v61;
	v60 =	vadd.s32 v23, v47;
	v50 =	vld [tilespmem:s29+$0x7180]  }
0x30c: {  	[tilespmem:$0x1FE00] =	vst v30;
	v30 =	vor.u32 v58, v16;
	v15 =	vor.u32 v42, v15;
	v10 =	vld [tilespmem:s3+$0x7180];
	v5 =	vor.u32 v37, v5  }
0x30d: {  	v2 =	vor.u32 v44, v51;
	v17 =	vld [tilespmem:s26+$0x7190];
	v8 =	vmul.f32 v8, v0;
	v3 =	vmul.f32 v3, v1  }
0x30e: {  	v49 =	vmovc v47;
	v2 =	vor.u32 v18, v2;
	v16 =	vld [tilespmem:s26+$0x7180];
	v51 =	vmul.f32 v4, v1;
	v47 =	vmul.f32 v12, v0  }
0x30f: {  	v3 =	vadd.f32 v8, v3;
	v52 =	vmul.f32 v7, v1;
	v7 =	vor.u32 v18, v13;
	v13 =	vld [tilespmem:s30+$0x7190]  }
0x310: {  	v8 =	vor.u32 v18, v30;
	v6 =	vmul.f32 v6, v1;
	v9 =	vmul.f32 v50, v0;
	v50 =	vld [tilespmem:$0x1FEF0]  }
0x311: {  	v30 =	vmul.f32 v59, v1;
	[tilespmem:s23+$0x15180] =	vst v3;
	v3 =	vmul.f32 v10, v0;
	v4 =	vld.idx.msk [tilespmem:v5+s17+$0x0], $0xffff  }
0x312: {  	v15 =	vor.u32 v18, v15;
	v12 =	vmul.f32 v17, v0;
	v17 =	vld [tilespmem:s30+$0x71A0];
	v5 =	vadd.f32 v47, v6  }
0x313: {  	v59 =	vadd.s32 v21, v39;
	v10 =	vld [tilespmem:s3+$0x7190];
	v3 =	vadd.f32 v3, v30;
	v47 =	vmul.f32 v14, v0  }
0x314: {  	v18 =	vadd.s32 v26, v39;
	v30 =	vor.u32 v40, v59;
	v59 =	vmul.f32 v62, v1;
	v62 =	vld [tilespmem:s20+$0x7190];
	[tilespmem:s20+$0x15180] =	vst v5  }
0x315: {  	[tilespmem:s3+$0x15180] =	vst v3;
	v3 =	vadd.f32 v47, v63;
	v47 =	vmul.f32 v16, v0;
	v8 =	vld.idx.msk [tilespmem:v8+s17+$0x0], $0xffff  }
0x316: {  	v39 =	vmov v61;
	v2 =	vld.idx.msk [tilespmem:v2+s17+$0x0], $0xffff;
	v5 =	vor.u32 v50, v30;
	v4 =	vmul.f32 v4, v1  }
0x317: {  	v63 =	vadd.s32 v20, v61;
	v61 =	vor.u32 v40, v18;
	v18 =	vld [tilespmem:$0x1FE90];
	[tilespmem:s30+$0x15180] =	vst v3;
	v6 =	vadd.f32 v47, v59  }
0x318: {  	v16 =	vadd.s32 v20, v45;
	v7 =	vld.idx.msk [tilespmem:v7+s17+$0x0], $0xffff;
	v4 =	vadd.f32 v9, v4  }
0x319: {  	v47 =	vor.u32 v58, v63;
	v59 =	vmul.f32 v62, v0;
	v63 =	vor.u32 v42, v16;
	v16 =	vld [tilespmem:s26+$0x71A0];
	[tilespmem:s26+$0x15180] =	vst v6  }
0x31a: {  	v6 =	vor.u32 v19, v47;
	v47 =	vld [tilespmem:s3+$0x71B0];
	v9 =	vor.u32 v44, v11;
	v8 =	vmul.f32 v8, v1;
	[tilespmem:s29+$0x15180] =	vst v4  }
0x31b: {  	v10 =	vmul.f32 v10, v0;
	v2 =	vmul.f32 v2, v1;
	v9 =	vor.u32 v19, v9;
	s29 =	sor.u32 $0x460, s13;
	v5 =	vld.idx.msk [tilespmem:v5+s17+$0x0], $0xffff  }
0x31c: {  	v30 =	vadd.s32 v20, v46;
	v62 =	vld [tilespmem:s29+$0x7180];
	v8 =	vadd.f32 v59, v8  }
0x31d: {  	v3 =	vmul.f32 v13, v0;
	v2 =	vadd.f32 v10, v2;
	v11 =	vld [tilespmem:s3+$0x71A0];
	v7 =	vmul.f32 v7, v1  }
0x31e: {  	v15 =	vld.idx.msk [tilespmem:v15+s17+$0x0], $0xffff;
	v4 =	vor.u32 v43, v30;
	[tilespmem:s20+$0x15190] =	vst v8  }
0x31f: {  	[tilespmem:s3+$0x15190] =	vst v2;
	v4 =	vor.u32 v19, v4;
	v3 =	vadd.f32 v3, v7;
	v6 =	vld.idx.msk [tilespmem:v6+s17+$0x0], $0xffff  }
0x320: {  	v9 =	vld.idx.msk [tilespmem:v9+s17+$0x0], $0xffff  }
0x321: {  	v8 =	vor.u32 v29, v61;
	[tilespmem:s30+$0x15190] =	vst v3;
	v3 =	vld [tilespmem:s30+$0x71B0];
	v14 =	vmul.f32 v62, v0;
	v5 =	vmul.f32 v5, v1  }
0x322: {  	v62 =	vor.u32 v19, v63;
	v63 =	vld [tilespmem:s20+$0x71A0]  }
0x323: {  	v17 =	vmul.f32 v17, v0;
	v15 =	vmul.f32 v15, v1;
	v19 =	vld [tilespmem:$0x1FE80];
	v5 =	vadd.f32 v14, v5  }
0x324: {  	v40 =	vmov v58;
	v2 =	vadd.s32 v18, v49;
	v30 =	vadd.s32 v18, v39;
	v4 =	vld.idx.msk [tilespmem:v4+s17+$0x0], $0xffff  }
0x325: {  	v2 =	vor.u32 v44, v2;
	v12 =	vadd.f32 v12, v15;
	v14 =	vmul.f32 v16, v0;
	v16 =	vld [tilespmem:s26+$0x71B0];
	[tilespmem:s29+$0x15180] =	vst v5  }
0x326: {  	s13 =	sor.u32 $0x470, s13;
	v11 =	vmul.f32 v11, v0;
	v61 =	vadd.s32 v18, v46;
	v18 =	vadd.s32 v18, v45;
	v8 =	vld.idx.msk [tilespmem:v8+s17+$0x0], $0xffff  }
0x327: {  	[tilespmem:s26+$0x15190] =	vst v12;
	v9 =	vmul.f32 v9, v1;
	v5 =	vmul.f32 v47, v0;
	v47 =	vor.u32 v40, v30;
	v13 =	vld [tilespmem:s13+$0x7180]  }
0x328: {  	v6 =	vmul.f32 v6, v1;
	v58 =	vmul.f32 v63, v0;
	v10 =	vor.u32 v19, v47;
	v7 =	vld.idx.msk [tilespmem:v62+s17+$0x0], $0xffff  }
0x329: {  	v15 =	vor.u32 v43, v61;
	v2 =	vor.u32 v19, v2;
	v62 =	vld [tilespmem:s3+$0x71C0];
	v9 =	vadd.f32 v11, v9  }
0x32a: {  	v4 =	vmul.f32 v4, v1;
	v30 =	vor.u32 v19, v15;
	v15 =	vld [tilespmem:s30+$0x71C0];
	v6 =	vadd.f32 v58, v6  }
0x32b: {  	v57 =	vor.u32 v35, v57;
	v20 =	vadd.s32 v34, v38;
	v63 =	vor.u32 v42, v18;
	v18 =	vld [tilespmem:s30+$0x71D0];
	[tilespmem:s3+$0x151A0] =	vst v9  }
0x32c: {  	v59 =	vor.u32 v35, v48;
	v48 =	vadd.s32 v26, v38;
	v4 =	vadd.f32 v17, v4;
	v9 =	vld [tilespmem:s20+$0x71B0];
	[tilespmem:s20+$0x151A0] =	vst v6  }
0x32d: {  	v3 =	vmul.f32 v3, v0;
	v47 =	vadd.s32 v26, v36;
	v58 =	vadd.s32 v21, v38;
	v10 =	vld.idx.msk [tilespmem:v10+s17+$0x0], $0xffff  }
0x32e: {  	v17 =	vadd.s32 v23, v46;
	[tilespmem:s30+$0x151A0] =	vst v4;
	v2 =	vld.idx.msk [tilespmem:v2+s17+$0x0], $0xffff;
	v7 =	vmul.f32 v7, v1  }
0x32f: {  	v13 =	vmul.f32 v13, v0;
	v8 =	vmul.f32 v8, v1;
	v11 =	vld.idx.msk [tilespmem:v30+s17+$0x0], $0xffff;
	v30 =	vadd.s32 v23, v39  }
0x330: {  	v38 =	vmovc v46;
	v6 =	vor.u32 v19, v63;
	v7 =	vadd.f32 v14, v7;
	v14 =	vor.u32 v40, v30;
	v30 =	vld [tilespmem:$0x1FEA0]  }
0x331: {  	v46 =	vld [tilespmem:s30+$0x71E0];
	v63 =	vor.u32 v43, v17;
	v17 =	vor.u32 v35, v56;
	v35 =	vmovc v44;
	v8 =	vadd.f32 v13, v8  }
0x332: {  	v4 =	vld [tilespmem:s26+$0x71C0];
	v12 =	vmul.f32 v62, v0;
	v56 =	vor.u32 v35, v55;
	v13 =	vor.u32 v44, v60  }
0x333: {  	v19 =	vld [tilespmem:s26+$0x71D0];
	v60 =	vadd.s32 v21, v36;
	v21 =	vadd.s32 v34, v36;
	[tilespmem:s13+$0x15180] =	vst v8;
	v2 =	vmul.f32 v2, v1  }
0x334: {  	v36 =	vadd.s32 v33, v39;
	v8 =	vld [tilespmem:s3+$0x71D0];
	[tilespmem:s26+$0x151A0] =	vst v7;
	v7 =	vmul.f32 v9, v0;
	v61 =	vmul.f32 v10, v1  }
0x335: {  	v9 =	vld [tilespmem:s3+$0x71E0];
	v44 =	vmul.f32 v11, v1;
	v62 =	vor.u32 v30, v14;
	v2 =	vadd.f32 v5, v2  }
0x336: {  	v55 =	vadd.s32 v25, v45;
	v6 =	vld.idx.msk [tilespmem:v6+s17+$0x0], $0xffff;
	v13 =	vor.u32 v30, v13;
	v7 =	vadd.f32 v7, v61  }
0x337: {  	v34 =	vld [tilespmem:s20+$0x71C0];
	v11 =	vor.u32 v40, v36;
	v14 =	vor.u32 v30, v63;
	[tilespmem:s3+$0x151B0] =	vst v2;
	v2 =	vadd.f32 v3, v44  }
0x338: {  	v36 =	vmov v45;
	[tilespmem:s20+$0x151B0] =	vst v7;
	v7 =	vmul.f32 v18, v0;
	v18 =	vadd.s32 v23, v45;
	v45 =	vld [tilespmem:s30+$0x71F0]  }
0x339: {  	[tilespmem:s30+$0x151B0] =	vst v2;
	v2 =	vld [tilespmem:s26+$0x71E0]  }
0x33a: {  	v3 =	vor.u32 v42, v18;
	v10 =	vld.idx.msk [tilespmem:v62+s17+$0x0], $0xffff  }
0x33b: {  	v16 =	vmul.f32 v16, v0;
	v6 =	vmul.f32 v6, v1;
	v3 =	vor.u32 v30, v3;
	v13 =	vld.idx.msk [tilespmem:v13+s17+$0x0], $0xffff  }
0x33c: {  	v15 =	vmul.f32 v15, v0;
	v61 =	vmul.f32 v9, v0;
	v9 =	vld.idx.msk [tilespmem:v14+s17+$0x0], $0xffff  }
0x33d: {  	v5 =	vmul.f32 v8, v0;
	v30 =	vadd.s32 v33, v38;
	v6 =	vadd.f32 v16, v6;
	v16 =	vld [tilespmem:s3+$0x71F0]  }
0x33e: {  	v23 =	vmovc v22;
	v18 =	vmul.f32 v19, v0;
	v19 =	vor.u32 v35, v53;
	v30 =	vor.u32 v43, v30;
	v22 =	vld [tilespmem:s19+$0x7180]  }
0x33f: {  	v53 =	vmul.f32 v46, v0;
	v34 =	vmul.f32 v34, v0;
	v8 =	vor.u32 v32, v30;
	v30 =	vld [tilespmem:$0x1FE10];
	[tilespmem:s26+$0x151B0] =	vst v6  }
0x340: {  	p0 =	por !p0, !p0;
	s2 =	simm.s32 $0x1;
	v63 =	vor.u32 v35, v54;
	v3 =	vld.idx.msk [tilespmem:v3+s17+$0x0], $0xffff;
	v46 =	vmul.f32 v10, v1;
	v13 =	vmul.f32 v13, v1  }
0x341: {  	s2 =	simm.s32 @!p0 $0x0;
	v54 =	vmul.f32 v2, v0;
	v2 =	vld [tilespmem:s26+$0x71F0];
	v10 =	vor.u32 v32, v11;
	v9 =	vmul.f32 v9, v1  }
0x342: {  	s2 =	sshll.u32 s2, $0x9;
	s5 =	sadd.s32 s1, s5;
	v11 =	vor.u32 v32, v63;
	v6 =	vadd.f32 v34, v46;
	v12 =	vadd.f32 v12, v13;
	v13 =	vld [tilespmem:s20+$0x71D0]  }
0x343: {  	s31 =	sadd.s32 s2, s1;
	s9 =	sadd.s32 $0x100, s5;
	v17 =	vor.u32 v37, v17;
	v9 =	vadd.f32 v15, v9;
	v15 =	vor.u32 v41, v21;
	v21 =	vld [tilespmem:$0x1FF20]  }
0x344: {  	s5 =	sor.u32 $0x400, s9;
	s10 =	sor.u32 $0x420, s9;
	s29 =	rddreg [dreg:$0xd];
	v46 =	vmul.f32 v16, v0;
	v16 =	vor.u32 v30, v20;
	v20 =	vld [tilespmem:$0x1FF30];
	[tilespmem:s20+$0x151C0] =	vst v6  }
0x345: {  	s8 =	sor.u32 $0x440, s9;
	s7 =	sor.u32 $0x410, s9;
	s23 =	sor.u32 $0x440, s31;
	v4 =	vmul.f32 v4, v0;
	v14 =	vadd.s32 v28, v36;
	v6 =	vld [tilespmem:s29+$0x7180];
	[tilespmem:s3+$0x151C0] =	vst v12  }
0x346: {  	s12 =	sor.u32 $0x430, s9;
	s0 =	sor.u32 $0x460, s9;
	[dreg:$0x15] =	wrdreg s23;
	v34 =	vadd.s32 v33, v36;
	[tilespmem:s30+$0x151C0] =	vst v9;
	v9 =	vmul.f32 v22, v0;
	v10 =	vld.idx.msk [tilespmem:v10+s17+$0x0], $0xffff  }
0x347: {  	s23 =	smov.u32 s15;
	s15 =	sor.u32 $0x450, s9;
	s9 =	sor.u32 $0x470, s9;
	v63 =	vadd.s32 v28, v38;
	v44 =	vor.u32 v42, v34;
	v3 =	vmul.f32 v3, v1;
	v11 =	vld.idx.msk [tilespmem:v11+s17+$0x0], $0xffff  }
0x348: {  	[dreg:$0x18] =	wrdreg s9;
	v12 =	vor.u32 v32, v44;
	v44 =	vmul.f32 v2, v0;
	v2 =	vld.idx.msk [tilespmem:v17+s17+$0x0], $0xffff;
	v9 =	vadd.f32 v9, v51  }
0x349: {  	s9 =	rddreg [dreg:$0xc];
	v16 =	vor.u32 v37, v16;
	v8 =	vld.idx.msk [tilespmem:v8+s17+$0x0], $0xffff;
	v3 =	vadd.f32 v4, v3;
	v4 =	vadd.s32 v28, v39  }
0x34a: {  	v15 =	vor.u32 v37, v15;
	v17 =	vld [tilespmem:s9+$0x7180];
	v4 =	vor.u32 v40, v4;
	[tilespmem:s19+$0x15180] =	vst v9;
	s19 =	rddreg [dreg:$0x10];
	v6 =	vmul.f32 v6, v0  }
0x34b: {  	[tilespmem:s26+$0x151C0] =	vst v3;
	v3 =	vmul.f32 v13, v0;
	v13 =	vor.u32 v21, v19;
	v19 =	vld [tilespmem:s19+$0x7180];
	v10 =	vmul.f32 v10, v1  }
0x34c: {  	v37 =	vor.u32 v43, v63;
	v63 =	vld [tilespmem:s20+$0x71E0];
	v4 =	vor.u32 v21, v4;
	v6 =	vadd.f32 v6, v52  }
0x34d: {  	v9 =	vor.u32 v50, v57;
	v57 =	vor.u32 v30, v58;
	v12 =	vld.idx.msk [tilespmem:v12+s17+$0x0], $0xffff;
	v3 =	vadd.f32 v3, v10  }
0x34e: {  	v2 =	vmul.f32 v2, v1;
	v52 =	vmul.f32 v11, v1;
	v10 =	vld.idx.msk [tilespmem:v16+s17+$0x0], $0xffff;
	[tilespmem:s29+$0x15180] =	vst v6  }
0x34f: {  	v51 =	vmul.f32 v8, v1;
	v11 =	vor.u32 v21, v37;
	[tilespmem:s20+$0x151D0] =	vst v3;
	v3 =	vld.idx.msk [tilespmem:v15+s17+$0x0], $0xffff  }
0x350: {  	v5 =	vadd.f32 v5, v52;
	v52 =	vmul.f32 v17, v0;
	v37 =	vmul.f32 v19, v0;
	v19 =	vld [tilespmem:$0x1FF60]  }
0x351: {  	s13 =	rddreg [dreg:$0x9];
	v16 =	vor.u32 v29, v59;
	v58 =	vadd.f32 v7, v51;
	v59 =	vor.u32 v42, v14;
	v4 =	vld.idx.msk [tilespmem:v4+s17+$0x0], $0xffff  }
0x352: {  	v12 =	vmul.f32 v12, v1;
	[tilespmem:s3+$0x151D0] =	vst v5;
	v2 =	vadd.f32 v52, v2;
	v52 =	vor.u32 v50, v57;
	v57 =	vld [tilespmem:s13+$0x7180]  }
0x353: {  	v6 =	vor.u32 v21, v59;
	v13 =	vld.idx.msk [tilespmem:v13+s17+$0x0], $0xffff  }
0x354: {  	[tilespmem:s30+$0x151D0] =	vst v58;
	v12 =	vadd.f32 v18, v12;
	v18 =	vld [tilespmem:$0x1FF90]  }
0x355: {  	v11 =	vld.idx.msk [tilespmem:v11+s17+$0x0], $0xffff;
	v51 =	vmul.f32 v10, v1;
	[tilespmem:s9+$0x15180] =	vst v2  }
0x356: {  	s9 =	rddreg [dreg:$0x7];
	v9 =	vld.idx.msk [tilespmem:v9+s17+$0x0], $0xffff  }
0x357: {  	s6 =	sor.u32 $0x450, s31;
	v62 =	vadd.s32 v25, v38;
	s29 =	smov.u32 s8;
	v17 =	vadd.s32 v25, v39;
	[tilespmem:s26+$0x151D0] =	vst v12;
	v58 =	vld [tilespmem:s9+$0x7180];
	v5 =	vadd.f32 v37, v51  }
0x358: {  	v14 =	vor.u32 v41, v60;
	v7 =	vmul.f32 v63, v0;
	[dreg:$0xd] =	wrdreg s29;
	s29 =	smov.u32 s6;
	v2 =	vor.u32 v40, v17;
	v6 =	vld.idx.msk [tilespmem:v6+s17+$0x0], $0xffff  }
0x359: {  	[dreg:$0xc] =	wrdreg s29;
	v3 =	vmul.f32 v3, v1;
	v63 =	vmul.f32 v57, v0;
	v59 =	vor.u32 v18, v56;
	[tilespmem:s19+$0x15180] =	vst v5;
	v56 =	vld [tilespmem:s20+$0x71F0]  }
0x35a: {  	s29 =	rddreg [dreg:$0xa];
	v17 =	vor.u32 v43, v62;
	v4 =	vmul.f32 v4, v1;
	v2 =	vor.u32 v18, v2;
	v62 =	vld.idx.msk [tilespmem:v52+s17+$0x0], $0xffff  }
0x35b: {  	v60 =	vmul.f32 v13, v1;
	v11 =	vmul.f32 v11, v1;
	v51 =	vld [tilespmem:s29+$0x7180];
	v3 =	vadd.f32 v63, v3  }
0x35c: {  	v14 =	vor.u32 v50, v14;
	v37 =	vor.u32 v18, v17;
	v4 =	vadd.f32 v7, v4;
	v63 =	vld [tilespmem:$0x1FDF0]  }
0x35d: {  	v52 =	vor.u32 v42, v55;
	v5 =	vadd.f32 v61, v60;
	v55 =	vadd.f32 v53, v11;
	v53 =	vld [tilespmem:$0x1FE00];
	[tilespmem:s13+$0x15180] =	vst v3  }
0x35e: {  	v17 =	vor.u32 v30, v48;
	[tilespmem:s20+$0x151E0] =	vst v4;
	v30 =	vld [tilespmem:s24+$0x7180]  }
0x35f: {  	v22 =	vmov v23;
	v8 =	vmul.f32 v58, v0;
	v9 =	vmul.f32 v9, v1;
	[tilespmem:s3+$0x151E0] =	vst v5;
	v2 =	vld.idx.msk [tilespmem:v2+s17+$0x0], $0xffff  }
0x360: {  	v57 =	vor.u32 v29, v17;
	v17 =	vadd.s32 v31, v38;
	v6 =	vmul.f32 v6, v1;
	v12 =	vld.idx.msk [tilespmem:v59+s17+$0x0], $0xffff  }
0x361: {  	v23 =	vmov v43;
	v4 =	vor.u32 v18, v52;
	v8 =	vadd.f32 v8, v9;
	[tilespmem:s30+$0x151E0] =	vst v55;
	v59 =	vld.idx.msk [tilespmem:v14+s17+$0x0], $0xffff  }
0x362: {  	v13 =	vld.idx.msk [tilespmem:v37+s17+$0x0], $0xffff;
	v6 =	vadd.f32 v54, v6;
	v7 =	vmul.f32 v62, v1;
	v62 =	vadd.s32 v31, v39  }
0x363: {  	v58 =	vmul.f32 v51, v0;
	[tilespmem:s9+$0x15180] =	vst v8;
	v51 =	vor.u32 v23, v17;
	v17 =	vld [tilespmem:$0x1FF30];
	v15 =	vor.u32 v40, v62  }
0x364: {  	s21 =	sadd.s32 $0x4, s21;
	v37 =	vmul.f32 v56, v0;
	v48 =	vld [tilespmem:s14+$0x7180];
	v43 =	vor.u32 v19, v15;
	v2 =	vmul.f32 v2, v1  }
0x365: {  	s2 =	sor.u32 $0x460, s31;
	s19 =	sand.u32 $0x7, s21;
	[tilespmem:s26+$0x151E0] =	vst v6;
	v16 =	vld.idx.msk [tilespmem:v16+s17+$0x0], $0xffff;
	v5 =	vadd.f32 v58, v7  }
0x366: {  	s13 =	smov.u32 s15;
	s15 =	smov.u32 s2;
	s2 =	sshll.u32 s19, $0x7;
	v8 =	vor.u32 v35, v63;
	v4 =	vld.idx.msk [tilespmem:v4+s17+$0x0], $0xffff;
	v2 =	vadd.f32 v37, v2  }
0x367: {  	v45 =	vmul.f32 v45, v0;
	s2 =	sadd.s32 s1, s2;
	v8 =	vor.u32 v19, v8;
	v58 =	vld [tilespmem:$0x1FF70];
	[tilespmem:s29+$0x15180] =	vst v5;
	v50 =	vmul.f32 v12, v1  }
0x368: {  	v20 =	vadd.s32 v20, v39;
	v3 =	vmov s4;
	v18 =	vadd.s32 v31, v36;
	[dreg:$0x9] =	wrdreg s13;
	s13 =	sadd.s32 $0x180, s2;
	v52 =	vld.idx.msk [tilespmem:v57+s17+$0x0], $0xffff;
	[tilespmem:s20+$0x151F0] =	vst v2  }
0x369: {  	[dreg:$0x7] =	wrdreg s15;
	s15 =	sor.u32 $0x400, s13;
	v12 =	vor.u32 v19, v51;
	v13 =	vmul.f32 v13, v1;
	v5 =	vadd.f32 v46, v50;
	v10 =	vld.idx.msk [tilespmem:v43+s17+$0x0], $0xffff  }
0x36a: {  	v55 =	vor.u32 v42, v18;
	v7 =	vmul.f32 v30, v0;
	v9 =	vmul.f32 v59, v1;
	v18 =	vld [tilespmem:s15+$0x7180]  }
0x36b: {  	v56 =	vor.u32 v19, v55;
	v54 =	vadd.f32 v45, v13;
	v4 =	vmul.f32 v4, v1;
	v2 =	vld [tilespmem:s28+$0x7180];
	[tilespmem:s3+$0x151F0] =	vst v5  }
0x36c: {  	s25 =	sor.u32 $0x400, s31;
	v20 =	vor.u32 v40, v20;
	v60 =	vshll.u32 v3, $0x7;
	v7 =	vadd.f32 v7, v9;
	v8 =	vld.idx.msk [tilespmem:v8+s17+$0x0], $0xffff  }
0x36d: {  	s9 =	sadd.s32 $0x80, s2;
	v11 =	vor.u32 v35, v53;
	v30 =	vadd.s32 v27, v39;
	[tilespmem:s30+$0x151F0] =	vst v54;
	v19 =	vld [tilespmem:s25+$0x7180];
	v4 =	vadd.f32 v44, v4  }
0x36e: {  	v3 =	vshll.u32 v3, $0x8;
	s8 =	sor.u32 $0x400, s9;
	v57 =	vor.u32 v41, v47;
	v15 =	vmul.f32 v48, v0;
	[tilespmem:s24+$0x15180] =	vst v7;
	v12 =	vld.idx.msk [tilespmem:v12+s17+$0x0], $0xffff  }
0x36f: {  	v31 =	vld [tilespmem:s8+$0x7180];
	[tilespmem:s26+$0x151F0] =	vst v4;
	v48 =	vmul.f32 v18, v0;
	v10 =	vmul.f32 v10, v1;
	v18 =	vor.u32 v58, v20  }
0x370: {  	v17 =	vadd.s32 v17, v38;
	v47 =	vand.u32 $0x7800, v3;
	v62 =	vor.u32 v29, v57;
	v9 =	vld.idx.msk [tilespmem:v56+s17+$0x0], $0xffff  }
0x371: {  	s29 =	sor.u32 $0x450, s9;
	v16 =	vmul.f32 v16, v1;
	v61 =	vmul.f32 v52, v1;
	v20 =	vld [tilespmem:s23+$0x7180];
	v4 =	vadd.f32 v48, v10  }
0x372: {  	[dreg:$0x10] =	wrdreg s29;
	s29 =	sor.u32 $0x460, s9;
	v17 =	vor.u32 v23, v17;
	v2 =	vmul.f32 v2, v0;
	v50 =	vmul.f32 v19, v0;
	v19 =	vld [tilespmem:$0x1FF30]  }
0x373: {  	[dreg:$0xa] =	wrdreg s29;
	s29 =	sadd.s32 $0x1, s4;
	v11 =	vor.u32 v58, v11;
	v15 =	vadd.f32 v15, v16;
	v16 =	vld [tilespmem:s5+$0x7180];
	v8 =	vmul.f32 v8, v1;
	[tilespmem:s15+$0x15180] =	vst v4  }
0x374: {  	v63 =	vmov s29;
	s29 =	sor.u32 $0x410, s13;
	v44 =	vand.u32 $0x200, v60;
	v2 =	vadd.f32 v2, v61;
	v4 =	vld.idx.msk [tilespmem:v18+s17+$0x0], $0xffff  }
0x375: {  	[tilespmem:s14+$0x15180] =	vst v15;
	v53 =	vmul.f32 v31, v0;
	v54 =	vmul.f32 v12, v1;
	v5 =	vadd.f32 v50, v8;
	v60 =	vld [tilespmem:s29+$0x7180]  }
0x376: {  	v57 =	vadd.s32 v27, v36;
	v52 =	vor.u32 v58, v17;
	[tilespmem:s28+$0x15180] =	vst v2;
	v55 =	vmul.f32 v20, v0;
	v20 =	vld [tilespmem:$0x1FFF0]  }
0x377: {  	s18 =	sor.u32 $0x410, s31;
	v37 =	vmov v42;
	v59 =	vadd.f32 v53, v54;
	v2 =	vld.idx.msk [tilespmem:v62+s17+$0x0], $0xffff;
	[tilespmem:s25+$0x15180] =	vst v5;
	v3 =	vadd.s32 v19, v36  }
0x378: {  	v62 =	vmul.f32 v16, v0;
	v9 =	vmul.f32 v9, v1;
	v16 =	vld [tilespmem:s18+$0x7180];
	v3 =	vor.u32 v37, v3  }
0x379: {  	s6 =	sor.u32 $0x410, s9;
	v17 =	vadd.s32 v27, v49;
	[tilespmem:s8+$0x15180] =	vst v59;
	v61 =	vld.idx.msk [tilespmem:v11+s17+$0x0], $0xffff;
	v3 =	vor.u32 v58, v3  }
0x37a: {  	v31 =	vor.u32 v35, v17;
	v9 =	vadd.f32 v62, v9;
	v17 =	vld [tilespmem:s6+$0x7180];
	v11 =	vor.u32 v40, v30  }
0x37b: {  	v5 =	vld.idx.msk [tilespmem:v52+s17+$0x0], $0xffff;
	v6 =	vmul.f32 v60, v0;
	v4 =	vmul.f32 v4, v1;
	v42 =	vor.u32 v20, v11  }
0x37c: {  	v34 =	vld [tilespmem:$0x1FEC0];
	v13 =	vshll.u32 v63, $0x8;
	v18 =	vadd.s32 v27, v38;
	[tilespmem:s5+$0x15180] =	vst v9;
	v2 =	vmul.f32 v2, v1  }
0x37d: {  	v45 =	vor.u32 v23, v18;
	v46 =	vmul.f32 v16, v0;
	v16 =	vld [tilespmem:s7+$0x7180];
	v4 =	vadd.f32 v6, v4  }
0x37e: {  	[dreg:$0x13] =	wrdreg s12;
	s26 =	sadd.s32 $0x2, s4;
	v43 =	vor.u32 v20, v31;
	v2 =	vadd.f32 v55, v2;
	v7 =	vmul.f32 v61, v1;
	v3 =	vld.idx.msk [tilespmem:v3+s17+$0x0], $0xffff  }
0x37f: {  	s12 =	sor.u32 $0x430, s31;
	s11 =	sor.u32 $0x420, s31;
	s31 =	sor.u32 $0x470, s31;
	v51 =	vmov s26;
	v18 =	vld [tilespmem:$0x1FFD0];
	v52 =	vor.u32 v20, v45;
	v53 =	vmul.f32 v17, v0;
	[tilespmem:s29+$0x15180] =	vst v4  }
0x380: {  	s14 =	smov.u32 s31;
	s31 =	sor.u32 $0x420, s13;
	v56 =	vshll.u32 v63, $0x7;
	v5 =	vmul.f32 v5, v1;
	[tilespmem:s23+$0x15180] =	vst v2;
	v2 =	vadd.f32 v46, v7;
	v9 =	vld.idx.msk [tilespmem:v42+s17+$0x0], $0xffff  }
0x381: {  	v63 =	vshll.u32 v51, $0x7;
	v48 =	vadd.s32 v26, v49;
	v17 =	vadd.s32 v24, v47;
	v59 =	vld [tilespmem:s31+$0x7180]  }
0x382: {  	[tilespmem:s18+$0x15180] =	vst v2;
	v2 =	vadd.f32 v53, v5;
	v60 =	vmul.f32 v16, v0;
	v16 =	vor.u32 v44, v17;
	v17 =	vld [tilespmem:$0x1FFC0]  }
0x383: {  	v58 =	vor.u32 v37, v57;
	v55 =	vadd.s32 v34, v49;
	v11 =	vld.idx.msk [tilespmem:v43+s17+$0x0], $0xffff;
	v3 =	vmul.f32 v3, v1  }
0x384: {  	v54 =	vadd.s32 v18, v49;
	v62 =	vadd.s32 v18, v39;
	v5 =	vor.u32 v20, v58;
	v61 =	vld [tilespmem:s11+$0x7180];
	[tilespmem:s6+$0x15180] =	vst v2  }
0x385: {  	s2 =	sor.u32 $0x420, s9;
	v6 =	vshll.u32 v51, $0x8;
	v14 =	vor.u32 v40, v62;
	v10 =	vld.idx.msk [tilespmem:v52+s17+$0x0], $0xffff;
	v3 =	vadd.f32 v60, v3  }
0x386: {  	v46 =	vand.u32 $0x7800, v13;
	v42 =	vand.u32 $0x300, v63;
	v2 =	vor.u32 v22, v16;
	v63 =	vld [tilespmem:s2+$0x7180]  }
0x387: {  	v30 =	vmul.f32 v9, v1;
	v31 =	vor.u32 v17, v14;
	[tilespmem:s7+$0x15180] =	vst v3;
	v3 =	vmul.f32 v59, v0  }
0x388: {  	v41 =	vmovc v49;
	v62 =	vadd.s32 v18, v36;
	v45 =	vand.u32 $0x7800, v6;
	v16 =	vadd.s32 v18, v38  }
0x389: {  	v4 =	vor.u32 v35, v54;
	v49 =	vor.u32 v23, v16;
	v5 =	vld.idx.msk [tilespmem:v5+s17+$0x0], $0xffff;
	v3 =	vadd.f32 v3, v30  }
0x38a: {  	v4 =	vor.u32 v17, v4;
	v12 =	vmul.f32 v61, v0;
	v11 =	vmul.f32 v11, v1;
	v50 =	vld [tilespmem:s10+$0x7180]  }
0x38b: {  	v43 =	vand.u32 $0x280, v56;
	v59 =	vld.idx.msk [tilespmem:v2+s17+$0x0], $0xffff;
	v2 =	vor.u32 v17, v49;
	v60 =	vmul.f32 v63, v0;
	[tilespmem:s31+$0x15180] =	vst v3  }
0x38c: {  	s6 =	sor.u32 $0x430, s13;
	v61 =	vmul.f32 v10, v1;
	v63 =	vadd.s32 v24, v45;
	v3 =	vadd.s32 v24, v46;
	v9 =	vld.idx.msk [tilespmem:v31+s17+$0x0], $0xffff  }
0x38d: {  	v58 =	vadd.f32 v12, v11;
	v57 =	vor.u32 v42, v63;
	v30 =	vld [tilespmem:s6+$0x7180];
	v3 =	vor.u32 v43, v3  }
0x38e: {  	p2 =	slt.u32 s4, $0x6C;
	v13 =	vadd.f32 v60, v61;
	v49 =	vor.u32 v22, v57;
	v63 =	vor.u32 v22, v3;
	v22 =	vld [tilespmem:$0x1FF40]  }
.Ltmp3:
0x38f: {  	s19 =	sor.u32 $0x440, s9;
	v51 =	vadd.s32 v34, v36;
	[tilespmem:s11+$0x15180] =	vst v58;
	v31 =	vmul.f32 v50, v0;
	v5 =	vmul.f32 v5, v1;
	(pc) =	sbr.rel @p2 .LBB2_5-.Ltmp3, $4  }
0x390: {  	s20 =	sor.u32 $0x430, s9;
	s3 =	sor.u32 $0x470, s9;
	s9 =	rddreg [dreg:$0x5];
	v15 =	vor.u32 v37, v62;
	v52 =	vor.u32 v35, v55;
	v58 =	vld.idx.msk [tilespmem:v4+s17+$0x0], $0xffff;
	[tilespmem:s2+$0x15180] =	vst v13  }
0x391: {  	s24 =	smov.u32 s0;
	s30 =	rddreg [dreg:$0x18];
	v10 =	vadd.s32 v34, v38;
	v55 =	vld.idx.msk [tilespmem:v2+s17+$0x0], $0xffff;
	v3 =	vadd.s32 v34, v39;
	v2 =	vadd.f32 v31, v5  }
0x392: {  	[tilespmem:$0x1FE10] =	vst v23;
	s0 =	sadd.s32 $0x3, s4;
	s4 =	sadd.s32 $0x4, s4;
	s23 =	rddreg [dreg:$0x15];
	v56 =	vor.u32 v17, v15;
	v57 =	vor.u32 v23, v10;
	v54 =	vld [tilespmem:s12+$0x7180];
	v3 =	vor.u32 v40, v3  }
0x393: {  	s28 =	smov.u32 s3;
	s15 =	smov.u32 s30;
	s11 =	rddreg [dreg:$0x13];
	v53 =	vld [tilespmem:s20+$0x7180];
	[tilespmem:s10+$0x15180] =	vst v2;
	v61 =	vmul.f32 v30, v0;
	v62 =	vmul.f32 v9, v1;
	v60 =	vor.u32 v22, v3  }
0x394: {  	v2 =	vmov s0  }
0x395: {  	v3 =	vshll.u32 v2, $0x8  }
0x396: {  	v26 =	vand.u32 $0x7800, v3;
	v3 =	vld [tilespmem:$0x1FE30];
	_ =	sdelay $0x3  }
0x397: {  	v2 =	vshll.u32 v2, $0x7  }
0x398: {  	v20 =	vmov v19;
	v19 =	vand.u32 $0x380, v2;
	v3 =	vadd.s32 v3, v26  }
0x399: {  	v2 =	vor.u32 v19, v3;
	v3 =	vld [tilespmem:$0x1FE20];
	_ =	sdelay $0x4  }
0x39a: {  	v2 =	vor.u32 v3, v2  }
0x39b: {  	s4 =	sadd.s32 $0x200, s22;
	s3 =	sadd.s32 $0x400, s1  }
0x39c: {  	s1 =	sand.u32 $0x7800, s3;
	s8 =	sand.u32 $0x380, s4  }
0x39d: {  	v10 =	vld [tilespmem:$0x1FE50];
	s0 =	sor.u32 s1, s8  }
0x39e: {  	s2 =	sadd.s32 $0xFFFFFE80, s4;
	v3 =	vld [tilespmem:s0+$0x7180]  }
0x39f: {  	s2 =	sand.u32 $0x200, s2;
	v2 =	vld.idx.msk [tilespmem:v2+s17+$0x0], $0xffff  }
0x3a0: {  	v13 =	vld [tilespmem:$0x1FE40];
	s2 =	sor.u32 s2, s1  }
0x3a1: {  	v6 =	vld [tilespmem:s2+$0x7180]  }
0x3a2: {  	s5 =	sadd.s32 $0xFFFFFF00, s4  }
0x3a3: {  	v5 =	vld.idx.msk [tilespmem:v63+s17+$0x0], $0xffff;
	s4 =	sadd.s32 $0xFFFFFF80, s4;
	s5 =	sand.u32 $0x280, s5;
	v4 =	vadd.s32 v10, v26  }
0x3a4: {  	s4 =	sand.u32 $0x300, s4;
	s5 =	sor.u32 s1, s5;
	v12 =	vld [tilespmem:s0+$0x7190];
	v4 =	vor.u32 v19, v4;
	v3 =	vmul.f32 v3, v0;
	v2 =	vmul.f32 v2, v1  }
0x3a5: {  	v11 =	vmul.f32 v59, v1;
	s4 =	sor.u32 s1, s4;
	v7 =	vld [tilespmem:s5+$0x7180];
	v8 =	vadd.s32 v10, v47;
	v4 =	vor.u32 v13, v4  }
0x3a6: {  	v9 =	vld [tilespmem:s4+$0x7180];
	v8 =	vor.u32 v44, v8;
	v6 =	vmul.f32 v6, v0;
	v2 =	vadd.f32 v3, v2  }
0x3a7: {  	v18 =	vld [tilespmem:s2+$0x7190];
	v8 =	vor.u32 v13, v8  }
0x3a8: {  	v6 =	vadd.f32 v6, v11;
	v3 =	vld.idx.msk [tilespmem:v49+s17+$0x0], $0xffff;
	[tilespmem:s0+$0x15180] =	vst v2  }
0x3a9: {  	v2 =	vadd.s32 v10, v46;
	v15 =	vld [tilespmem:$0x1FE70]  }
0x3aa: {  	v4 =	vld.idx.msk [tilespmem:v4+s17+$0x0], $0xffff;
	v2 =	vor.u32 v43, v2;
	[tilespmem:s2+$0x15180] =	vst v6  }
0x3ab: {  	v5 =	vmul.f32 v5, v1;
	v7 =	vmul.f32 v7, v0;
	v2 =	vor.u32 v13, v2;
	v14 =	vld [tilespmem:$0x1FE60]  }
0x3ac: {  	v63 =	vmul.f32 v9, v0;
	v10 =	vadd.s32 v10, v45;
	v8 =	vld.idx.msk [tilespmem:v8+s17+$0x0], $0xffff  }
0x3ad: {  	v5 =	vadd.f32 v7, v5;
	v10 =	vor.u32 v42, v10;
	v3 =	vmul.f32 v3, v1  }
0x3ae: {  	v50 =	vmul.f32 v12, v0;
	v10 =	vor.u32 v13, v10;
	v17 =	vadd.s32 v15, v26  }
0x3af: {  	v49 =	vld [tilespmem:s5+$0x7190];
	[tilespmem:s5+$0x15180] =	vst v5;
	v3 =	vadd.f32 v63, v3;
	v4 =	vmul.f32 v4, v1;
	v9 =	vor.u32 v19, v17  }
0x3b0: {  	v63 =	vmul.f32 v18, v0;
	v2 =	vld.idx.msk [tilespmem:v2+s17+$0x0], $0xffff;
	v9 =	vor.u32 v14, v9  }
0x3b1: {  	v59 =	vld [tilespmem:s4+$0x7190];
	[tilespmem:s4+$0x15180] =	vst v3;
	v3 =	vadd.s32 v15, v47;
	v8 =	vmul.f32 v8, v1;
	v4 =	vadd.f32 v50, v4  }
0x3b2: {  	v18 =	vld [tilespmem:s0+$0x71A0];
	v3 =	vor.u32 v44, v3  }
0x3b3: {  	v6 =	vld.idx.msk [tilespmem:v10+s17+$0x0], $0xffff;
	v3 =	vor.u32 v14, v3;
	[tilespmem:s0+$0x15190] =	vst v4;
	v4 =	vadd.f32 v63, v8  }
0x3b4: {  	v16 =	vadd.s32 v15, v46;
	v17 =	vmul.f32 v49, v0;
	v49 =	vadd.s32 v15, v45;
	v15 =	vld [tilespmem:$0x1FE90]  }
0x3b5: {  	v7 =	vor.u32 v43, v16;
	v12 =	vor.u32 v42, v49;
	[tilespmem:s2+$0x15190] =	vst v4;
	v9 =	vld.idx.msk [tilespmem:v9+s17+$0x0], $0xffff  }
0x3b6: {  	v7 =	vor.u32 v14, v7;
	v12 =	vor.u32 v14, v12;
	v2 =	vmul.f32 v2, v1;
	v14 =	vld [tilespmem:$0x1FE80]  }
0x3b7: {  	v50 =	vld [tilespmem:s2+$0x71A0]  }
0x3b8: {  	v5 =	vmul.f32 v59, v0;
	v6 =	vmul.f32 v6, v1;
	v2 =	vadd.f32 v17, v2;
	v3 =	vld.idx.msk [tilespmem:v3+s17+$0x0], $0xffff  }
0x3b9: {  	v63 =	vld [tilespmem:s5+$0x71A0];
	v59 =	vadd.s32 v15, v26  }
0x3ba: {  	[tilespmem:s5+$0x15190] =	vst v2;
	v2 =	vadd.f32 v5, v6;
	v8 =	vor.u32 v19, v59  }
0x3bb: {  	v11 =	vmul.f32 v18, v0;
	v17 =	vld.idx.msk [tilespmem:v7+s17+$0x0], $0xffff;
	v9 =	vmul.f32 v9, v1;
	v8 =	vor.u32 v14, v8  }
0x3bc: {  	v16 =	vld [tilespmem:s4+$0x71A0];
	v49 =	vadd.s32 v15, v47;
	[tilespmem:s4+$0x15190] =	vst v2  }
0x3bd: {  	v2 =	vmul.f32 v50, v0;
	v7 =	vld.idx.msk [tilespmem:v12+s17+$0x0], $0xffff;
	v3 =	vmul.f32 v3, v1;
	v18 =	vadd.f32 v11, v9  }
0x3be: {  	v6 =	vor.u32 v44, v49;
	v59 =	vadd.s32 v15, v46;
	v50 =	vmul.f32 v63, v0;
	v63 =	vld [tilespmem:s0+$0x71B0]  }
0x3bf: {  	v6 =	vor.u32 v14, v6;
	v10 =	vor.u32 v43, v59;
	v2 =	vadd.f32 v2, v3;
	[tilespmem:s0+$0x151A0] =	vst v18;
	v18 =	vld [tilespmem:s2+$0x71B0]  }
0x3c0: {  	v3 =	vor.u32 v14, v10;
	v5 =	vmul.f32 v17, v1;
	v17 =	vadd.s32 v15, v45;
	v8 =	vld.idx.msk [tilespmem:v8+s17+$0x0], $0xffff  }
0x3c1: {  	v4 =	vmul.f32 v16, v0;
	v12 =	vor.u32 v42, v17;
	v15 =	vld [tilespmem:$0x1FEB0]  }
0x3c2: {  	[tilespmem:s2+$0x151A0] =	vst v2;
	v5 =	vadd.f32 v50, v5;
	v50 =	vld [tilespmem:s5+$0x71B0];
	v12 =	vor.u32 v14, v12;
	v7 =	vmul.f32 v7, v1  }
0x3c3: {  	v14 =	vld [tilespmem:$0x1FEA0]  }
0x3c4: {  	v6 =	vld.idx.msk [tilespmem:v6+s17+$0x0], $0xffff;
	[tilespmem:s5+$0x151A0] =	vst v5;
	v4 =	vadd.f32 v4, v7  }
0x3c5: {  	v11 =	vmul.f32 v63, v0;
	v3 =	vld.idx.msk [tilespmem:v3+s17+$0x0], $0xffff  }
0x3c6: {  	v2 =	vld [tilespmem:s4+$0x71B0];
	v63 =	vmul.f32 v18, v0;
	v49 =	vadd.s32 v15, v26;
	v8 =	vmul.f32 v8, v1;
	[tilespmem:s4+$0x151A0] =	vst v4  }
0x3c7: {  	v16 =	vadd.s32 v15, v47;
	v18 =	vadd.s32 v15, v46;
	v9 =	vor.u32 v19, v49;
	v7 =	vld.idx.msk [tilespmem:v12+s17+$0x0], $0xffff  }
0x3c8: {  	v17 =	vmul.f32 v50, v0;
	v5 =	vor.u32 v44, v16;
	v9 =	vor.u32 v14, v9  }
0x3c9: {  	v6 =	vmul.f32 v6, v1;
	v49 =	vld [tilespmem:s0+$0x71C0];
	v10 =	vor.u32 v43, v18;
	v5 =	vor.u32 v14, v5  }
0x3ca: {  	v16 =	vld [tilespmem:s5+$0x71C0];
	v59 =	vadd.f32 v11, v8;
	v10 =	vor.u32 v14, v10;
	v3 =	vmul.f32 v3, v1  }
0x3cb: {  	v2 =	vmul.f32 v2, v0;
	v50 =	vadd.s32 v15, v45;
	v15 =	vld.idx.msk [tilespmem:v56+s17+$0x0], $0xffff;
	v4 =	vadd.f32 v63, v6  }
0x3cc: {  	v6 =	vor.u32 v42, v50;
	[tilespmem:s0+$0x151B0] =	vst v59;
	v59 =	vld [tilespmem:s2+$0x71C0];
	v3 =	vadd.f32 v17, v3;
	v7 =	vmul.f32 v7, v1  }
0x3cd: {  	v6 =	vor.u32 v14, v6;
	[tilespmem:s2+$0x151B0] =	vst v4;
	v9 =	vld.idx.msk [tilespmem:v9+s17+$0x0], $0xffff  }
0x3ce: {  	[tilespmem:s5+$0x151B0] =	vst v3;
	v3 =	vld.idx.msk [tilespmem:v5+s17+$0x0], $0xffff;
	v2 =	vadd.f32 v2, v7  }
0x3cf: {  	v63 =	vadd.s32 v33, v26;
	v18 =	vld.idx.msk [tilespmem:v10+s17+$0x0], $0xffff  }
0x3d0: {  	v8 =	vor.u32 v19, v63;
	v63 =	vld [tilespmem:s0+$0x71D0];
	[tilespmem:s4+$0x151B0] =	vst v2;
	v2 =	vadd.f32 v61, v62  }
0x3d1: {  	v8 =	vor.u32 v32, v8;
	v17 =	vld [tilespmem:s4+$0x71C0];
	v11 =	vmul.f32 v49, v0;
	v50 =	vmul.f32 v59, v0  }
0x3d2: {  	v59 =	vadd.s32 v33, v47;
	v6 =	vld.idx.msk [tilespmem:v6+s17+$0x0], $0xffff;
	v9 =	vmul.f32 v9, v1;
	[tilespmem:s6+$0x15180] =	vst v2  }
0x3d3: {  	s10 =	sor.u32 $0x440, s13;
	v61 =	vmul.f32 v16, v0;
	v2 =	vor.u32 v44, v59;
	v3 =	vmul.f32 v3, v1;
	v12 =	vld.idx.msk [tilespmem:v60+s17+$0x0], $0xffff  }
0x3d4: {  	v2 =	vor.u32 v32, v2;
	v49 =	vadd.f32 v11, v9;
	v5 =	vmul.f32 v18, v1;
	v18 =	vld [tilespmem:s10+$0x7180]  }
0x3d5: {  	v62 =	vadd.s32 v33, v46;
	v3 =	vadd.f32 v50, v3;
	v50 =	vld [tilespmem:s2+$0x71D0]  }
0x3d6: {  	v7 =	vor.u32 v43, v62;
	[tilespmem:s0+$0x151C0] =	vst v49;
	v5 =	vadd.f32 v61, v5;
	v61 =	vld [tilespmem:s5+$0x71D0]  }
0x3d7: {  	v7 =	vor.u32 v32, v7;
	v49 =	vadd.s32 v33, v45;
	v8 =	vld.idx.msk [tilespmem:v8+s17+$0x0], $0xffff  }
0x3d8: {  	v4 =	vmul.f32 v17, v0;
	v9 =	vor.u32 v42, v49;
	v59 =	vld [tilespmem:$0x1FFB0];
	[tilespmem:s2+$0x151C0] =	vst v3  }
0x3d9: {  	v6 =	vmul.f32 v6, v1;
	v9 =	vor.u32 v32, v9;
	[tilespmem:s5+$0x151C0] =	vst v5;
	v2 =	vld.idx.msk [tilespmem:v2+s17+$0x0], $0xffff  }
0x3da: {  	v23 =	vld [tilespmem:$0x1FEE0]  }
0x3db: {  	v11 =	vmul.f32 v63, v0;
	v3 =	vld [tilespmem:s4+$0x71D0];
	v4 =	vadd.f32 v4, v6;
	v6 =	vmul.f32 v58, v1  }
0x3dc: {  	v12 =	vmul.f32 v12, v1;
	v7 =	vld.idx.msk [tilespmem:v7+s17+$0x0], $0xffff;
	v8 =	vmul.f32 v8, v1  }
0x3dd: {  	v16 =	vmul.f32 v18, v0;
	[tilespmem:s4+$0x151C0] =	vst v4;
	v18 =	vmul.f32 v50, v0;
	v50 =	vld [tilespmem:s0+$0x71E0];
	v60 =	vadd.s32 v59, v26  }
0x3de: {  	v10 =	vor.u32 v19, v60;
	v9 =	vld.idx.msk [tilespmem:v9+s17+$0x0], $0xffff;
	v2 =	vmul.f32 v2, v1;
	v8 =	vadd.f32 v11, v8  }
0x3df: {  	v62 =	vadd.s32 v23, v39;
	v11 =	vadd.f32 v16, v12;
	v16 =	vmul.f32 v54, v0;
	v54 =	vld [tilespmem:s5+$0x71F0]  }
0x3e0: {  	v10 =	vor.u32 v21, v10;
	v63 =	vor.u32 v40, v62;
	v2 =	vadd.f32 v18, v2;
	v62 =	vld [tilespmem:s2+$0x71E0];
	[tilespmem:s0+$0x151D0] =	vst v8  }
0x3e1: {  	v49 =	vmul.f32 v61, v0;
	v17 =	vadd.s32 v59, v47;
	v60 =	vadd.s32 v59, v46;
	v58 =	vld [tilespmem:$0x1FED0];
	[tilespmem:s10+$0x15180] =	vst v11  }
0x3e2: {  	v7 =	vmul.f32 v7, v1;
	v8 =	vor.u32 v44, v17;
	v11 =	vor.u32 v43, v60;
	[tilespmem:s2+$0x151D0] =	vst v2;
	v60 =	vld [tilespmem:s5+$0x71E0]  }
0x3e3: {  	v8 =	vor.u32 v21, v8;
	v56 =	vld [tilespmem:$0x1FF80]  }
0x3e4: {  	v3 =	vmul.f32 v3, v0;
	v7 =	vadd.f32 v49, v7;
	v2 =	vmul.f32 v9, v1;
	v25 =	vld [tilespmem:$0x1FF90]  }
0x3e5: {  	v5 =	vor.u32 v22, v52;
	v11 =	vor.u32 v21, v11;
	v10 =	vld.idx.msk [tilespmem:v10+s17+$0x0], $0xffff  }
0x3e6: {  	s18 =	sor.u32 $0x450, s13;
	v61 =	vadd.s32 v59, v45;
	[tilespmem:s5+$0x151D0] =	vst v7;
	v7 =	vor.u32 v22, v57;
	v57 =	vld [tilespmem:s0+$0x71F0];
	v2 =	vadd.f32 v3, v2  }
0x3e7: {  	v12 =	vor.u32 v42, v61;
	v3 =	vld [tilespmem:s18+$0x7180];
	v4 =	vor.u32 v58, v63  }
0x3e8: {  	v6 =	vadd.f32 v16, v6;
	v63 =	vor.u32 v21, v12;
	v8 =	vld.idx.msk [tilespmem:v8+s17+$0x0], $0xffff;
	[tilespmem:s4+$0x151D0] =	vst v2  }
0x3e9: {  	v14 =	vmul.f32 v50, v0;
	v17 =	vmul.f32 v55, v1;
	v52 =	vadd.s32 v56, v26;
	v50 =	vld [tilespmem:$0x1FF00]  }
0x3ea: {  	v11 =	vld.idx.msk [tilespmem:v11+s17+$0x0], $0xffff;
	[tilespmem:s12+$0x15180] =	vst v6;
	v12 =	vor.u32 v19, v52;
	v10 =	vmul.f32 v10, v1  }
0x3eb: {  	v13 =	vmul.f32 v62, v0;
	v61 =	vadd.s32 v56, v47;
	v52 =	vld.idx.msk [tilespmem:v5+s17+$0x0], $0xffff;
	v12 =	vor.u32 v25, v12  }
0x3ec: {  	v2 =	vmul.f32 v53, v0;
	v16 =	vor.u32 v44, v61;
	v10 =	vadd.f32 v14, v10;
	v4 =	vld.idx.msk [tilespmem:v4+s17+$0x0], $0xffff  }
0x3ed: {  	v60 =	vmul.f32 v60, v0;
	v16 =	vor.u32 v25, v16;
	v9 =	vld.idx.msk [tilespmem:v63+s17+$0x0], $0xffff;
	v8 =	vmul.f32 v8, v1  }
0x3ee: {  	v2 =	vadd.f32 v2, v17;
	v63 =	vadd.s32 v56, v46;
	v18 =	vadd.s32 v50, v39;
	[tilespmem:s0+$0x151E0] =	vst v10;
	v10 =	vld [tilespmem:s4+$0x71E0]  }
0x3ef: {  	v11 =	vmul.f32 v11, v1;
	v62 =	vor.u32 v40, v18;
	v8 =	vadd.f32 v13, v8;
	v18 =	vld [tilespmem:$0x1FEF0]  }
0x3f0: {  	v49 =	vor.u32 v43, v63;
	[tilespmem:s20+$0x15180] =	vst v2;
	v12 =	vld.idx.msk [tilespmem:v12+s17+$0x0], $0xffff  }
0x3f1: {  	v6 =	vor.u32 v25, v49;
	v5 =	vadd.f32 v60, v11;
	v7 =	vld.idx.msk [tilespmem:v7+s17+$0x0], $0xffff;
	[tilespmem:s2+$0x151E0] =	vst v8  }
0x3f2: {  	v61 =	vadd.s32 v56, v45;
	v63 =	vld.idx.msk [tilespmem:v16+s17+$0x0], $0xffff  }
0x3f3: {  	v17 =	vor.u32 v42, v61;
	v49 =	vld [tilespmem:$0x1FF50];
	[tilespmem:s5+$0x151E0] =	vst v5  }
0x3f4: {  	v3 =	vmul.f32 v3, v0;
	v2 =	vor.u32 v25, v17;
	v4 =	vmul.f32 v4, v1;
	v24 =	vld [tilespmem:$0x1FF60]  }
0x3f5: {  	v9 =	vmul.f32 v9, v1;
	v10 =	vmul.f32 v10, v0;
	v14 =	vor.u32 v18, v62;
	v62 =	vld [tilespmem:s2+$0x71F0]  }
0x3f6: {  	v13 =	vmul.f32 v57, v0;
	v6 =	vld.idx.msk [tilespmem:v6+s17+$0x0], $0xffff;
	v3 =	vadd.f32 v3, v4;
	v12 =	vmul.f32 v12, v1  }
0x3f7: {  	s22 =	sadd.s32 $0x4, s21;
	v61 =	vor.u32 v37, v51;
	v16 =	vld [tilespmem:s11+$0x7180];
	v9 =	vadd.f32 v10, v9  }
0x3f8: {  	s6 =	sand.u32 $0x7, s22;
	[tilespmem:s18+$0x15180] =	vst v3;
	v53 =	vadd.s32 v49, v26;
	v55 =	vadd.s32 v49, v47;
	v57 =	vadd.f32 v13, v12  }
0x3f9: {  	s6 =	sshll.u32 s6, $0x7;
	[tilespmem:s4+$0x151E0] =	vst v9;
	v11 =	vmul.f32 v63, v1;
	v3 =	vadd.s32 v49, v46;
	v17 =	vor.u32 v19, v53  }
0x3fa: {  	s6 =	sadd.s32 s3, s6;
	v10 =	vor.u32 v44, v55;
	v2 =	vld.idx.msk [tilespmem:v2+s17+$0x0], $0xffff;
	v17 =	vor.u32 v24, v17;
	v8 =	vmul.f32 v62, v0  }
0x3fb: {  	v60 =	vld [tilespmem:s4+$0x71F0];
	v10 =	vor.u32 v24, v10;
	[tilespmem:s0+$0x151F0] =	vst v57;
	s0 =	sadd.s32 $0x180, s6;
	v62 =	vmul.f32 v54, v0;
	v63 =	vmul.f32 v6, v1  }
0x3fc: {  	v51 =	vmul.f32 v16, v0;
	v53 =	vmul.f32 v15, v1;
	v13 =	vld.idx.msk [tilespmem:v14+s17+$0x0], $0xffff;
	s26 =	sor.u32 $0x400, s0;
	v8 =	vadd.f32 v8, v11  }
0x3fd: {  	p0 =	por !p0, !p0;
	s7 =	simm.s32 $0x1;
	s30 =	sor.u32 $0x460, s13;
	v3 =	vor.u32 v43, v3;
	v55 =	vld [tilespmem:s26+$0x7180];
	v4 =	vadd.f32 v62, v63  }
0x3fe: {  	s7 =	simm.s32 @!p0 $0x0;
	v3 =	vor.u32 v24, v3;
	v11 =	vadd.f32 v51, v53;
	v62 =	vld [tilespmem:s30+$0x7180];
	[tilespmem:s2+$0x151F0] =	vst v8  }
0x3ff: {  	s25 =	sshll.u32 s7, $0x9;
	[tilespmem:s5+$0x151F0] =	vst v4;
	v6 =	vld.idx.msk [tilespmem:v17+s17+$0x0], $0xffff  }
0x400: {  	s1 =	sadd.s32 s25, s3;
	v12 =	vor.u32 v22, v61;
	v54 =	vadd.s32 v49, v45;
	[tilespmem:s11+$0x15180] =	vst v11;
	v10 =	vld.idx.msk [tilespmem:v10+s17+$0x0], $0xffff  }
0x401: {  	s8 =	sor.u32 $0x400, s1;
	v9 =	vmul.f32 v60, v0;
	v57 =	vor.u32 v42, v54;
	v2 =	vmul.f32 v2, v1;
	v30 =	vld [tilespmem:$0x1FF70]  }
0x402: {  	s29 =	sadd.s32 $0x2, s9;
	v5 =	vor.u32 v24, v57;
	s2 =	sadd.s32 $0x80, s6;
	v60 =	vld [tilespmem:s8+$0x7180]  }
0x403: {  	s10 =	sand.u32 $0x3, s29;
	s6 =	sor.u32 $0x400, s2;
	v3 =	vld.idx.msk [tilespmem:v3+s17+$0x0], $0xffff;
	v2 =	vadd.f32 v9, v2  }
0x404: {  	s31 =	sshll.u32 s10, $0x8;
	v61 =	vadd.s32 v20, v47;
	v63 =	vadd.s32 v20, v26;
	v51 =	vld [tilespmem:s6+$0x7180]  }
0x405: {  	s3 =	sadd.s32 s3, s31;
	v4 =	vor.u32 v19, v63;
	v17 =	vor.u32 v44, v61;
	[tilespmem:s4+$0x151F0] =	vst v2;
	v2 =	vld.idx.msk [tilespmem:v12+s17+$0x0], $0xffff  }
0x406: {  	s3 =	sadd.s32 $0x100, s3;
	v8 =	vmul.f32 v55, v0;
	v31 =	vld [tilespmem:$0x1FFA0];
	v6 =	vmul.f32 v6, v1;
	v4 =	vor.u32 v30, v4  }
0x407: {  	s5 =	sor.u32 $0x400, s3;
	v5 =	vld.idx.msk [tilespmem:v5+s17+$0x0], $0xffff;
	v9 =	vor.u32 v30, v17  }
0x408: {  	v57 =	vld [tilespmem:s5+$0x7180];
	v15 =	vmul.f32 v60, v0;
	v10 =	vmul.f32 v10, v1;
	v6 =	vadd.f32 v8, v6  }
0x409: {  	v13 =	vmul.f32 v13, v1;
	v29 =	vld [tilespmem:$0x1FF10]  }
0x40a: {  	v61 =	vadd.s32 v20, v46;
	v55 =	vmul.f32 v62, v0;
	v60 =	vld [tilespmem:s23+$0x7180];
	v10 =	vadd.f32 v15, v10;
	[tilespmem:s26+$0x15180] =	vst v6  }
0x40b: {  	s7 =	sor.u32 $0x410, s0;
	v62 =	vor.u32 v43, v61;
	v4 =	vld.idx.msk [tilespmem:v4+s17+$0x0], $0xffff  }
0x40c: {  	v12 =	vadd.f32 v55, v13;
	v3 =	vmul.f32 v3, v1;
	v11 =	vmul.f32 v51, v0;
	[tilespmem:s8+$0x15180] =	vst v10;
	v63 =	vld [tilespmem:s7+$0x7180]  }
0x40d: {  	s10 =	sor.u32 $0x410, s1;
	v13 =	vadd.s32 v23, v41;
	v15 =	vadd.s32 v50, v41;
	v53 =	vadd.s32 v31, v39;
	v9 =	vld.idx.msk [tilespmem:v9+s17+$0x0], $0xffff  }
0x40e: {  	v3 =	vadd.f32 v11, v3;
	v6 =	vor.u32 v30, v62;
	v54 =	vor.u32 v40, v53;
	v53 =	vld [tilespmem:s10+$0x7180]  }
0x40f: {  	[tilespmem:s30+$0x15180] =	vst v12;
	v51 =	vmul.f32 v57, v0;
	v5 =	vmul.f32 v5, v1;
	v40 =	vadd.s32 v20, v45  }
0x410: {  	v62 =	vld [tilespmem:s19+$0x7180];
	[tilespmem:s6+$0x15180] =	vst v3;
	v57 =	vmul.f32 v60, v0;
	v8 =	vor.u32 v29, v54;
	v41 =	vor.u32 v42, v40  }
0x411: {  	s11 =	sor.u32 $0x410, s2;
	v60 =	vmul.f32 v52, v1;
	v5 =	vadd.f32 v51, v5;
	v11 =	vor.u32 v30, v41;
	v41 =	vld [tilespmem:$0x1FFF0]  }
0x412: {  	v3 =	vadd.s32 v27, v26;
	v61 =	vld [tilespmem:s11+$0x7180];
	v10 =	vmul.f32 v63, v0;
	v4 =	vmul.f32 v4, v1  }
0x413: {  	s12 =	sor.u32 $0x410, s3;
	[tilespmem:s5+$0x15180] =	vst v5;
	v6 =	vld.idx.msk [tilespmem:v6+s17+$0x0], $0xffff;
	v14 =	vmul.f32 v53, v0;
	v9 =	vmul.f32 v9, v1  }
0x414: {  	v54 =	vadd.s32 v27, v47;
	v40 =	vor.u32 v35, v13;
	v52 =	vld [tilespmem:s12+$0x7180];
	v4 =	vadd.f32 v10, v4  }
0x415: {  	v3 =	vor.u32 v19, v3;
	v12 =	vor.u32 v58, v40;
	v39 =	vld.idx.msk [tilespmem:v8+s17+$0x0], $0xffff;
	v9 =	vadd.f32 v14, v9  }
0x416: {  	s18 =	sor.u32 $0x420, s0;
	v55 =	vor.u32 v44, v54;
	v3 =	vor.u32 v41, v3;
	v11 =	vld.idx.msk [tilespmem:v11+s17+$0x0], $0xffff;
	[tilespmem:s7+$0x15180] =	vst v4  }
0x417: {  	v63 =	vadd.f32 v57, v60;
	v8 =	vor.u32 v41, v55;
	[tilespmem:s10+$0x15180] =	vst v9;
	v55 =	vld [tilespmem:s18+$0x7180]  }
0x418: {  	s20 =	sor.u32 $0x420, s1;
	v54 =	vmul.f32 v61, v0;
	v6 =	vmul.f32 v6, v1;
	v20 =	vld [tilespmem:$0x1FE10]  }
0x419: {  	v51 =	vadd.s32 v27, v46;
	[tilespmem:s23+$0x15180] =	vst v63;
	v61 =	vld [tilespmem:s20+$0x7180]  }
0x41a: {  	v13 =	vor.u32 v43, v51;
	v6 =	vadd.f32 v54, v6;
	v12 =	vld.idx.msk [tilespmem:v12+s17+$0x0], $0xffff  }
0x41b: {  	v7 =	vmul.f32 v7, v1;
	v57 =	vadd.s32 v27, v45;
	v13 =	vor.u32 v41, v13;
	v3 =	vld.idx.msk [tilespmem:v3+s17+$0x0], $0xffff  }
0x41c: {  	v5 =	vmul.f32 v62, v0;
	v60 =	vor.u32 v42, v57;
	s9 =	rddreg [dreg:$0xd];
	v8 =	vld.idx.msk [tilespmem:v8+s17+$0x0], $0xffff;
	[tilespmem:s11+$0x15180] =	vst v6  }
0x41d: {  	v10 =	vor.u32 v41, v60;
	v16 =	vmul.f32 v52, v0;
	v11 =	vmul.f32 v11, v1;
	v40 =	vld [tilespmem:$0x1FFD0]  }
0x41e: {  	v2 =	vmul.f32 v2, v1;
	v15 =	vor.u32 v35, v15;
	v62 =	vld [tilespmem:s9+$0x7180]  }
0x41f: {  	v53 =	vadd.s32 v23, v38;
	v5 =	vadd.f32 v5, v7;
	v11 =	vadd.f32 v16, v11;
	v28 =	vld [tilespmem:$0x1FFC0]  }
0x420: {  	s21 =	sor.u32 $0x420, s2;
	v54 =	vadd.s32 v23, v36;
	v13 =	vld.idx.msk [tilespmem:v13+s17+$0x0], $0xffff;
	v4 =	vor.u32 v20, v53;
	v9 =	vmul.f32 v55, v0  }
0x421: {  	v52 =	vld [tilespmem:s21+$0x7180];
	v14 =	vmul.f32 v61, v0;
	v55 =	vor.u32 v37, v54;
	v4 =	vor.u32 v58, v4;
	[tilespmem:s12+$0x15180] =	vst v11  }
0x422: {  	v3 =	vmul.f32 v3, v1;
	v8 =	vmul.f32 v8, v1;
	v10 =	vld.idx.msk [tilespmem:v10+s17+$0x0], $0xffff;
	v63 =	vadd.s32 v40, v26  }
0x423: {  	s22 =	sor.u32 $0x420, s3;
	s8 =	rddreg [dreg:$0xc];
	[tilespmem:s19+$0x15180] =	vst v5;
	v17 =	vmul.f32 v62, v0;
	v5 =	vor.u32 v58, v55;
	v6 =	vor.u32 v19, v63  }
0x424: {  	v60 =	vld [tilespmem:s22+$0x7180];
	v51 =	vadd.s32 v40, v47;
	v3 =	vadd.f32 v9, v3;
	v6 =	vor.u32 v28, v6  }
0x425: {  	v53 =	vld [tilespmem:s8+$0x7180];
	v57 =	vadd.s32 v40, v46;
	v8 =	vadd.f32 v14, v8;
	v7 =	vor.u32 v44, v51  }
0x426: {  	s23 =	sor.u32 $0x430, s0;
	v61 =	vmul.f32 v52, v0;
	v7 =	vor.u32 v28, v7;
	v4 =	vld.idx.msk [tilespmem:v4+s17+$0x0], $0xffff;
	[tilespmem:s18+$0x15180] =	vst v3  }
0x427: {  	s25 =	sor.u32 $0x430, s1;
	v13 =	vmul.f32 v13, v1;
	v2 =	vadd.f32 v17, v2;
	v9 =	vor.u32 v43, v57;
	[tilespmem:s20+$0x15180] =	vst v8;
	v63 =	vld [tilespmem:s23+$0x7180]  }
0x428: {  	v15 =	vor.u32 v18, v15;
	v62 =	vadd.s32 v40, v45;
	v3 =	vor.u32 v28, v9;
	v51 =	vld [tilespmem:s25+$0x7180]  }
0x429: {  	v16 =	vor.u32 v42, v62;
	v9 =	vadd.f32 v61, v13;
	s11 =	rddreg [dreg:$0x10];
	[tilespmem:s9+$0x15180] =	vst v2;
	v6 =	vld.idx.msk [tilespmem:v6+s17+$0x0], $0xffff  }
0x42a: {  	v13 =	vor.u32 v28, v16;
	v14 =	vmul.f32 v60, v0;
	v10 =	vmul.f32 v10, v1;
	v5 =	vld.idx.msk [tilespmem:v5+s17+$0x0], $0xffff  }
0x42b: {  	s26 =	sor.u32 $0x430, s2;
	v12 =	vmul.f32 v12, v1;
	v11 =	vmul.f32 v53, v0;
	[tilespmem:s21+$0x15180] =	vst v9;
	v7 =	vld.idx.msk [tilespmem:v7+s17+$0x0], $0xffff  }
0x42c: {  	v54 =	vadd.s32 v34, v26;
	v53 =	vadd.s32 v34, v47;
	v10 =	vadd.f32 v14, v10;
	v2 =	vld [tilespmem:s26+$0x7180]  }
0x42d: {  	v14 =	vor.u32 v19, v54;
	v9 =	vor.u32 v44, v53;
	v11 =	vadd.f32 v11, v12;
	v3 =	vld.idx.msk [tilespmem:v3+s17+$0x0], $0xffff  }
0x42e: {  	v52 =	vld [tilespmem:s11+$0x7180];
	v55 =	vor.u32 v22, v14;
	[tilespmem:s22+$0x15180] =	vst v10;
	v8 =	vmul.f32 v63, v0;
	v6 =	vmul.f32 v6, v1  }
0x42f: {  	s29 =	sor.u32 $0x430, s3;
	v9 =	vor.u32 v22, v9;
	v13 =	vld.idx.msk [tilespmem:v13+s17+$0x0], $0xffff  }
0x430: {  	v57 =	vmul.f32 v51, v0;
	[tilespmem:s8+$0x15180] =	vst v11;
	v62 =	vld [tilespmem:s29+$0x7180];
	v7 =	vmul.f32 v7, v1;
	v6 =	vadd.f32 v8, v6  }
0x431: {  	v60 =	vadd.s32 v50, v38;
	v4 =	vmul.f32 v4, v1;
	v15 =	vld.idx.msk [tilespmem:v15+s17+$0x0], $0xffff  }
0x432: {  	v2 =	vmul.f32 v2, v0;
	v3 =	vmul.f32 v3, v1;
	v7 =	vadd.f32 v57, v7;
	[tilespmem:s23+$0x15180] =	vst v6  }
0x433: {  	v11 =	vor.u32 v20, v60;
	v51 =	vadd.s32 v34, v46;
	v12 =	vmul.f32 v52, v0;
	s30 =	rddreg [dreg:$0x9];
	v10 =	vld.idx.msk [tilespmem:v55+s17+$0x0], $0xffff  }
0x434: {  	v11 =	vor.u32 v18, v11;
	v52 =	vadd.s32 v34, v45;
	v2 =	vadd.f32 v2, v3;
	[tilespmem:s25+$0x15180] =	vst v7;
	v63 =	vld [tilespmem:s30+$0x7180]  }
0x435: {  	s8 =	sor.u32 $0x440, s1;
	v4 =	vadd.f32 v12, v4;
	v16 =	vmul.f32 v62, v0;
	v8 =	vor.u32 v43, v51;
	v9 =	vld.idx.msk [tilespmem:v9+s17+$0x0], $0xffff  }
0x436: {  	s31 =	sor.u32 $0x440, s0;
	v13 =	vmul.f32 v13, v1;
	v8 =	vor.u32 v22, v8;
	v7 =	vor.u32 v42, v52;
	[tilespmem:s26+$0x15180] =	vst v2;
	v53 =	vld [tilespmem:s8+$0x7180]  }
0x437: {  	v61 =	vadd.s32 v50, v36;
	v3 =	vld [tilespmem:s31+$0x7180];
	v7 =	vor.u32 v22, v7;
	s9 =	rddreg [dreg:$0x7]  }
0x438: {  	v14 =	vor.u32 v37, v61;
	v60 =	vadd.s32 v23, v26;
	v54 =	vadd.f32 v16, v13;
	[tilespmem:s11+$0x15180] =	vst v4;
	s11 =	sor.u32 $0x440, s2;
	v55 =	vld [tilespmem:s9+$0x7180]  }
0x439: {  	v57 =	vor.u32 v18, v14;
	v2 =	vmul.f32 v5, v1;
	v62 =	vld [tilespmem:s11+$0x7180];
	v6 =	vmul.f32 v63, v0  }
0x43a: {  	v14 =	vor.u32 v19, v60;
	[tilespmem:s29+$0x15180] =	vst v54;
	v11 =	vld.idx.msk [tilespmem:v11+s17+$0x0], $0xffff  }
0x43b: {  	v8 =	vld.idx.msk [tilespmem:v8+s17+$0x0], $0xffff;
	v12 =	vmul.f32 v53, v0;
	v9 =	vmul.f32 v9, v1;
	v2 =	vadd.f32 v6, v2  }
0x43c: {  	s12 =	sor.u32 $0x440, s3;
	v14 =	vor.u32 v58, v14;
	v3 =	vmul.f32 v3, v0;
	v10 =	vmul.f32 v10, v1;
	v7 =	vld.idx.msk [tilespmem:v7+s17+$0x0], $0xffff  }
0x43d: {  	v61 =	vadd.s32 v23, v47;
	v51 =	vadd.s32 v31, v38;
	v63 =	vld [tilespmem:s12+$0x7180];
	v9 =	vadd.f32 v12, v9;
	[tilespmem:s30+$0x15180] =	vst v2  }
0x43e: {  	v52 =	vadd.s32 v23, v45;
	v6 =	vor.u32 v44, v61;
	v2 =	vadd.f32 v3, v10;
	v4 =	vld.idx.msk [tilespmem:v57+s17+$0x0], $0xffff;
	s10 =	rddreg [dreg:$0xa]  }
0x43f: {  	s19 =	sor.u32 $0x450, s1;
	v53 =	vmul.f32 v15, v1;
	v6 =	vor.u32 v58, v6;
	v3 =	vadd.s32 v23, v46;
	[tilespmem:s8+$0x15180] =	vst v9;
	v34 =	vld [tilespmem:s10+$0x7180]  }
0x440: {  	v5 =	vmul.f32 v62, v0;
	v13 =	vmul.f32 v55, v0;
	v3 =	vor.u32 v43, v3;
	[tilespmem:s31+$0x15180] =	vst v2;
	v57 =	vld [tilespmem:s19+$0x7180]  }
0x441: {  	s18 =	sor.u32 $0x450, s0;
	v55 =	vor.u32 v42, v52;
	v2 =	vmul.f32 v8, v1;
	v3 =	vor.u32 v58, v3;
	v14 =	vld.idx.msk [tilespmem:v14+s17+$0x0], $0xffff  }
0x442: {  	s21 =	sor.u32 $0x470, s13;
	v16 =	vor.u32 v35, v48;
	v62 =	vadd.s32 v50, v26;
	v15 =	vor.u32 v58, v55;
	v54 =	vld [tilespmem:s18+$0x7180]  }
0x443: {  	v61 =	vmul.f32 v11, v1;
	v58 =	vadd.f32 v13, v53;
	v13 =	vld [tilespmem:s21+$0x7180];
	v2 =	vadd.f32 v5, v2  }
0x444: {  	v11 =	vor.u32 v19, v62;
	v7 =	vmul.f32 v7, v1;
	v10 =	vmul.f32 v63, v0;
	v6 =	vld.idx.msk [tilespmem:v6+s17+$0x0], $0xffff  }
0x445: {  	v35 =	vadd.s32 v50, v47;
	v38 =	vor.u32 v18, v11;
	v8 =	vor.u32 v20, v51;
	v53 =	vld [tilespmem:s24+$0x7180];
	[tilespmem:s11+$0x15180] =	vst v2  }
0x446: {  	s20 =	sor.u32 $0x450, s2;
	v7 =	vadd.f32 v10, v7;
	v2 =	vor.u32 v29, v8;
	v3 =	vld.idx.msk [tilespmem:v3+s17+$0x0], $0xffff;
	v60 =	vmul.f32 v34, v0  }
0x447: {  	v9 =	vor.u32 v44, v35;
	[tilespmem:s9+$0x15180] =	vst v58;
	v63 =	vld [tilespmem:s20+$0x7180];
	v5 =	vmul.f32 v54, v0;
	v14 =	vmul.f32 v14, v1  }
0x448: {  	v9 =	vor.u32 v18, v9;
	[tilespmem:s12+$0x15180] =	vst v7;
	v7 =	vld [tilespmem:s14+$0x7180];
	v34 =	vadd.f32 v60, v61  }
0x449: {  	s22 =	sor.u32 $0x450, s3;
	v48 =	vld.idx.msk [tilespmem:v15+s17+$0x0], $0xffff;
	v17 =	vmul.f32 v57, v0;
	v6 =	vmul.f32 v6, v1;
	v5 =	vadd.f32 v5, v14  }
0x44a: {  	v51 =	vadd.s32 v50, v46;
	v52 =	vld [tilespmem:s22+$0x7180];
	v57 =	vor.u32 v29, v16;
	[tilespmem:s10+$0x15180] =	vst v34  }
0x44b: {  	v14 =	vor.u32 v43, v51;
	v54 =	vadd.f32 v17, v6;
	[tilespmem:s18+$0x15180] =	vst v5;
	v2 =	vld.idx.msk [tilespmem:v2+s17+$0x0], $0xffff  }
0x44c: {  	s23 =	sor.u32 $0x460, s0;
	v55 =	vor.u32 v18, v14;
	v12 =	vmul.f32 v63, v0;
	v3 =	vmul.f32 v3, v1;
	v10 =	vld.idx.msk [tilespmem:v38+s17+$0x0], $0xffff  }
0x44d: {  	v4 =	vmul.f32 v4, v1;
	v8 =	vmul.f32 v53, v0;
	[tilespmem:s19+$0x15180] =	vst v54;
	v60 =	vld [tilespmem:s23+$0x7180]  }
0x44e: {  	s25 =	sor.u32 $0x460, s1;
	v62 =	vadd.s32 v31, v26;
	v58 =	vadd.s32 v50, v45;
	v3 =	vadd.f32 v12, v3;
	v9 =	vld.idx.msk [tilespmem:v9+s17+$0x0], $0xffff  }
0x44f: {  	v4 =	vadd.f32 v8, v4;
	v11 =	vmul.f32 v48, v1;
	v15 =	vmul.f32 v52, v0;
	v61 =	vld [tilespmem:s25+$0x7180]  }
0x450: {  	v14 =	vld.idx.msk [tilespmem:v57+s17+$0x0], $0xffff;
	v12 =	vor.u32 v42, v58;
	[tilespmem:s20+$0x15180] =	vst v3;
	v3 =	vadd.s32 v31, v36  }
0x451: {  	s26 =	sor.u32 $0x460, s2;
	v11 =	vadd.f32 v15, v11;
	v12 =	vor.u32 v18, v12;
	v3 =	vor.u32 v37, v3;
	v6 =	vld.idx.msk [tilespmem:v55+s17+$0x0], $0xffff  }
0x452: {  	v35 =	vadd.s32 v31, v46;
	v16 =	vor.u32 v19, v62;
	[tilespmem:s24+$0x15180] =	vst v4;
	v63 =	vld [tilespmem:s26+$0x7180];
	v3 =	vor.u32 v29, v3  }
0x453: {  	s29 =	sor.u32 $0x460, s3;
	v16 =	vor.u32 v29, v16;
	v38 =	vld [tilespmem:s15+$0x7180];
	[tilespmem:s22+$0x15180] =	vst v11;
	v5 =	vmul.f32 v60, v0;
	v10 =	vmul.f32 v10, v1  }
0x454: {  	v34 =	vadd.s32 v31, v47;
	v36 =	vld [tilespmem:s29+$0x7180];
	v15 =	vmul.f32 v61, v0;
	v9 =	vmul.f32 v9, v1  }
0x455: {  	v8 =	vor.u32 v44, v34;
	v37 =	vld [tilespmem:s28+$0x7180];
	v5 =	vadd.f32 v5, v10;
	v10 =	vor.u32 v43, v35  }
0x456: {  	v8 =	vor.u32 v29, v8;
	v12 =	vld.idx.msk [tilespmem:v12+s17+$0x0], $0xffff;
	v10 =	vor.u32 v29, v10;
	v43 =	vadd.f32 v15, v9  }
0x457: {  	v11 =	vmul.f32 v63, v0;
	v6 =	vmul.f32 v6, v1;
	[tilespmem:s23+$0x15180] =	vst v5;
	v3 =	vld.idx.msk [tilespmem:v3+s17+$0x0], $0xffff  }
0x458: {  	s0 =	sor.u32 $0x470, s0;
	v46 =	vadd.s32 v31, v45;
	v44 =	vld.idx.msk [tilespmem:v16+s17+$0x0], $0xffff  }
0x459: {  	s1 =	sor.u32 $0x470, s1;
	v7 =	vmul.f32 v7, v0;
	v57 =	vmul.f32 v14, v1;
	[tilespmem:s25+$0x15180] =	vst v43;
	v48 =	vld [tilespmem:s0+$0x7180];
	v6 =	vadd.f32 v11, v6  }
0x45a: {  	v47 =	vor.u32 v42, v46;
	v2 =	vmul.f32 v2, v1;
	v51 =	vld [tilespmem:s1+$0x7180]  }
0x45b: {  	v7 =	vadd.f32 v7, v57;
	v4 =	vmul.f32 v37, v0;
	v8 =	vld.idx.msk [tilespmem:v8+s17+$0x0], $0xffff;
	[tilespmem:s26+$0x15180] =	vst v6  }
0x45c: {  	s2 =	sor.u32 $0x470, s2;
	v50 =	vmul.f32 v36, v0;
	v5 =	vor.u32 v29, v47;
	v12 =	vmul.f32 v12, v1;
	v10 =	vld.idx.msk [tilespmem:v10+s17+$0x0], $0xffff  }
0x45d: {  	v2 =	vadd.f32 v4, v2;
	v54 =	vld [tilespmem:s2+$0x7180]  }
0x45e: {  	v53 =	vmul.f32 v39, v1;
	v52 =	vmul.f32 v13, v0;
	[tilespmem:s14+$0x15180] =	vst v7;
	v12 =	vadd.f32 v50, v12  }
0x45f: {  	v58 =	vmul.f32 v38, v0;
	[tilespmem:s28+$0x15180] =	vst v2;
	v3 =	vmul.f32 v3, v1  }
0x460: {  	v11 =	vmul.f32 v48, v0;
	v9 =	vmul.f32 v44, v1;
	[tilespmem:s29+$0x15180] =	vst v12;
	v12 =	vadd.f32 v52, v53  }
0x461: {  	s3 =	sor.u32 $0x470, s3;
	v6 =	vmul.f32 v51, v0;
	v8 =	vmul.f32 v8, v1;
	v5 =	vld.idx.msk [tilespmem:v5+s17+$0x0], $0xffff;
	v2 =	vadd.f32 v58, v3  }
0x462: {  	v55 =	vld [tilespmem:s3+$0x7180];
	v61 =	vadd.f32 v11, v9;
	[tilespmem:s21+$0x15180] =	vst v12;
	v3 =	vmul.f32 v10, v1;
	v60 =	vmul.f32 v54, v0  }
0x463: {  	v63 =	vadd.f32 v6, v8;
	[tilespmem:s15+$0x15180] =	vst v2  }
0x464: {  	[tilespmem:s0+$0x15180] =	vst v61;
	v2 =	vadd.f32 v60, v3  }
0x465: {  	[tilespmem:s1+$0x15180] =	vst v63  }
0x466: {  	[tilespmem:s2+$0x15180] =	vst v2  }
0x467: {  	v3 =	vmul.f32 v55, v0;
	v62 =	vmul.f32 v5, v1;
	s0 =	sld [smem:$0x7F8]  }
.Ltmp4:
0x468: {  	_ = 	snop;
	(pc) =	sbr.rel @p1 .LBB2_8-.Ltmp4, $4  }
0x469: {  	v2 =	vadd.f32 v3, v62  }
0x46a: {  	s30 =	rddreg [dreg:$0x3];
	s0 =	sshll.u32 s0, $0x5  }
0x46b: {  	s6 =	simm.s32 $0x0;
	s31 =	simm.s32 $0x15180;
	[tilespmem:s3+$0x15180] =	vst v2;
	s0 =	sadd.s32 s30, s0  }
0x46c: {  	[hbm4b:s0+s6] =	stream.linear.scatter [tilespmem:s31], [sflag:$0x4], $0x7000, $0x38;
	[tilespmem:$0x1C180] =	vst v63  }
0x46d: {  	s1 =	sld [smem:$0x7FA]  }
0x46e: {  	s0 =	rddreg [dreg:$0x1f]  }
.Ltmp5:
0x46f: {  	s8 =	sld [smem:$0x7F9];
	(pc) =	sbr.rel .LBB2_2-.Ltmp5, $4  }
0x470: {  	s0 =	sadd.s32 s1, s0  }
0x471: {  	s31 =	rddreg [dreg:$0x0];
	s0 =	sshll.u32 s0, $0x5  }
0x472: {  	v12 =	vmovc v59;
	v13 =	vmovc v25;
	v14 =	vmov v56;
	v15 =	vmov v24;
	v16 =	vmov v49;
	s8 =	sadd.s32 $0x1, s8;
	s0 =	sadd.s32 s31, s0  }
0x473: {  	v17 =	vmovc v30;
	v20 =	vmovc v41;
	v11 =	vmov v28;
	v18 =	vmov v40;
	v4 =	vmov v31;
	v19 =	vld [tilespmem:$0x1FF30];
	[tilespmem:s17], [sflag:$0x2] =	stream.linear.gather [hbm4b:s0+s6], $0x7000, $0x38  }
.LBB2_9:
0x474: {  	_ =	sfence.sel $0x180000  }
0x475: {  	[bflag:$0x0] =	sbarrier.arrive $0xFFFF  }
0x476: {  	_ =	strace $0x90000047  }
0x477: {  	s0 =	stileid.u32;
	[bflag:$0x2] =	sbarrier.arrive $0xFFFF  }
0x478: {  	p0 =	sne.s32 s0, $0x0;
	s0 =	rddreg [dreg:$0x4]  }
0x479: {  	s0 =	sadd.s32 @!p0 $0x100000, s0  }
0x47a: {  	[sflag:s0] =	ssyncadd.tile.s32 @!p0 $0x1;
	_ =	shalt  }
.Lfunc_end2:
_tile_overlayer_lowered:
.L_overlay_start_2:
0x47b: {  	(tag) =	ssettag $0x2  }
0x47c: {  	s0 =	rddreg [dreg:$0x0];
	s2 =	stileid.u32  }
0x47d: {  	s1 =	rddreg [dreg:$0x1];
	p0 =	sne.s32 s2, $0x0  }
0x47e: {  	s3 =	rddreg [dreg:$0x2];
	[bflag:$0x3] =	sbarrier.arrive $0xFFFF;
	s2 =	simm.s32 @!p0 $0x1C05  }
0x47f: {  	[timem:s3], [sflag:s2] =	dma.local @!p0 [hbm:s0], s1  }
0x480: {  	s0 =	simm.s32 @!p0 $0x5  }
0x481: {  	_ =	swait.ge @!p0 [sflag:s0], s1  }
0x482: {  	s1 =	ssub.s32 @!p0 $0x0, s1;
	[sflag:s0] =	ssyncset.done @!p0 $0x0  }
0x483: {  	[sflag:s0] =	ssyncadd.s32 @!p0 s1  }
0x484: {  	[bflag:$0x3] =	sbarrier.arrive $0xFFFF  }
0x485: {  	_ =	shalt  }

</sc_bundles>
